<compile_context>
chip_gen: v7x
topology: tpu7x:2x2x1
jax: 0.10.2.dev20260603
libtpu: 0.0.44.dev20260713+nightly
codegen_flags: <defaults>
</compile_context>

<pallas_src>
import jax
import jax.numpy as jnp
from jax import lax
from jax.experimental import pallas as pl
from jax.experimental.pallas import tpu as pltpu
from jax.experimental.pallas import tpu_sc as plsc

_EPS = 1e-5
_NC, _NS, _LANES = 2, 16, 16
_NW = _NC * _NS
_GROUP = 128
_GPC = 2
_CHUNK = _GROUP * _GPC
_NBUF = 2
_D = 64


def _layernorm_chunk(in_ref, out_ref, g_ref, b_ref):
  inv_d = jnp.float32(1.0 / _D)
  nv = _D // _LANES
  gs = [g_ref[pl.ds(k * _LANES, _LANES)] for k in range(nv)]
  bs = [b_ref[pl.ds(k * _LANES, _LANES)] for k in range(nv)]

  @plsc.parallel_loop(0, _CHUNK, 1, unroll=8)
  def _row(r):
    xs = [in_ref[r, pl.ds(k * _LANES, _LANES)] for k in range(nv)]
    tot = jnp.sum((xs[0] + xs[1]) + (xs[2] + xs[3]))
    mean = tot * inv_d
    ds = [x - mean for x in xs]
    q = (ds[0] * ds[0] + ds[1] * ds[1]) + (ds[2] * ds[2] + ds[3] * ds[3])
    v0 = jnp.sum(q) * inv_d + jnp.float32(_EPS)
    y = lax.bitcast_convert_type(
        jnp.int32(0x5F3759DF) - (lax.bitcast_convert_type(v0, jnp.int32) >> 1),
        jnp.float32)
    half_v = jnp.float32(0.5) * v0
    for _ in range(3):
      y = y * (jnp.float32(1.5) - half_v * y * y)
    for k in range(nv):
      out_ref[r, pl.ds(k * _LANES, _LANES)] = ds[k] * y * gs[k] + bs[k]


def _sc_body(x_hbm, table_hbm, gamma_hbm, beta_hbm, out_hbm,
             idx_v0, idx_v1, in_v0, in_v1, out_v0, out_v1, g_v, b_v,
             gsem0, gsem1, osem0, osem1, isem0, isem1):
  idx_vs = (idx_v0, idx_v1)
  in_vs = (in_v0, in_v1)
  out_vs = (out_v0, out_v1)
  gsems = (gsem0, gsem1)
  osems = (osem0, osem1)
  isems = (isem0, isem1)

  n_groups_total = x_hbm.shape[0]
  gp_tile = n_groups_total // _NW
  n_chunks = gp_tile // _GPC
  rows_tile = gp_tile * _GROUP

  wid = lax.axis_index("s") * _NC + lax.axis_index("c")
  g_base = wid * gp_tile
  r_base = wid * rows_tile

  pltpu.sync_copy(gamma_hbm, g_v)
  pltpu.sync_copy(beta_hbm, b_v)

  def idx_copy(g, b):
    return pltpu.make_async_copy(
        x_hbm.at[pl.ds(g_base + g * _GPC, _GPC)], idx_vs[b], isems[b])

  def gather_copy(b, j):
    return pltpu.make_async_copy(
        table_hbm.at[idx_vs[b].at[j]],
        in_vs[b].at[pl.ds(j * _GROUP, _GROUP), :], gsems[b])

  def out_copy(g, b):
    return pltpu.make_async_copy(
        out_vs[b], out_hbm.at[pl.ds(r_base + g * _CHUNK, _CHUNK)], osems[b])

  for b in range(_NBUF):
    idx_copy(b, b).start()
    idx_copy(b, b).wait()
    for j in range(_GPC):
      gather_copy(b, j).start()

  @pl.loop(0, n_chunks, step=_NBUF)
  def _chunks(g0):
    for b in range(_NBUF):
      g = g0 + b
      nxt = g + _NBUF
      for j in range(_GPC):
        gather_copy(b, j).wait()

      @pl.when(nxt < n_chunks)
      def _prefetch_idx():
        idx_copy(nxt, b).start()

      @pl.when(g >= _NBUF)
      def _drain_out():
        out_copy(g - _NBUF, b).wait()

      _layernorm_chunk(in_vs[b], out_vs[b], g_v, b_v)
      out_copy(g, b).start()

      @pl.when(nxt < n_chunks)
      def _fire_gathers():
        idx_copy(nxt, b).wait()
        for j in range(_GPC):
          gather_copy(b, j).start()

  for b in range(_NBUF):
    out_copy(n_chunks - _NBUF + b, b).wait()


def kernel(x, table, gamma, beta):
  batch, seq = x.shape
  n = batch * seq
  d = table.shape[1]
  x2 = x.reshape(n // _GROUP, _GROUP).astype(jnp.int32)

  mesh = plsc.VectorSubcoreMesh(core_axis_name="c", subcore_axis_name="s")
  run = pl.kernel(
      _sc_body,
      out_type=jax.ShapeDtypeStruct((n, d), jnp.float32),
      mesh=mesh,
      compiler_params=pltpu.CompilerParams(
          needs_layout_passes=False, use_tc_tiling_on_sc=False),
      scratch_types=[
          pltpu.VMEM((_GPC, _GROUP), jnp.int32),
          pltpu.VMEM((_GPC, _GROUP), jnp.int32),
          pltpu.VMEM((_CHUNK, _D), jnp.float32),
          pltpu.VMEM((_CHUNK, _D), jnp.float32),
          pltpu.VMEM((_CHUNK, _D), jnp.float32),
          pltpu.VMEM((_CHUNK, _D), jnp.float32),
          pltpu.VMEM((_D,), jnp.float32),
          pltpu.VMEM((_D,), jnp.float32),
          pltpu.SemaphoreType.DMA,
          pltpu.SemaphoreType.DMA,
          pltpu.SemaphoreType.DMA,
          pltpu.SemaphoreType.DMA,
          pltpu.SemaphoreType.DMA,
          pltpu.SemaphoreType.DMA,
      ],
  )
  out = run(x2, table, gamma, beta)
  return out.reshape(batch, seq, d)

# --- scband reference (transcript-rebuilt; emitter-appended) ---
"""Pipeline reference for scband-gene-encoder-13142599925874 (READ-ONLY COPY).

The authoritative reference and input builder live on the scoring server;
editing this copy changes nothing except your own understanding.
"""

import jax, jax.numpy as jnp
import numpy as np

NUM_EMBEDDINGS = 1000000
EMBEDDING_DIM = 64
BATCH = 4096
SEQ = 200
EPS = 1e-5


def setup_inputs(seed: int = 0) -> dict:
    key = jax.random.key(seed)
    k1, k2 = jax.random.split(key, 2)
    x = jax.random.randint(k1, (BATCH, SEQ), 0, NUM_EMBEDDINGS, dtype=jnp.int64 if jax.config.read('jax_enable_x64') else jnp.int32)
    table = jax.random.normal(k2, (NUM_EMBEDDINGS, EMBEDDING_DIM), dtype=jnp.float32)
    gamma = jnp.ones((EMBEDDING_DIM,), dtype=jnp.float32)
    beta = jnp.zeros((EMBEDDING_DIM,), dtype=jnp.float32)
    return {"x": x, "table": table, "gamma": gamma, "beta": beta}


def reference(x, table, gamma, beta):
    # embedding lookup (gather)
    emb = jnp.take(table, x, axis=0)  # [B, S, D]
    # LayerNorm over last dim
    mean = jnp.mean(emb, axis=-1, keepdims=True)
    var = jnp.mean(jnp.square(emb - mean), axis=-1, keepdims=True)
    normed = (emb - mean) / jnp.sqrt(var + EPS)
    out = normed * gamma + beta
    return out

if __name__ == "__main__":
    import jax
    _d = setup_inputs()
    print(jax.jit(kernel)(*tuple(_d.values())))

</pallas_src>

<mosaic_0001>
#map = affine_map<(d0, d1) -> (0, 0)>
#map1 = affine_map<(d0, d1) -> (0)>
module attributes {stable_mosaic.version = 14 : i64} {
  func.func @_sc_body(%arg0: i32, %arg1: i32, %arg2: memref<6400x128xi32, #tpu.memory_space<hbm>>, %arg3: memref<1000000x64xf32, #tpu.memory_space<hbm>>, %arg4: memref<64xf32, #tpu.memory_space<hbm>>, %arg5: memref<64xf32, #tpu.memory_space<hbm>>, %arg6: memref<819200x64xf32, #tpu.memory_space<hbm>>, %arg7: memref<2x128xi32, #tpu.memory_space<vmem>>, %arg8: memref<2x128xi32, #tpu.memory_space<vmem>>, %arg9: memref<256x64xf32, #tpu.memory_space<vmem>>, %arg10: memref<256x64xf32, #tpu.memory_space<vmem>>, %arg11: memref<256x64xf32, #tpu.memory_space<vmem>>, %arg12: memref<256x64xf32, #tpu.memory_space<vmem>>, %arg13: memref<64xf32, #tpu.memory_space<vmem>>, %arg14: memref<64xf32, #tpu.memory_space<vmem>>, %arg15: memref<!tpu.dma_semaphore, #tpu.memory_space<semaphore_mem>>, %arg16: memref<!tpu.dma_semaphore, #tpu.memory_space<semaphore_mem>>, %arg17: memref<!tpu.dma_semaphore, #tpu.memory_space<semaphore_mem>>, %arg18: memref<!tpu.dma_semaphore, #tpu.memory_space<semaphore_mem>>, %arg19: memref<!tpu.dma_semaphore, #tpu.memory_space<semaphore_mem>>, %arg20: memref<!tpu.dma_semaphore, #tpu.memory_space<semaphore_mem>>) attributes {dimension_semantics = [#tpu.dimension_semantics<core_parallel>, #tpu.dimension_semantics<subcore_parallel>], iteration_bounds = array<i64: 2, 16>, scalar_prefetch = 0 : i64, scratch_operands = 14 : i64, tpu.core_type = #tpu.core_type<sc_vector_subcore>, window_params = [{transform_indices = #map}, {transform_indices = #map}, {transform_indices = #map1}, {transform_indices = #map1}, {transform_indices = #map}]} {
    %mul3A = arith.constant 2 : i32
    %mul3A_0 = arith.muli %arg1, %mul3A : i32
    %add3A = arith.addi %mul3A_0, %arg0 : i32
    %mul3A_1 = arith.constant 200 : i32
    %mul3A_2 = arith.muli %add3A, %mul3A_1 : i32
    %mul3A_3 = arith.constant 25600 : i32
    %mul3A_4 = arith.muli %add3A, %mul3A_3 : i32
    "tpu.region"() ({
      %run_scoped3A = tpu.sem_alloc : memref<!tpu.dma_semaphore, #tpu.memory_space<semaphore_mem>>
      tpu.enqueue_dma source(%arg4 : memref<64xf32, #tpu.memory_space<hbm>>) target(%arg13 : memref<64xf32, #tpu.memory_space<vmem>>) target_semaphore(%run_scoped3A : memref<!tpu.dma_semaphore, #tpu.memory_space<semaphore_mem>>)
      tpu.wait_dma2 semaphore(%run_scoped3A : memref<!tpu.dma_semaphore, #tpu.memory_space<semaphore_mem>>) src(%arg4 : memref<64xf32, #tpu.memory_space<hbm>>) dst(%arg13 : memref<64xf32, #tpu.memory_space<vmem>>)
      tpu.yield
    }) : () -> ()
    "tpu.region"() ({
      %run_scoped3A = tpu.sem_alloc : memref<!tpu.dma_semaphore, #tpu.memory_space<semaphore_mem>>
      tpu.enqueue_dma source(%arg5 : memref<64xf32, #tpu.memory_space<hbm>>) target(%arg14 : memref<64xf32, #tpu.memory_space<vmem>>) target_semaphore(%run_scoped3A : memref<!tpu.dma_semaphore, #tpu.memory_space<semaphore_mem>>)
      tpu.wait_dma2 semaphore(%run_scoped3A : memref<!tpu.dma_semaphore, #tpu.memory_space<semaphore_mem>>) src(%arg5 : memref<64xf32, #tpu.memory_space<hbm>>) dst(%arg14 : memref<64xf32, #tpu.memory_space<vmem>>)
      tpu.yield
    }) : () -> ()
    %add3A_5 = arith.constant 0 : i32
    %add3A_6 = arith.addi %mul3A_2, %add3A_5 : i32
    %dma_start3A = arith.constant 0 : i32
    %dma_start3A_7 = tpu.memref_slice %arg2[%add3A_6, %dma_start3A] : memref<6400x128xi32, #tpu.memory_space<hbm>> -> memref<2x128xi32, #tpu.memory_space<hbm>>
    %dma_start3A_8 = arith.constant 0 : i32
    %dma_start3A_9 = tpu.memref_slice %arg2[%add3A_6, %dma_start3A_8] : memref<6400x128xi32, #tpu.memory_space<hbm>> -> memref<2x128xi32, #tpu.memory_space<hbm>>
    tpu.enqueue_dma source(%dma_start3A_9 : memref<2x128xi32, #tpu.memory_space<hbm>>) target(%arg7 : memref<2x128xi32, #tpu.memory_space<vmem>>) target_semaphore(%arg19 : memref<!tpu.dma_semaphore, #tpu.memory_space<semaphore_mem>>)
    %add3A_10 = arith.constant 0 : i32
    %add3A_11 = arith.addi %mul3A_2, %add3A_10 : i32
    %dma_wait3A = arith.constant 0 : i32
    %dma_wait3A_12 = tpu.memref_slice %arg2[%add3A_11, %dma_wait3A] : memref<6400x128xi32, #tpu.memory_space<hbm>> -> memref<2x128xi32, #tpu.memory_space<hbm>>
    %dma_wait3A_13 = arith.constant 0 : i32
    %dma_wait3A_14 = tpu.memref_slice %arg2[%add3A_11, %dma_wait3A_13] : memref<6400x128xi32, #tpu.memory_space<hbm>> -> memref<2x128xi32, #tpu.memory_space<hbm>>
    tpu.wait_dma2 semaphore(%arg19 : memref<!tpu.dma_semaphore, #tpu.memory_space<semaphore_mem>>) src(%dma_wait3A_14 : memref<2x128xi32, #tpu.memory_space<hbm>>) dst(%arg7 : memref<2x128xi32, #tpu.memory_space<vmem>>)
    %dma_start3A_15 = arith.constant 0 : i32
    %dma_start3A_16 = arith.constant 0 : i32
    %dma_start3A_17 = arith.constant 0 : i32
    %dma_start3A_18 = tpu.memref_slice %arg9[%dma_start3A_16, %dma_start3A_17] : memref<256x64xf32, #tpu.memory_space<vmem>> -> memref<128x64xf32, #tpu.memory_space<vmem>>
    %dma_start3A_19 = arith.constant 0 : i32
    %dma_start3A_20 = tpu.memref_slice %arg7[%dma_start3A_15, %dma_start3A_19] : memref<2x128xi32, #tpu.memory_space<vmem>> -> memref<1x128xi32, #tpu.memory_space<vmem>>
    %dma_start3A_21 = tpu.memref_squeeze %dma_start3A_20 : memref<1x128xi32, #tpu.memory_space<vmem>> -> memref<128xi32, #tpu.memory_space<vmem>>
    %dma_start3A_22 = arith.constant 0 : i32
    %dma_start3A_23 = arith.constant 0 : i32
    %dma_start3A_24 = tpu.memref_slice %arg3[%dma_start3A_22, %dma_start3A_23] : memref<1000000x64xf32, #tpu.memory_space<hbm>> -> memref<1000000x64xf32, #tpu.memory_space<hbm>>
    tpu.enqueue_indirect_dma source(%dma_start3A_24 : memref<1000000x64xf32, #tpu.memory_space<hbm>>) target(%dma_start3A_18 : memref<128x64xf32, #tpu.memory_space<vmem>>) offsets(%dma_start3A_21 : memref<128xi32, #tpu.memory_space<vmem>>) semaphore(%arg15 : memref<!tpu.dma_semaphore, #tpu.memory_space<semaphore_mem>>)
    %dma_start3A_25 = arith.constant 1 : i32
    %dma_start3A_26 = arith.constant 128 : i32
    %dma_start3A_27 = arith.constant 0 : i32
    %dma_start3A_28 = tpu.memref_slice %arg9[%dma_start3A_26, %dma_start3A_27] : memref<256x64xf32, #tpu.memory_space<vmem>> -> memref<128x64xf32, #tpu.memory_space<vmem>>
    %dma_start3A_29 = arith.constant 0 : i32
    %dma_start3A_30 = tpu.memref_slice %arg7[%dma_start3A_25, %dma_start3A_29] : memref<2x128xi32, #tpu.memory_space<vmem>> -> memref<1x128xi32, #tpu.memory_space<vmem>>
    %dma_start3A_31 = tpu.memref_squeeze %dma_start3A_30 : memref<1x128xi32, #tpu.memory_space<vmem>> -> memref<128xi32, #tpu.memory_space<vmem>>
    %dma_start3A_32 = arith.constant 0 : i32
    %dma_start3A_33 = arith.constant 0 : i32
    %dma_start3A_34 = tpu.memref_slice %arg3[%dma_start3A_32, %dma_start3A_33] : memref<1000000x64xf32, #tpu.memory_space<hbm>> -> memref<1000000x64xf32, #tpu.memory_space<hbm>>
    tpu.enqueue_indirect_dma source(%dma_start3A_34 : memref<1000000x64xf32, #tpu.memory_space<hbm>>) target(%dma_start3A_28 : memref<128x64xf32, #tpu.memory_space<vmem>>) offsets(%dma_start3A_31 : memref<128xi32, #tpu.memory_space<vmem>>) semaphore(%arg15 : memref<!tpu.dma_semaphore, #tpu.memory_space<semaphore_mem>>)
    %add3A_35 = arith.constant 2 : i32
    %add3A_36 = arith.addi %mul3A_2, %add3A_35 : i32
    %dma_start3A_37 = arith.constant 0 : i32
    %dma_start3A_38 = tpu.memref_slice %arg2[%add3A_36, %dma_start3A_37] : memref<6400x128xi32, #tpu.memory_space<hbm>> -> memref<2x128xi32, #tpu.memory_space<hbm>>
    %dma_start3A_39 = arith.constant 0 : i32
    %dma_start3A_40 = tpu.memref_slice %arg2[%add3A_36, %dma_start3A_39] : memref<6400x128xi32, #tpu.memory_space<hbm>> -> memref<2x128xi32, #tpu.memory_space<hbm>>
    tpu.enqueue_dma source(%dma_start3A_40 : memref<2x128xi32, #tpu.memory_space<hbm>>) target(%arg8 : memref<2x128xi32, #tpu.memory_space<vmem>>) target_semaphore(%arg20 : memref<!tpu.dma_semaphore, #tpu.memory_space<semaphore_mem>>)
    %add3A_41 = arith.constant 2 : i32
    %add3A_42 = arith.addi %mul3A_2, %add3A_41 : i32
    %dma_wait3A_43 = arith.constant 0 : i32
    %dma_wait3A_44 = tpu.memref_slice %arg2[%add3A_42, %dma_wait3A_43] : memref<6400x128xi32, #tpu.memory_space<hbm>> -> memref<2x128xi32, #tpu.memory_space<hbm>>
    %dma_wait3A_45 = arith.constant 0 : i32
    %dma_wait3A_46 = tpu.memref_slice %arg2[%add3A_42, %dma_wait3A_45] : memref<6400x128xi32, #tpu.memory_space<hbm>> -> memref<2x128xi32, #tpu.memory_space<hbm>>
    tpu.wait_dma2 semaphore(%arg20 : memref<!tpu.dma_semaphore, #tpu.memory_space<semaphore_mem>>) src(%dma_wait3A_46 : memref<2x128xi32, #tpu.memory_space<hbm>>) dst(%arg8 : memref<2x128xi32, #tpu.memory_space<vmem>>)
    %dma_start3A_47 = arith.constant 0 : i32
    %dma_start3A_48 = arith.constant 0 : i32
    %dma_start3A_49 = arith.constant 0 : i32
    %dma_start3A_50 = tpu.memref_slice %arg10[%dma_start3A_48, %dma_start3A_49] : memref<256x64xf32, #tpu.memory_space<vmem>> -> memref<128x64xf32, #tpu.memory_space<vmem>>
    %dma_start3A_51 = arith.constant 0 : i32
    %dma_start3A_52 = tpu.memref_slice %arg8[%dma_start3A_47, %dma_start3A_51] : memref<2x128xi32, #tpu.memory_space<vmem>> -> memref<1x128xi32, #tpu.memory_space<vmem>>
    %dma_start3A_53 = tpu.memref_squeeze %dma_start3A_52 : memref<1x128xi32, #tpu.memory_space<vmem>> -> memref<128xi32, #tpu.memory_space<vmem>>
    %dma_start3A_54 = arith.constant 0 : i32
    %dma_start3A_55 = arith.constant 0 : i32
    %dma_start3A_56 = tpu.memref_slice %arg3[%dma_start3A_54, %dma_start3A_55] : memref<1000000x64xf32, #tpu.memory_space<hbm>> -> memref<1000000x64xf32, #tpu.memory_space<hbm>>
    tpu.enqueue_indirect_dma source(%dma_start3A_56 : memref<1000000x64xf32, #tpu.memory_space<hbm>>) target(%dma_start3A_50 : memref<128x64xf32, #tpu.memory_space<vmem>>) offsets(%dma_start3A_53 : memref<128xi32, #tpu.memory_space<vmem>>) semaphore(%arg16 : memref<!tpu.dma_semaphore, #tpu.memory_space<semaphore_mem>>)
    %dma_start3A_57 = arith.constant 1 : i32
    %dma_start3A_58 = arith.constant 128 : i32
    %dma_start3A_59 = arith.constant 0 : i32
    %dma_start3A_60 = tpu.memref_slice %arg10[%dma_start3A_58, %dma_start3A_59] : memref<256x64xf32, #tpu.memory_space<vmem>> -> memref<128x64xf32, #tpu.memory_space<vmem>>
    %dma_start3A_61 = arith.constant 0 : i32
    %dma_start3A_62 = tpu.memref_slice %arg8[%dma_start3A_57, %dma_start3A_61] : memref<2x128xi32, #tpu.memory_space<vmem>> -> memref<1x128xi32, #tpu.memory_space<vmem>>
    %dma_start3A_63 = tpu.memref_squeeze %dma_start3A_62 : memref<1x128xi32, #tpu.memory_space<vmem>> -> memref<128xi32, #tpu.memory_space<vmem>>
    %dma_start3A_64 = arith.constant 0 : i32
    %dma_start3A_65 = arith.constant 0 : i32
    %dma_start3A_66 = tpu.memref_slice %arg3[%dma_start3A_64, %dma_start3A_65] : memref<1000000x64xf32, #tpu.memory_space<hbm>> -> memref<1000000x64xf32, #tpu.memory_space<hbm>>
    tpu.enqueue_indirect_dma source(%dma_start3A_66 : memref<1000000x64xf32, #tpu.memory_space<hbm>>) target(%dma_start3A_60 : memref<128x64xf32, #tpu.memory_space<vmem>>) offsets(%dma_start3A_63 : memref<128xi32, #tpu.memory_space<vmem>>) semaphore(%arg16 : memref<!tpu.dma_semaphore, #tpu.memory_space<semaphore_mem>>)
    %scan3A = arith.constant 0 : i32
    %scan3A_67 = arith.constant 50 : i32
    %scan3A_68 = arith.addi %scan3A, %scan3A_67 : i32
    %scan3A_69 = arith.constant 1 : i32
    scf.for %scan3A_83 = %scan3A to %scan3A_68 step %scan3A_69  : i32 {
      %mul3A_84 = arith.constant 2 : i32
      %mul3A_85 = arith.muli %scan3A_83, %mul3A_84 : i32
      %add3A_86 = arith.constant 0 : i32
      %add3A_87 = arith.addi %add3A_86, %mul3A_85 : i32
      %add3A_88 = arith.constant 0 : i32
      %add3A_89 = arith.addi %add3A_87, %add3A_88 : i32
      %add3A_90 = arith.constant 2 : i32
      %add3A_91 = arith.addi %add3A_89, %add3A_90 : i32
      %dma_wait3A_92 = arith.constant 0 : i32
      %dma_wait3A_93 = arith.constant 0 : i32
      %dma_wait3A_94 = arith.constant 0 : i32
      %dma_wait3A_95 = tpu.memref_slice %arg9[%dma_wait3A_93, %dma_wait3A_94] : memref<256x64xf32, #tpu.memory_space<vmem>> -> memref<128x64xf32, #tpu.memory_space<vmem>>
      %dma_wait3A_96 = arith.constant 0 : i32
      %dma_wait3A_97 = tpu.memref_slice %arg7[%dma_wait3A_92, %dma_wait3A_96] : memref<2x128xi32, #tpu.memory_space<vmem>> -> memref<1x128xi32, #tpu.memory_space<vmem>>
      %dma_wait3A_98 = tpu.memref_squeeze %dma_wait3A_97 : memref<1x128xi32, #tpu.memory_space<vmem>> -> memref<128xi32, #tpu.memory_space<vmem>>
      %dma_wait3A_99 = arith.constant 0 : i32
      %dma_wait3A_100 = arith.constant 0 : i32
      %dma_wait3A_101 = tpu.memref_slice %arg3[%dma_wait3A_99, %dma_wait3A_100] : memref<1000000x64xf32, #tpu.memory_space<hbm>> -> memref<1000000x64xf32, #tpu.memory_space<hbm>>
      tpu.wait_indirect_dma semaphore(%arg15 : memref<!tpu.dma_semaphore, #tpu.memory_space<semaphore_mem>>) src(%dma_wait3A_101 : memref<1000000x64xf32, #tpu.memory_space<hbm>>) dst(%dma_wait3A_95 : memref<128x64xf32, #tpu.memory_space<vmem>>)
      %dma_wait3A_102 = arith.constant 1 : i32
      %dma_wait3A_103 = arith.constant 128 : i32
      %dma_wait3A_104 = arith.constant 0 : i32
      %dma_wait3A_105 = tpu.memref_slice %arg9[%dma_wait3A_103, %dma_wait3A_104] : memref<256x64xf32, #tpu.memory_space<vmem>> -> memref<128x64xf32, #tpu.memory_space<vmem>>
      %dma_wait3A_106 = arith.constant 0 : i32
      %dma_wait3A_107 = tpu.memref_slice %arg7[%dma_wait3A_102, %dma_wait3A_106] : memref<2x128xi32, #tpu.memory_space<vmem>> -> memref<1x128xi32, #tpu.memory_space<vmem>>
      %dma_wait3A_108 = tpu.memref_squeeze %dma_wait3A_107 : memref<1x128xi32, #tpu.memory_space<vmem>> -> memref<128xi32, #tpu.memory_space<vmem>>
      %dma_wait3A_109 = arith.constant 0 : i32
      %dma_wait3A_110 = arith.constant 0 : i32
      %dma_wait3A_111 = tpu.memref_slice %arg3[%dma_wait3A_109, %dma_wait3A_110] : memref<1000000x64xf32, #tpu.memory_space<hbm>> -> memref<1000000x64xf32, #tpu.memory_space<hbm>>
      tpu.wait_indirect_dma semaphore(%arg15 : memref<!tpu.dma_semaphore, #tpu.memory_space<semaphore_mem>>) src(%dma_wait3A_111 : memref<1000000x64xf32, #tpu.memory_space<hbm>>) dst(%dma_wait3A_105 : memref<128x64xf32, #tpu.memory_space<vmem>>)
      %lt3A = arith.constant 100 : i32
      %lt3A_112 = arith.cmpi slt, %add3A_91, %lt3A : i32
      %convert_element_type3A = arith.extui %lt3A_112 : i1 to i32
      %cond3A = arith.constant 0 : i32
      %cond3A_113 = arith.cmpi ne, %convert_element_type3A, %cond3A : i32
      scf.if %cond3A_113 {
        %mul3A_214 = arith.constant 2 : i32
        %mul3A_215 = arith.muli %add3A_91, %mul3A_214 : i32
        %add3A_216 = arith.addi %mul3A_2, %mul3A_215 : i32
        %dma_start3A_217 = arith.constant 0 : i32
        %dma_start3A_218 = tpu.memref_slice %arg2[%add3A_216, %dma_start3A_217] : memref<6400x128xi32, #tpu.memory_space<hbm>> -> memref<2x128xi32, #tpu.memory_space<hbm>>
        %dma_start3A_219 = arith.constant 0 : i32
        %dma_start3A_220 = tpu.memref_slice %arg2[%add3A_216, %dma_start3A_219] : memref<6400x128xi32, #tpu.memory_space<hbm>> -> memref<2x128xi32, #tpu.memory_space<hbm>>
        tpu.enqueue_dma source(%dma_start3A_220 : memref<2x128xi32, #tpu.memory_space<hbm>>) target(%arg7 : memref<2x128xi32, #tpu.memory_space<vmem>>) target_semaphore(%arg19 : memref<!tpu.dma_semaphore, #tpu.memory_space<semaphore_mem>>)
      } else {
      }
      %ge3A = arith.constant 2 : i32
      %ge3A_114 = arith.cmpi sge, %add3A_89, %ge3A : i32
      %convert_element_type3A_115 = arith.extui %ge3A_114 : i1 to i32
      %cond3A_116 = arith.constant 0 : i32
      %cond3A_117 = arith.cmpi ne, %convert_element_type3A_115, %cond3A_116 : i32
      scf.if %cond3A_117 {
        %sub3A = arith.constant 2 : i32
        %sub3A_214 = arith.subi %add3A_89, %sub3A : i32
        %mul3A_215 = arith.constant 256 : i32
        %mul3A_216 = arith.muli %sub3A_214, %mul3A_215 : i32
        %add3A_217 = arith.addi %mul3A_4, %mul3A_216 : i32
        %dma_wait3A_218 = arith.constant 0 : i32
        %dma_wait3A_219 = tpu.memref_slice %arg6[%add3A_217, %dma_wait3A_218] : memref<819200x64xf32, #tpu.memory_space<hbm>> -> memref<256x64xf32, #tpu.memory_space<hbm>>
        %dma_wait3A_220 = arith.constant 0 : i32
        %dma_wait3A_221 = tpu.memref_slice %arg6[%add3A_217, %dma_wait3A_220] : memref<819200x64xf32, #tpu.memory_space<hbm>> -> memref<256x64xf32, #tpu.memory_space<hbm>>
        tpu.wait_dma2 semaphore(%arg17 : memref<!tpu.dma_semaphore, #tpu.memory_space<semaphore_mem>>) src(%arg11 : memref<256x64xf32, #tpu.memory_space<vmem>>) dst(%dma_wait3A_221 : memref<256x64xf32, #tpu.memory_space<hbm>>)
      } else {
      }
      %get3A = arith.constant 0 : index
      %get3A_118 = tpu.vector_load %arg13[%get3A] {strides = array<i32>} : memref<64xf32, #tpu.memory_space<vmem>>, vector<16xf32>,
      %get3A_119 = arith.constant 16 : index
      %get3A_120 = tpu.vector_load %arg13[%get3A_119] {strides = array<i32>} : memref<64xf32, #tpu.memory_space<vmem>>, vector<16xf32>,
      %get3A_121 = arith.constant 32 : index
      %get3A_122 = tpu.vector_load %arg13[%get3A_121] {strides = array<i32>} : memref<64xf32, #tpu.memory_space<vmem>>, vector<16xf32>,
      %get3A_123 = arith.constant 48 : index
      %get3A_124 = tpu.vector_load %arg13[%get3A_123] {strides = array<i32>} : memref<64xf32, #tpu.memory_space<vmem>>, vector<16xf32>,
      %get3A_125 = arith.constant 0 : index
      %get3A_126 = tpu.vector_load %arg14[%get3A_125] {strides = array<i32>} : memref<64xf32, #tpu.memory_space<vmem>>, vector<16xf32>,
      %get3A_127 = arith.constant 16 : index
      %get3A_128 = tpu.vector_load %arg14[%get3A_127] {strides = array<i32>} : memref<64xf32, #tpu.memory_space<vmem>>, vector<16xf32>,
      %get3A_129 = arith.constant 32 : index
      %get3A_130 = tpu.vector_load %arg14[%get3A_129] {strides = array<i32>} : memref<64xf32, #tpu.memory_space<vmem>>, vector<16xf32>,
      %get3A_131 = arith.constant 48 : index
      %get3A_132 = tpu.vector_load %arg14[%get3A_131] {strides = array<i32>} : memref<64xf32, #tpu.memory_space<vmem>>, vector<16xf32>,
      %parallel_loop3A = arith.constant 0 : i32
      %parallel_loop3A_133 = arith.constant 256 : i32
      %parallel_loop3A_134 = arith.constant 1 : i32
      %parallel_loop3A_135 = arith.constant 1.562500e-02 : f32
      scf.for %parallel_loop3A_214 = %parallel_loop3A to %parallel_loop3A_133 step %parallel_loop3A_134  : i32 {
        %parallel_loop3A_215 = arith.index_cast %parallel_loop3A_214 : i32 to index
        %parallel_loop3A_216 = arith.constant 0 : index
        %parallel_loop3A_217 = tpu.vector_load %arg9[%parallel_loop3A_215, %parallel_loop3A_216] {strides = array<i32>} : memref<256x64xf32, #tpu.memory_space<vmem>>, vector<16xf32>,
        %parallel_loop3A_218 = arith.index_cast %parallel_loop3A_214 : i32 to index
        %parallel_loop3A_219 = arith.constant 16 : index
        %parallel_loop3A_220 = tpu.vector_load %arg9[%parallel_loop3A_218, %parallel_loop3A_219] {strides = array<i32>} : memref<256x64xf32, #tpu.memory_space<vmem>>, vector<16xf32>,
        %parallel_loop3A_221 = arith.index_cast %parallel_loop3A_214 : i32 to index
        %parallel_loop3A_222 = arith.constant 32 : index
        %parallel_loop3A_223 = tpu.vector_load %arg9[%parallel_loop3A_221, %parallel_loop3A_222] {strides = array<i32>} : memref<256x64xf32, #tpu.memory_space<vmem>>, vector<16xf32>,
        %parallel_loop3A_224 = arith.index_cast %parallel_loop3A_214 : i32 to index
        %parallel_loop3A_225 = arith.constant 48 : index
        %parallel_loop3A_226 = tpu.vector_load %arg9[%parallel_loop3A_224, %parallel_loop3A_225] {strides = array<i32>} : memref<256x64xf32, #tpu.memory_space<vmem>>, vector<16xf32>,
        %parallel_loop3A_227 = arith.addf %parallel_loop3A_217, %parallel_loop3A_220 : vector<16xf32>
        %parallel_loop3A_228 = arith.addf %parallel_loop3A_223, %parallel_loop3A_226 : vector<16xf32>
        %parallel_loop3A_229 = arith.addf %parallel_loop3A_227, %parallel_loop3A_228 : vector<16xf32>
        %parallel_loop3A_230 = arith.constant true
        %parallel_loop3A_231 = vector.broadcast %parallel_loop3A_230 : i1 to vector<16xi1>
        %parallel_loop3A_232 = tpu.scan <sum>, %parallel_loop3A_229 masked %parallel_loop3A_231 : vector<16xf32>, vector<16xi1> -> vector<16xf32>
        %parallel_loop3A_233 = vector.extract %parallel_loop3A_232[15] : f32 from vector<16xf32>
        %parallel_loop3A_234 = arith.mulf %parallel_loop3A_233, %parallel_loop3A_135 : f32
        %parallel_loop3A_235 = vector.broadcast %parallel_loop3A_234 : f32 to vector<16xf32>
        %parallel_loop3A_236 = arith.subf %parallel_loop3A_217, %parallel_loop3A_235 : vector<16xf32>
        %parallel_loop3A_237 = vector.broadcast %parallel_loop3A_234 : f32 to vector<16xf32>
        %parallel_loop3A_238 = arith.subf %parallel_loop3A_220, %parallel_loop3A_237 : vector<16xf32>
        %parallel_loop3A_239 = vector.broadcast %parallel_loop3A_234 : f32 to vector<16xf32>
        %parallel_loop3A_240 = arith.subf %parallel_loop3A_223, %parallel_loop3A_239 : vector<16xf32>
        %parallel_loop3A_241 = vector.broadcast %parallel_loop3A_234 : f32 to vector<16xf32>
        %parallel_loop3A_242 = arith.subf %parallel_loop3A_226, %parallel_loop3A_241 : vector<16xf32>
        %parallel_loop3A_243 = arith.mulf %parallel_loop3A_236, %parallel_loop3A_236 : vector<16xf32>
        %parallel_loop3A_244 = arith.mulf %parallel_loop3A_238, %parallel_loop3A_238 : vector<16xf32>
        %parallel_loop3A_245 = arith.addf %parallel_loop3A_243, %parallel_loop3A_244 : vector<16xf32>
        %parallel_loop3A_246 = arith.mulf %parallel_loop3A_240, %parallel_loop3A_240 : vector<16xf32>
        %parallel_loop3A_247 = arith.mulf %parallel_loop3A_242, %parallel_loop3A_242 : vector<16xf32>
        %parallel_loop3A_248 = arith.addf %parallel_loop3A_246, %parallel_loop3A_247 : vector<16xf32>
        %parallel_loop3A_249 = arith.addf %parallel_loop3A_245, %parallel_loop3A_248 : vector<16xf32>
        %parallel_loop3A_250 = arith.constant true
        %parallel_loop3A_251 = vector.broadcast %parallel_loop3A_250 : i1 to vector<16xi1>
        %parallel_loop3A_252 = tpu.scan <sum>, %parallel_loop3A_249 masked %parallel_loop3A_251 : vector<16xf32>, vector<16xi1> -> vector<16xf32>
        %parallel_loop3A_253 = vector.extract %parallel_loop3A_252[15] : f32 from vector<16xf32>
        %parallel_loop3A_254 = arith.mulf %parallel_loop3A_253, %parallel_loop3A_135 : f32
        %parallel_loop3A_255 = arith.constant 9.99999974E-6 : f32
        %parallel_loop3A_256 = arith.addf %parallel_loop3A_254, %parallel_loop3A_255 : f32
        %parallel_loop3A_257 = arith.bitcast %parallel_loop3A_256 : f32 to i32
        %parallel_loop3A_258 = arith.constant 1 : i32
        %parallel_loop3A_259 = arith.shrsi %parallel_loop3A_257, %parallel_loop3A_258 : i32
        %parallel_loop3A_260 = arith.constant 1597463007 : i32
        %parallel_loop3A_261 = arith.subi %parallel_loop3A_260, %parallel_loop3A_259 : i32
        %parallel_loop3A_262 = arith.bitcast %parallel_loop3A_261 : i32 to f32
        %parallel_loop3A_263 = arith.constant 5.000000e-01 : f32
        %parallel_loop3A_264 = arith.mulf %parallel_loop3A_263, %parallel_loop3A_256 : f32
        %parallel_loop3A_265 = arith.mulf %parallel_loop3A_264, %parallel_loop3A_262 : f32
        %parallel_loop3A_266 = arith.mulf %parallel_loop3A_265, %parallel_loop3A_262 : f32
        %parallel_loop3A_267 = arith.constant 1.500000e+00 : f32
        %parallel_loop3A_268 = arith.subf %parallel_loop3A_267, %parallel_loop3A_266 : f32
        %parallel_loop3A_269 = arith.mulf %parallel_loop3A_262, %parallel_loop3A_268 : f32
        %parallel_loop3A_270 = arith.mulf %parallel_loop3A_264, %parallel_loop3A_269 : f32
        %parallel_loop3A_271 = arith.mulf %parallel_loop3A_270, %parallel_loop3A_269 : f32
        %parallel_loop3A_272 = arith.constant 1.500000e+00 : f32
        %parallel_loop3A_273 = arith.subf %parallel_loop3A_272, %parallel_loop3A_271 : f32
        %parallel_loop3A_274 = arith.mulf %parallel_loop3A_269, %parallel_loop3A_273 : f32
        %parallel_loop3A_275 = arith.mulf %parallel_loop3A_264, %parallel_loop3A_274 : f32
        %parallel_loop3A_276 = arith.mulf %parallel_loop3A_275, %parallel_loop3A_274 : f32
        %parallel_loop3A_277 = arith.constant 1.500000e+00 : f32
        %parallel_loop3A_278 = arith.subf %parallel_loop3A_277, %parallel_loop3A_276 : f32
        %parallel_loop3A_279 = arith.mulf %parallel_loop3A_274, %parallel_loop3A_278 : f32
        %parallel_loop3A_280 = vector.broadcast %parallel_loop3A_279 : f32 to vector<16xf32>
        %parallel_loop3A_281 = arith.mulf %parallel_loop3A_236, %parallel_loop3A_280 : vector<16xf32>
        %parallel_loop3A_282 = arith.mulf %parallel_loop3A_281, %get3A_118 : vector<16xf32>
        %parallel_loop3A_283 = arith.addf %parallel_loop3A_282, %get3A_126 : vector<16xf32>
        %parallel_loop3A_284 = arith.index_cast %parallel_loop3A_214 : i32 to index
        %parallel_loop3A_285 = arith.constant 0 : index
        %parallel_loop3A_286 = tpu.vector_load %arg11[%parallel_loop3A_284, %parallel_loop3A_285] {strides = array<i32>} : memref<256x64xf32, #tpu.memory_space<vmem>>, vector<16xf32>,
        tpu.vector_store %arg11[%parallel_loop3A_284, %parallel_loop3A_285], %parallel_loop3A_283 {strides = array<i32>} : memref<256x64xf32, #tpu.memory_space<vmem>>, vector<16xf32>,
        %parallel_loop3A_287 = vector.broadcast %parallel_loop3A_279 : f32 to vector<16xf32>
        %parallel_loop3A_288 = arith.mulf %parallel_loop3A_238, %parallel_loop3A_287 : vector<16xf32>
        %parallel_loop3A_289 = arith.mulf %parallel_loop3A_288, %get3A_120 : vector<16xf32>
        %parallel_loop3A_290 = arith.addf %parallel_loop3A_289, %get3A_128 : vector<16xf32>
        %parallel_loop3A_291 = arith.index_cast %parallel_loop3A_214 : i32 to index
        %parallel_loop3A_292 = arith.constant 16 : index
        %parallel_loop3A_293 = tpu.vector_load %arg11[%parallel_loop3A_291, %parallel_loop3A_292] {strides = array<i32>} : memref<256x64xf32, #tpu.memory_space<vmem>>, vector<16xf32>,
        tpu.vector_store %arg11[%parallel_loop3A_291, %parallel_loop3A_292], %parallel_loop3A_290 {strides = array<i32>} : memref<256x64xf32, #tpu.memory_space<vmem>>, vector<16xf32>,
        %parallel_loop3A_294 = vector.broadcast %parallel_loop3A_279 : f32 to vector<16xf32>
        %parallel_loop3A_295 = arith.mulf %parallel_loop3A_240, %parallel_loop3A_294 : vector<16xf32>
        %parallel_loop3A_296 = arith.mulf %parallel_loop3A_295, %get3A_122 : vector<16xf32>
        %parallel_loop3A_297 = arith.addf %parallel_loop3A_296, %get3A_130 : vector<16xf32>
        %parallel_loop3A_298 = arith.index_cast %parallel_loop3A_214 : i32 to index
        %parallel_loop3A_299 = arith.constant 32 : index
        %parallel_loop3A_300 = tpu.vector_load %arg11[%parallel_loop3A_298, %parallel_loop3A_299] {strides = array<i32>} : memref<256x64xf32, #tpu.memory_space<vmem>>, vector<16xf32>,
        tpu.vector_store %arg11[%parallel_loop3A_298, %parallel_loop3A_299], %parallel_loop3A_297 {strides = array<i32>} : memref<256x64xf32, #tpu.memory_space<vmem>>, vector<16xf32>,
        %parallel_loop3A_301 = vector.broadcast %parallel_loop3A_279 : f32 to vector<16xf32>
        %parallel_loop3A_302 = arith.mulf %parallel_loop3A_242, %parallel_loop3A_301 : vector<16xf32>
        %parallel_loop3A_303 = arith.mulf %parallel_loop3A_302, %get3A_124 : vector<16xf32>
        %parallel_loop3A_304 = arith.addf %parallel_loop3A_303, %get3A_132 : vector<16xf32>
        %parallel_loop3A_305 = arith.index_cast %parallel_loop3A_214 : i32 to index
        %parallel_loop3A_306 = arith.constant 48 : index
        %parallel_loop3A_307 = tpu.vector_load %arg11[%parallel_loop3A_305, %parallel_loop3A_306] {strides = array<i32>} : memref<256x64xf32, #tpu.memory_space<vmem>>, vector<16xf32>,
        tpu.vector_store %arg11[%parallel_loop3A_305, %parallel_loop3A_306], %parallel_loop3A_304 {strides = array<i32>} : memref<256x64xf32, #tpu.memory_space<vmem>>, vector<16xf32>,
      } {sc.loop_unroll_factor = 8 : i64, sc.parallel_access}
      %mul3A_136 = arith.constant 256 : i32
      %mul3A_137 = arith.muli %add3A_89, %mul3A_136 : i32
      %add3A_138 = arith.addi %mul3A_4, %mul3A_137 : i32
      %dma_start3A_139 = arith.constant 0 : i32
      %dma_start3A_140 = tpu.memref_slice %arg6[%add3A_138, %dma_start3A_139] : memref<819200x64xf32, #tpu.memory_space<hbm>> -> memref<256x64xf32, #tpu.memory_space<hbm>>
      %dma_start3A_141 = arith.constant 0 : i32
      %dma_start3A_142 = tpu.memref_slice %arg6[%add3A_138, %dma_start3A_141] : memref<819200x64xf32, #tpu.memory_space<hbm>> -> memref<256x64xf32, #tpu.memory_space<hbm>>
      tpu.enqueue_dma source(%arg11 : memref<256x64xf32, #tpu.memory_space<vmem>>) target(%dma_start3A_142 : memref<256x64xf32, #tpu.memory_space<hbm>>) target_semaphore(%arg17 : memref<!tpu.dma_semaphore, #tpu.memory_space<semaphore_mem>>)
      %lt3A_143 = arith.constant 100 : i32
      %lt3A_144 = arith.cmpi slt, %add3A_91, %lt3A_143 : i32
      %convert_element_type3A_145 = arith.extui %lt3A_144 : i1 to i32
      %cond3A_146 = arith.constant 0 : i32
      %cond3A_147 = arith.cmpi ne, %convert_element_type3A_145, %cond3A_146 : i32
      scf.if %cond3A_147 {
        %mul3A_214 = arith.constant 2 : i32
        %mul3A_215 = arith.muli %add3A_91, %mul3A_214 : i32
        %add3A_216 = arith.addi %mul3A_2, %mul3A_215 : i32
        %dma_wait3A_217 = arith.constant 0 : i32
        %dma_wait3A_218 = tpu.memref_slice %arg2[%add3A_216, %dma_wait3A_217] : memref<6400x128xi32, #tpu.memory_space<hbm>> -> memref<2x128xi32, #tpu.memory_space<hbm>>
        %dma_wait3A_219 = arith.constant 0 : i32
        %dma_wait3A_220 = tpu.memref_slice %arg2[%add3A_216, %dma_wait3A_219] : memref<6400x128xi32, #tpu.memory_space<hbm>> -> memref<2x128xi32, #tpu.memory_space<hbm>>
        tpu.wait_dma2 semaphore(%arg19 : memref<!tpu.dma_semaphore, #tpu.memory_space<semaphore_mem>>) src(%dma_wait3A_220 : memref<2x128xi32, #tpu.memory_space<hbm>>) dst(%arg7 : memref<2x128xi32, #tpu.memory_space<vmem>>)
        %dma_start3A_221 = arith.constant 0 : i32
        %dma_start3A_222 = arith.constant 0 : i32
        %dma_start3A_223 = arith.constant 0 : i32
        %dma_start3A_224 = tpu.memref_slice %arg9[%dma_start3A_222, %dma_start3A_223] : memref<256x64xf32, #tpu.memory_space<vmem>> -> memref<128x64xf32, #tpu.memory_space<vmem>>
        %dma_start3A_225 = arith.constant 0 : i32
        %dma_start3A_226 = tpu.memref_slice %arg7[%dma_start3A_221, %dma_start3A_225] : memref<2x128xi32, #tpu.memory_space<vmem>> -> memref<1x128xi32, #tpu.memory_space<vmem>>
        %dma_start3A_227 = tpu.memref_squeeze %dma_start3A_226 : memref<1x128xi32, #tpu.memory_space<vmem>> -> memref<128xi32, #tpu.memory_space<vmem>>
        %dma_start3A_228 = arith.constant 0 : i32
        %dma_start3A_229 = arith.constant 0 : i32
        %dma_start3A_230 = tpu.memref_slice %arg3[%dma_start3A_228, %dma_start3A_229] : memref<1000000x64xf32, #tpu.memory_space<hbm>> -> memref<1000000x64xf32, #tpu.memory_space<hbm>>
        tpu.enqueue_indirect_dma source(%dma_start3A_230 : memref<1000000x64xf32, #tpu.memory_space<hbm>>) target(%dma_start3A_224 : memref<128x64xf32, #tpu.memory_space<vmem>>) offsets(%dma_start3A_227 : memref<128xi32, #tpu.memory_space<vmem>>) semaphore(%arg15 : memref<!tpu.dma_semaphore, #tpu.memory_space<semaphore_mem>>)
        %dma_start3A_231 = arith.constant 1 : i32
        %dma_start3A_232 = arith.constant 128 : i32
        %dma_start3A_233 = arith.constant 0 : i32
        %dma_start3A_234 = tpu.memref_slice %arg9[%dma_start3A_232, %dma_start3A_233] : memref<256x64xf32, #tpu.memory_space<vmem>> -> memref<128x64xf32, #tpu.memory_space<vmem>>
        %dma_start3A_235 = arith.constant 0 : i32
        %dma_start3A_236 = tpu.memref_slice %arg7[%dma_start3A_231, %dma_start3A_235] : memref<2x128xi32, #tpu.memory_space<vmem>> -> memref<1x128xi32, #tpu.memory_space<vmem>>
        %dma_start3A_237 = tpu.memref_squeeze %dma_start3A_236 : memref<1x128xi32, #tpu.memory_space<vmem>> -> memref<128xi32, #tpu.memory_space<vmem>>
        %dma_start3A_238 = arith.constant 0 : i32
        %dma_start3A_239 = arith.constant 0 : i32
        %dma_start3A_240 = tpu.memref_slice %arg3[%dma_start3A_238, %dma_start3A_239] : memref<1000000x64xf32, #tpu.memory_space<hbm>> -> memref<1000000x64xf32, #tpu.memory_space<hbm>>
        tpu.enqueue_indirect_dma source(%dma_start3A_240 : memref<1000000x64xf32, #tpu.memory_space<hbm>>) target(%dma_start3A_234 : memref<128x64xf32, #tpu.memory_space<vmem>>) offsets(%dma_start3A_237 : memref<128xi32, #tpu.memory_space<vmem>>) semaphore(%arg15 : memref<!tpu.dma_semaphore, #tpu.memory_space<semaphore_mem>>)
      } else {
      }
      %add3A_148 = arith.constant 1 : i32
      %add3A_149 = arith.addi %add3A_87, %add3A_148 : i32
      %add3A_150 = arith.constant 2 : i32
      %add3A_151 = arith.addi %add3A_149, %add3A_150 : i32
      %dma_wait3A_152 = arith.constant 0 : i32
      %dma_wait3A_153 = arith.constant 0 : i32
      %dma_wait3A_154 = arith.constant 0 : i32
      %dma_wait3A_155 = tpu.memref_slice %arg10[%dma_wait3A_153, %dma_wait3A_154] : memref<256x64xf32, #tpu.memory_space<vmem>> -> memref<128x64xf32, #tpu.memory_space<vmem>>
      %dma_wait3A_156 = arith.constant 0 : i32
      %dma_wait3A_157 = tpu.memref_slice %arg8[%dma_wait3A_152, %dma_wait3A_156] : memref<2x128xi32, #tpu.memory_space<vmem>> -> memref<1x128xi32, #tpu.memory_space<vmem>>
      %dma_wait3A_158 = tpu.memref_squeeze %dma_wait3A_157 : memref<1x128xi32, #tpu.memory_space<vmem>> -> memref<128xi32, #tpu.memory_space<vmem>>
      %dma_wait3A_159 = arith.constant 0 : i32
      %dma_wait3A_160 = arith.constant 0 : i32
      %dma_wait3A_161 = tpu.memref_slice %arg3[%dma_wait3A_159, %dma_wait3A_160] : memref<1000000x64xf32, #tpu.memory_space<hbm>> -> memref<1000000x64xf32, #tpu.memory_space<hbm>>
      tpu.wait_indirect_dma semaphore(%arg16 : memref<!tpu.dma_semaphore, #tpu.memory_space<semaphore_mem>>) src(%dma_wait3A_161 : memref<1000000x64xf32, #tpu.memory_space<hbm>>) dst(%dma_wait3A_155 : memref<128x64xf32, #tpu.memory_space<vmem>>)
      %dma_wait3A_162 = arith.constant 1 : i32
      %dma_wait3A_163 = arith.constant 128 : i32
      %dma_wait3A_164 = arith.constant 0 : i32
      %dma_wait3A_165 = tpu.memref_slice %arg10[%dma_wait3A_163, %dma_wait3A_164] : memref<256x64xf32, #tpu.memory_space<vmem>> -> memref<128x64xf32, #tpu.memory_space<vmem>>
      %dma_wait3A_166 = arith.constant 0 : i32
      %dma_wait3A_167 = tpu.memref_slice %arg8[%dma_wait3A_162, %dma_wait3A_166] : memref<2x128xi32, #tpu.memory_space<vmem>> -> memref<1x128xi32, #tpu.memory_space<vmem>>
      %dma_wait3A_168 = tpu.memref_squeeze %dma_wait3A_167 : memref<1x128xi32, #tpu.memory_space<vmem>> -> memref<128xi32, #tpu.memory_space<vmem>>
      %dma_wait3A_169 = arith.constant 0 : i32
      %dma_wait3A_170 = arith.constant 0 : i32
      %dma_wait3A_171 = tpu.memref_slice %arg3[%dma_wait3A_169, %dma_wait3A_170] : memref<1000000x64xf32, #tpu.memory_space<hbm>> -> memref<1000000x64xf32, #tpu.memory_space<hbm>>
      tpu.wait_indirect_dma semaphore(%arg16 : memref<!tpu.dma_semaphore, #tpu.memory_space<semaphore_mem>>) src(%dma_wait3A_171 : memref<1000000x64xf32, #tpu.memory_space<hbm>>) dst(%dma_wait3A_165 : memref<128x64xf32, #tpu.memory_space<vmem>>)
      %lt3A_172 = arith.constant 100 : i32
      %lt3A_173 = arith.cmpi slt, %add3A_151, %lt3A_172 : i32
      %convert_element_type3A_174 = arith.extui %lt3A_173 : i1 to i32
      %cond3A_175 = arith.constant 0 : i32
      %cond3A_176 = arith.cmpi ne, %convert_element_type3A_174, %cond3A_175 : i32
      scf.if %cond3A_176 {
        %mul3A_214 = arith.constant 2 : i32
        %mul3A_215 = arith.muli %add3A_151, %mul3A_214 : i32
        %add3A_216 = arith.addi %mul3A_2, %mul3A_215 : i32
        %dma_start3A_217 = arith.constant 0 : i32
        %dma_start3A_218 = tpu.memref_slice %arg2[%add3A_216, %dma_start3A_217] : memref<6400x128xi32, #tpu.memory_space<hbm>> -> memref<2x128xi32, #tpu.memory_space<hbm>>
        %dma_start3A_219 = arith.constant 0 : i32
        %dma_start3A_220 = tpu.memref_slice %arg2[%add3A_216, %dma_start3A_219] : memref<6400x128xi32, #tpu.memory_space<hbm>> -> memref<2x128xi32, #tpu.memory_space<hbm>>
        tpu.enqueue_dma source(%dma_start3A_220 : memref<2x128xi32, #tpu.memory_space<hbm>>) target(%arg8 : memref<2x128xi32, #tpu.memory_space<vmem>>) target_semaphore(%arg20 : memref<!tpu.dma_semaphore, #tpu.memory_space<semaphore_mem>>)
      } else {
      }
      %ge3A_177 = arith.constant 2 : i32
      %ge3A_178 = arith.cmpi sge, %add3A_149, %ge3A_177 : i32
      %convert_element_type3A_179 = arith.extui %ge3A_178 : i1 to i32
      %cond3A_180 = arith.constant 0 : i32
      %cond3A_181 = arith.cmpi ne, %convert_element_type3A_179, %cond3A_180 : i32
      scf.if %cond3A_181 {
        %sub3A = arith.constant 2 : i32
        %sub3A_214 = arith.subi %add3A_149, %sub3A : i32
        %mul3A_215 = arith.constant 256 : i32
        %mul3A_216 = arith.muli %sub3A_214, %mul3A_215 : i32
        %add3A_217 = arith.addi %mul3A_4, %mul3A_216 : i32
        %dma_wait3A_218 = arith.constant 0 : i32
        %dma_wait3A_219 = tpu.memref_slice %arg6[%add3A_217, %dma_wait3A_218] : memref<819200x64xf32, #tpu.memory_space<hbm>> -> memref<256x64xf32, #tpu.memory_space<hbm>>
        %dma_wait3A_220 = arith.constant 0 : i32
        %dma_wait3A_221 = tpu.memref_slice %arg6[%add3A_217, %dma_wait3A_220] : memref<819200x64xf32, #tpu.memory_space<hbm>> -> memref<256x64xf32, #tpu.memory_space<hbm>>
        tpu.wait_dma2 semaphore(%arg18 : memref<!tpu.dma_semaphore, #tpu.memory_space<semaphore_mem>>) src(%arg12 : memref<256x64xf32, #tpu.memory_space<vmem>>) dst(%dma_wait3A_221 : memref<256x64xf32, #tpu.memory_space<hbm>>)
      } else {
      }
      %get3A_182 = arith.constant 0 : index
      %get3A_183 = tpu.vector_load %arg13[%get3A_182] {strides = array<i32>} : memref<64xf32, #tpu.memory_space<vmem>>, vector<16xf32>,
      %get3A_184 = arith.constant 16 : index
      %get3A_185 = tpu.vector_load %arg13[%get3A_184] {strides = array<i32>} : memref<64xf32, #tpu.memory_space<vmem>>, vector<16xf32>,
      %get3A_186 = arith.constant 32 : index
      %get3A_187 = tpu.vector_load %arg13[%get3A_186] {strides = array<i32>} : memref<64xf32, #tpu.memory_space<vmem>>, vector<16xf32>,
      %get3A_188 = arith.constant 48 : index
      %get3A_189 = tpu.vector_load %arg13[%get3A_188] {strides = array<i32>} : memref<64xf32, #tpu.memory_space<vmem>>, vector<16xf32>,
      %get3A_190 = arith.constant 0 : index
      %get3A_191 = tpu.vector_load %arg14[%get3A_190] {strides = array<i32>} : memref<64xf32, #tpu.memory_space<vmem>>, vector<16xf32>,
      %get3A_192 = arith.constant 16 : index
      %get3A_193 = tpu.vector_load %arg14[%get3A_192] {strides = array<i32>} : memref<64xf32, #tpu.memory_space<vmem>>, vector<16xf32>,
      %get3A_194 = arith.constant 32 : index
      %get3A_195 = tpu.vector_load %arg14[%get3A_194] {strides = array<i32>} : memref<64xf32, #tpu.memory_space<vmem>>, vector<16xf32>,
      %get3A_196 = arith.constant 48 : index
      %get3A_197 = tpu.vector_load %arg14[%get3A_196] {strides = array<i32>} : memref<64xf32, #tpu.memory_space<vmem>>, vector<16xf32>,
      %parallel_loop3A_198 = arith.constant 0 : i32
      %parallel_loop3A_199 = arith.constant 256 : i32
      %parallel_loop3A_200 = arith.constant 1 : i32
      %parallel_loop3A_201 = arith.constant 1.562500e-02 : f32
      scf.for %parallel_loop3A_214 = %parallel_loop3A_198 to %parallel_loop3A_199 step %parallel_loop3A_200  : i32 {
        %parallel_loop3A_215 = arith.index_cast %parallel_loop3A_214 : i32 to index
        %parallel_loop3A_216 = arith.constant 0 : index
        %parallel_loop3A_217 = tpu.vector_load %arg10[%parallel_loop3A_215, %parallel_loop3A_216] {strides = array<i32>} : memref<256x64xf32, #tpu.memory_space<vmem>>, vector<16xf32>,
        %parallel_loop3A_218 = arith.index_cast %parallel_loop3A_214 : i32 to index
        %parallel_loop3A_219 = arith.constant 16 : index
        %parallel_loop3A_220 = tpu.vector_load %arg10[%parallel_loop3A_218, %parallel_loop3A_219] {strides = array<i32>} : memref<256x64xf32, #tpu.memory_space<vmem>>, vector<16xf32>,
        %parallel_loop3A_221 = arith.index_cast %parallel_loop3A_214 : i32 to index
        %parallel_loop3A_222 = arith.constant 32 : index
        %parallel_loop3A_223 = tpu.vector_load %arg10[%parallel_loop3A_221, %parallel_loop3A_222] {strides = array<i32>} : memref<256x64xf32, #tpu.memory_space<vmem>>, vector<16xf32>,
        %parallel_loop3A_224 = arith.index_cast %parallel_loop3A_214 : i32 to index
        %parallel_loop3A_225 = arith.constant 48 : index
        %parallel_loop3A_226 = tpu.vector_load %arg10[%parallel_loop3A_224, %parallel_loop3A_225] {strides = array<i32>} : memref<256x64xf32, #tpu.memory_space<vmem>>, vector<16xf32>,
        %parallel_loop3A_227 = arith.addf %parallel_loop3A_217, %parallel_loop3A_220 : vector<16xf32>
        %parallel_loop3A_228 = arith.addf %parallel_loop3A_223, %parallel_loop3A_226 : vector<16xf32>
        %parallel_loop3A_229 = arith.addf %parallel_loop3A_227, %parallel_loop3A_228 : vector<16xf32>
        %parallel_loop3A_230 = arith.constant true
        %parallel_loop3A_231 = vector.broadcast %parallel_loop3A_230 : i1 to vector<16xi1>
        %parallel_loop3A_232 = tpu.scan <sum>, %parallel_loop3A_229 masked %parallel_loop3A_231 : vector<16xf32>, vector<16xi1> -> vector<16xf32>
        %parallel_loop3A_233 = vector.extract %parallel_loop3A_232[15] : f32 from vector<16xf32>
        %parallel_loop3A_234 = arith.mulf %parallel_loop3A_233, %parallel_loop3A_201 : f32
        %parallel_loop3A_235 = vector.broadcast %parallel_loop3A_234 : f32 to vector<16xf32>
        %parallel_loop3A_236 = arith.subf %parallel_loop3A_217, %parallel_loop3A_235 : vector<16xf32>
        %parallel_loop3A_237 = vector.broadcast %parallel_loop3A_234 : f32 to vector<16xf32>
        %parallel_loop3A_238 = arith.subf %parallel_loop3A_220, %parallel_loop3A_237 : vector<16xf32>
        %parallel_loop3A_239 = vector.broadcast %parallel_loop3A_234 : f32 to vector<16xf32>
        %parallel_loop3A_240 = arith.subf %parallel_loop3A_223, %parallel_loop3A_239 : vector<16xf32>
        %parallel_loop3A_241 = vector.broadcast %parallel_loop3A_234 : f32 to vector<16xf32>
        %parallel_loop3A_242 = arith.subf %parallel_loop3A_226, %parallel_loop3A_241 : vector<16xf32>
        %parallel_loop3A_243 = arith.mulf %parallel_loop3A_236, %parallel_loop3A_236 : vector<16xf32>
        %parallel_loop3A_244 = arith.mulf %parallel_loop3A_238, %parallel_loop3A_238 : vector<16xf32>
        %parallel_loop3A_245 = arith.addf %parallel_loop3A_243, %parallel_loop3A_244 : vector<16xf32>
        %parallel_loop3A_246 = arith.mulf %parallel_loop3A_240, %parallel_loop3A_240 : vector<16xf32>
        %parallel_loop3A_247 = arith.mulf %parallel_loop3A_242, %parallel_loop3A_242 : vector<16xf32>
        %parallel_loop3A_248 = arith.addf %parallel_loop3A_246, %parallel_loop3A_247 : vector<16xf32>
        %parallel_loop3A_249 = arith.addf %parallel_loop3A_245, %parallel_loop3A_248 : vector<16xf32>
        %parallel_loop3A_250 = arith.constant true
        %parallel_loop3A_251 = vector.broadcast %parallel_loop3A_250 : i1 to vector<16xi1>
        %parallel_loop3A_252 = tpu.scan <sum>, %parallel_loop3A_249 masked %parallel_loop3A_251 : vector<16xf32>, vector<16xi1> -> vector<16xf32>
        %parallel_loop3A_253 = vector.extract %parallel_loop3A_252[15] : f32 from vector<16xf32>
        %parallel_loop3A_254 = arith.mulf %parallel_loop3A_253, %parallel_loop3A_201 : f32
        %parallel_loop3A_255 = arith.constant 9.99999974E-6 : f32
        %parallel_loop3A_256 = arith.addf %parallel_loop3A_254, %parallel_loop3A_255 : f32
        %parallel_loop3A_257 = arith.bitcast %parallel_loop3A_256 : f32 to i32
        %parallel_loop3A_258 = arith.constant 1 : i32
        %parallel_loop3A_259 = arith.shrsi %parallel_loop3A_257, %parallel_loop3A_258 : i32
        %parallel_loop3A_260 = arith.constant 1597463007 : i32
        %parallel_loop3A_261 = arith.subi %parallel_loop3A_260, %parallel_loop3A_259 : i32
        %parallel_loop3A_262 = arith.bitcast %parallel_loop3A_261 : i32 to f32
        %parallel_loop3A_263 = arith.constant 5.000000e-01 : f32
        %parallel_loop3A_264 = arith.mulf %parallel_loop3A_263, %parallel_loop3A_256 : f32
        %parallel_loop3A_265 = arith.mulf %parallel_loop3A_264, %parallel_loop3A_262 : f32
        %parallel_loop3A_266 = arith.mulf %parallel_loop3A_265, %parallel_loop3A_262 : f32
        %parallel_loop3A_267 = arith.constant 1.500000e+00 : f32
        %parallel_loop3A_268 = arith.subf %parallel_loop3A_267, %parallel_loop3A_266 : f32
        %parallel_loop3A_269 = arith.mulf %parallel_loop3A_262, %parallel_loop3A_268 : f32
        %parallel_loop3A_270 = arith.mulf %parallel_loop3A_264, %parallel_loop3A_269 : f32
        %parallel_loop3A_271 = arith.mulf %parallel_loop3A_270, %parallel_loop3A_269 : f32
        %parallel_loop3A_272 = arith.constant 1.500000e+00 : f32
        %parallel_loop3A_273 = arith.subf %parallel_loop3A_272, %parallel_loop3A_271 : f32
        %parallel_loop3A_274 = arith.mulf %parallel_loop3A_269, %parallel_loop3A_273 : f32
        %parallel_loop3A_275 = arith.mulf %parallel_loop3A_264, %parallel_loop3A_274 : f32
        %parallel_loop3A_276 = arith.mulf %parallel_loop3A_275, %parallel_loop3A_274 : f32
        %parallel_loop3A_277 = arith.constant 1.500000e+00 : f32
        %parallel_loop3A_278 = arith.subf %parallel_loop3A_277, %parallel_loop3A_276 : f32
        %parallel_loop3A_279 = arith.mulf %parallel_loop3A_274, %parallel_loop3A_278 : f32
        %parallel_loop3A_280 = vector.broadcast %parallel_loop3A_279 : f32 to vector<16xf32>
        %parallel_loop3A_281 = arith.mulf %parallel_loop3A_236, %parallel_loop3A_280 : vector<16xf32>
        %parallel_loop3A_282 = arith.mulf %parallel_loop3A_281, %get3A_183 : vector<16xf32>
        %parallel_loop3A_283 = arith.addf %parallel_loop3A_282, %get3A_191 : vector<16xf32>
        %parallel_loop3A_284 = arith.index_cast %parallel_loop3A_214 : i32 to index
        %parallel_loop3A_285 = arith.constant 0 : index
        %parallel_loop3A_286 = tpu.vector_load %arg12[%parallel_loop3A_284, %parallel_loop3A_285] {strides = array<i32>} : memref<256x64xf32, #tpu.memory_space<vmem>>, vector<16xf32>,
        tpu.vector_store %arg12[%parallel_loop3A_284, %parallel_loop3A_285], %parallel_loop3A_283 {strides = array<i32>} : memref<256x64xf32, #tpu.memory_space<vmem>>, vector<16xf32>,
        %parallel_loop3A_287 = vector.broadcast %parallel_loop3A_279 : f32 to vector<16xf32>
        %parallel_loop3A_288 = arith.mulf %parallel_loop3A_238, %parallel_loop3A_287 : vector<16xf32>
        %parallel_loop3A_289 = arith.mulf %parallel_loop3A_288, %get3A_185 : vector<16xf32>
        %parallel_loop3A_290 = arith.addf %parallel_loop3A_289, %get3A_193 : vector<16xf32>
        %parallel_loop3A_291 = arith.index_cast %parallel_loop3A_214 : i32 to index
        %parallel_loop3A_292 = arith.constant 16 : index
        %parallel_loop3A_293 = tpu.vector_load %arg12[%parallel_loop3A_291, %parallel_loop3A_292] {strides = array<i32>} : memref<256x64xf32, #tpu.memory_space<vmem>>, vector<16xf32>,
        tpu.vector_store %arg12[%parallel_loop3A_291, %parallel_loop3A_292], %parallel_loop3A_290 {strides = array<i32>} : memref<256x64xf32, #tpu.memory_space<vmem>>, vector<16xf32>,
        %parallel_loop3A_294 = vector.broadcast %parallel_loop3A_279 : f32 to vector<16xf32>
        %parallel_loop3A_295 = arith.mulf %parallel_loop3A_240, %parallel_loop3A_294 : vector<16xf32>
        %parallel_loop3A_296 = arith.mulf %parallel_loop3A_295, %get3A_187 : vector<16xf32>
        %parallel_loop3A_297 = arith.addf %parallel_loop3A_296, %get3A_195 : vector<16xf32>
        %parallel_loop3A_298 = arith.index_cast %parallel_loop3A_214 : i32 to index
        %parallel_loop3A_299 = arith.constant 32 : index
        %parallel_loop3A_300 = tpu.vector_load %arg12[%parallel_loop3A_298, %parallel_loop3A_299] {strides = array<i32>} : memref<256x64xf32, #tpu.memory_space<vmem>>, vector<16xf32>,
        tpu.vector_store %arg12[%parallel_loop3A_298, %parallel_loop3A_299], %parallel_loop3A_297 {strides = array<i32>} : memref<256x64xf32, #tpu.memory_space<vmem>>, vector<16xf32>,
        %parallel_loop3A_301 = vector.broadcast %parallel_loop3A_279 : f32 to vector<16xf32>
        %parallel_loop3A_302 = arith.mulf %parallel_loop3A_242, %parallel_loop3A_301 : vector<16xf32>
        %parallel_loop3A_303 = arith.mulf %parallel_loop3A_302, %get3A_189 : vector<16xf32>
        %parallel_loop3A_304 = arith.addf %parallel_loop3A_303, %get3A_197 : vector<16xf32>
        %parallel_loop3A_305 = arith.index_cast %parallel_loop3A_214 : i32 to index
        %parallel_loop3A_306 = arith.constant 48 : index
        %parallel_loop3A_307 = tpu.vector_load %arg12[%parallel_loop3A_305, %parallel_loop3A_306] {strides = array<i32>} : memref<256x64xf32, #tpu.memory_space<vmem>>, vector<16xf32>,
        tpu.vector_store %arg12[%parallel_loop3A_305, %parallel_loop3A_306], %parallel_loop3A_304 {strides = array<i32>} : memref<256x64xf32, #tpu.memory_space<vmem>>, vector<16xf32>,
      } {sc.loop_unroll_factor = 8 : i64, sc.parallel_access}
      %mul3A_202 = arith.constant 256 : i32
      %mul3A_203 = arith.muli %add3A_149, %mul3A_202 : i32
      %add3A_204 = arith.addi %mul3A_4, %mul3A_203 : i32
      %dma_start3A_205 = arith.constant 0 : i32
      %dma_start3A_206 = tpu.memref_slice %arg6[%add3A_204, %dma_start3A_205] : memref<819200x64xf32, #tpu.memory_space<hbm>> -> memref<256x64xf32, #tpu.memory_space<hbm>>
      %dma_start3A_207 = arith.constant 0 : i32
      %dma_start3A_208 = tpu.memref_slice %arg6[%add3A_204, %dma_start3A_207] : memref<819200x64xf32, #tpu.memory_space<hbm>> -> memref<256x64xf32, #tpu.memory_space<hbm>>
      tpu.enqueue_dma source(%arg12 : memref<256x64xf32, #tpu.memory_space<vmem>>) target(%dma_start3A_208 : memref<256x64xf32, #tpu.memory_space<hbm>>) target_semaphore(%arg18 : memref<!tpu.dma_semaphore, #tpu.memory_space<semaphore_mem>>)
      %lt3A_209 = arith.constant 100 : i32
      %lt3A_210 = arith.cmpi slt, %add3A_151, %lt3A_209 : i32
      %convert_element_type3A_211 = arith.extui %lt3A_210 : i1 to i32
      %cond3A_212 = arith.constant 0 : i32
      %cond3A_213 = arith.cmpi ne, %convert_element_type3A_211, %cond3A_212 : i32
      scf.if %cond3A_213 {
        %mul3A_214 = arith.constant 2 : i32
        %mul3A_215 = arith.muli %add3A_151, %mul3A_214 : i32
        %add3A_216 = arith.addi %mul3A_2, %mul3A_215 : i32
        %dma_wait3A_217 = arith.constant 0 : i32
        %dma_wait3A_218 = tpu.memref_slice %arg2[%add3A_216, %dma_wait3A_217] : memref<6400x128xi32, #tpu.memory_space<hbm>> -> memref<2x128xi32, #tpu.memory_space<hbm>>
        %dma_wait3A_219 = arith.constant 0 : i32
        %dma_wait3A_220 = tpu.memref_slice %arg2[%add3A_216, %dma_wait3A_219] : memref<6400x128xi32, #tpu.memory_space<hbm>> -> memref<2x128xi32, #tpu.memory_space<hbm>>
        tpu.wait_dma2 semaphore(%arg20 : memref<!tpu.dma_semaphore, #tpu.memory_space<semaphore_mem>>) src(%dma_wait3A_220 : memref<2x128xi32, #tpu.memory_space<hbm>>) dst(%arg8 : memref<2x128xi32, #tpu.memory_space<vmem>>)
        %dma_start3A_221 = arith.constant 0 : i32
        %dma_start3A_222 = arith.constant 0 : i32
        %dma_start3A_223 = arith.constant 0 : i32
        %dma_start3A_224 = tpu.memref_slice %arg10[%dma_start3A_222, %dma_start3A_223] : memref<256x64xf32, #tpu.memory_space<vmem>> -> memref<128x64xf32, #tpu.memory_space<vmem>>
        %dma_start3A_225 = arith.constant 0 : i32
        %dma_start3A_226 = tpu.memref_slice %arg8[%dma_start3A_221, %dma_start3A_225] : memref<2x128xi32, #tpu.memory_space<vmem>> -> memref<1x128xi32, #tpu.memory_space<vmem>>
        %dma_start3A_227 = tpu.memref_squeeze %dma_start3A_226 : memref<1x128xi32, #tpu.memory_space<vmem>> -> memref<128xi32, #tpu.memory_space<vmem>>
        %dma_start3A_228 = arith.constant 0 : i32
        %dma_start3A_229 = arith.constant 0 : i32
        %dma_start3A_230 = tpu.memref_slice %arg3[%dma_start3A_228, %dma_start3A_229] : memref<1000000x64xf32, #tpu.memory_space<hbm>> -> memref<1000000x64xf32, #tpu.memory_space<hbm>>
        tpu.enqueue_indirect_dma source(%dma_start3A_230 : memref<1000000x64xf32, #tpu.memory_space<hbm>>) target(%dma_start3A_224 : memref<128x64xf32, #tpu.memory_space<vmem>>) offsets(%dma_start3A_227 : memref<128xi32, #tpu.memory_space<vmem>>) semaphore(%arg16 : memref<!tpu.dma_semaphore, #tpu.memory_space<semaphore_mem>>)
        %dma_start3A_231 = arith.constant 1 : i32
        %dma_start3A_232 = arith.constant 128 : i32
        %dma_start3A_233 = arith.constant 0 : i32
        %dma_start3A_234 = tpu.memref_slice %arg10[%dma_start3A_232, %dma_start3A_233] : memref<256x64xf32, #tpu.memory_space<vmem>> -> memref<128x64xf32, #tpu.memory_space<vmem>>
        %dma_start3A_235 = arith.constant 0 : i32
        %dma_start3A_236 = tpu.memref_slice %arg8[%dma_start3A_231, %dma_start3A_235] : memref<2x128xi32, #tpu.memory_space<vmem>> -> memref<1x128xi32, #tpu.memory_space<vmem>>
        %dma_start3A_237 = tpu.memref_squeeze %dma_start3A_236 : memref<1x128xi32, #tpu.memory_space<vmem>> -> memref<128xi32, #tpu.memory_space<vmem>>
        %dma_start3A_238 = arith.constant 0 : i32
        %dma_start3A_239 = arith.constant 0 : i32
        %dma_start3A_240 = tpu.memref_slice %arg3[%dma_start3A_238, %dma_start3A_239] : memref<1000000x64xf32, #tpu.memory_space<hbm>> -> memref<1000000x64xf32, #tpu.memory_space<hbm>>
        tpu.enqueue_indirect_dma source(%dma_start3A_240 : memref<1000000x64xf32, #tpu.memory_space<hbm>>) target(%dma_start3A_234 : memref<128x64xf32, #tpu.memory_space<vmem>>) offsets(%dma_start3A_237 : memref<128xi32, #tpu.memory_space<vmem>>) semaphore(%arg16 : memref<!tpu.dma_semaphore, #tpu.memory_space<semaphore_mem>>)
      } else {
      }
    }
    %scan3A_70 = arith.constant 50 : i32
    %add3A_71 = arith.constant 25088 : i32
    %add3A_72 = arith.addi %mul3A_4, %add3A_71 : i32
    %dma_wait3A_73 = arith.constant 0 : i32
    %dma_wait3A_74 = tpu.memref_slice %arg6[%add3A_72, %dma_wait3A_73] : memref<819200x64xf32, #tpu.memory_space<hbm>> -> memref<256x64xf32, #tpu.memory_space<hbm>>
    %dma_wait3A_75 = arith.constant 0 : i32
    %dma_wait3A_76 = tpu.memref_slice %arg6[%add3A_72, %dma_wait3A_75] : memref<819200x64xf32, #tpu.memory_space<hbm>> -> memref<256x64xf32, #tpu.memory_space<hbm>>
    tpu.wait_dma2 semaphore(%arg17 : memref<!tpu.dma_semaphore, #tpu.memory_space<semaphore_mem>>) src(%arg11 : memref<256x64xf32, #tpu.memory_space<vmem>>) dst(%dma_wait3A_76 : memref<256x64xf32, #tpu.memory_space<hbm>>)
    %add3A_77 = arith.constant 25344 : i32
    %add3A_78 = arith.addi %mul3A_4, %add3A_77 : i32
    %dma_wait3A_79 = arith.constant 0 : i32
    %dma_wait3A_80 = tpu.memref_slice %arg6[%add3A_78, %dma_wait3A_79] : memref<819200x64xf32, #tpu.memory_space<hbm>> -> memref<256x64xf32, #tpu.memory_space<hbm>>
    %dma_wait3A_81 = arith.constant 0 : i32
    %dma_wait3A_82 = tpu.memref_slice %arg6[%add3A_78, %dma_wait3A_81] : memref<819200x64xf32, #tpu.memory_space<hbm>> -> memref<256x64xf32, #tpu.memory_space<hbm>>
    tpu.wait_dma2 semaphore(%arg18 : memref<!tpu.dma_semaphore, #tpu.memory_space<semaphore_mem>>) src(%arg12 : memref<256x64xf32, #tpu.memory_space<vmem>>) dst(%dma_wait3A_82 : memref<256x64xf32, #tpu.memory_space<hbm>>)
    return
  }
}

</mosaic_0001>

<sc_bundles>
// kernel: kernel.3.cloned.1.call-start
scs
__scs_entry_jumppad:
0x0: {  	(pc) =	sbr.rel $0x88, $3  }
0x1: {  	(tag) =	ssettag $0x0;
	lr =	simm.s32 $0x1  }
0x2: {  	[smem:$0x3F9D] =	sst lr;
	_ =	strace $0xD0000000  }
0x3: {  	_ = 	snop  }
0x4: {  	_ = 	snop  }
0x5: {  	_ = 	snop  }
0x6: {  	_ = 	snop  }
0x7: {  	_ = 	snop  }
__scs_overlays_trampoline_lowered:
0x8: {  	[smem:$0x3FAC] =	sst s0  }
0x9: {  	[smem:$0x3FAD] =	sst s1  }
0xa: {  	[smem:$0x3FAE] =	sst s2  }
0xb: {  	[smem:$0x3FAF] =	sst s3  }
0xc: {  	[smem:$0x3FB0] =	sst s4  }
0xd: {  	[smem:$0x3FB1] =	sst s5  }
0xe: {  	[smem:$0x3FB2] =	sst s6  }
0xf: {  	[smem:$0x3FB3] =	sst s7  }
0x10: {  	[smem:$0x3FB4] =	sst s8  }
0x11: {  	[smem:$0x3FB5] =	sst s9;
	s0 =	simm.s32 @!p0 $0x0  }
0x12: {  	s1 =	sld [smem:$0x3F9B];
	s0 =	simm.s32 @p0 $0x1  }
0x13: {  	[smem:$0x3FB6] =	sst s0;
	s0 =	simm.s32 @!p1 $0x0  }
0x14: {  	s2 =	sld [smem:$0x3F9A];
	s0 =	simm.s32 @p1 $0x1  }
0x15: {  	[smem:$0x3FB7] =	sst s0;
	s0 =	simm.s32 @!p2 $0x0  }
0x16: {  	s3 =	sld [smem:$0x3FDB];
	s0 =	simm.s32 @p2 $0x1  }
0x17: {  	s4 =	simm.s32 $0x1BF5;
	[smem:$0x3FB9] =	sst s0  }
0x18: {  	s0 =	sld [smem:$0x3F9C];
	_ =	swait.ge [sflag:s4], $0x0  }
0x19: {  	s7 =	sld [smem:$0x3F9D]  }
0x1a: {  	s8 =	sadd.s32 $0xFFFFE003, lr  }
0x1b: {  	s9 =	sadd.s32 $0xFFFFFEF7, lr;
	s5 =	simm.s32 $0xFFFFFFFF;
	p2 =	slt.u32 s8, $0xFFFFF086  }
0x1c: {  	p1 =	slt.u32 s9, $0xF7A;
	s5 =	simm.s32 @!p2 $0x0  }
0x1d: {  	s5 =	simm.s32 @p1 $0x1;
	p0 =	seq.s32 s7, s2  }
0x1e: {  	s7 =	smul.u32 @!p0 $0xF7A, s2;
	p2 =	seq.s32 @!p0 s5, $0x0  }
0x1f: {  	s9 =	smul.u32 $0xF7A, s1;
	s8 =	simm.s32 @!p0 $0x1BF5;
	p2 =	por !p2, p0  }
0x20: {  	[sflag:s8] =	ssyncset.s32 @!p0 $0xFFFFF086;
	s6 =	sadd.s32 @!p0 s3, s7;
	s7 =	simm.s32 @!p0 $0x108  }
0x21: {  	s3 =	sadd.s32 s3, s9;
	s6 =	sadd.s32 @!p0 $0x88, s6;
	s7 =	simm.s32 @p2 $0x1082  }
0x22: {  	[simem:s7], [sflag:s8] =	dma.local @!p0 [hbm:s6], $0xF7A  }
0x23: {  	s9 =	sor.u32 $0xD0000000, s2;
	s6 =	simm.s32 $0x108;
	_ =	swait.ge @!p0 [sflag:s8], $0x0  }
0x24: {  	s3 =	sadd.s32 $0x88, s3;
	s6 =	simm.s32 @!p1 $0x1082;
	[sflag:s4] =	ssyncset.s32 $0xFFFFF086  }
0x25: {  	[simem:s6], [sflag:s4] =	dma.local [hbm:s3], $0xF7A  }
0x26: {  	[smem:$0x3F9D] =	sst s1;
	(tag) =	ssettag s2;
	_ =	strace s9  }
0x27: {  	s1 =	sld [smem:$0x3FAD]  }
0x28: {  	s2 =	sld [smem:$0x3FAE]  }
0x29: {  	s4 =	sld [smem:$0x3FB0]  }
0x2a: {  	p0 =	seq.s32 s5, $0x0;
	s5 =	sld [smem:$0x3FB1]  }
0x2b: {  	s6 =	sld [smem:$0x3FB2]  }
0x2c: {  	s7 =	sld [smem:$0x3FB3]  }
0x2d: {  	s3 =	simm.s32 $0x108;
	s8 =	sld [smem:$0x3FB4]  }
0x2e: {  	s3 =	simm.s32 @!p0 $0x1082;
	s9 =	sld [smem:$0x3FB5]  }
0x2f: {  	lr =	sadd.s32 s0, s3;
	s0 =	sld [smem:$0x3FAC]  }
0x30: {  	s3 =	sld [smem:$0x3FAF]  }
0x31: {  	[smem:$0x3FB8] =	sst s10  }
0x32: {  	s10 =	sld [smem:$0x3FB6];
	_ =	sdelay $0x3  }
0x33: {  	p0 =	seq.s32 s10, $0x1;
	s10 =	sld [smem:$0x3FB8];
	_ =	sdelay $0x3  }
0x34: {  	[smem:$0x3FB8] =	sst s10  }
0x35: {  	s10 =	sld [smem:$0x3FB7];
	_ =	sdelay $0x3  }
0x36: {  	p1 =	seq.s32 s10, $0x1;
	s10 =	sld [smem:$0x3FB8];
	_ =	sdelay $0x3  }
0x37: {  	[smem:$0x3FB8] =	sst s10  }
0x38: {  	s10 =	sld [smem:$0x3FB9]  }
0x39: {  	_ = 	snop;
	(pc) =	sbr.ind lr, $3  }
0x3a: {  	_ = 	snop  }
0x3b: {  	_ = 	snop  }
0x3c: {  	p2 =	seq.s32 s10, $0x1;
	s10 =	sld [smem:$0x3FB8]  }
0x3d: {  	_ =	shalt  }
0x3e: {  	_ =	shalt  }
0x3f: {  	_ =	shalt  }
0x40: {  	_ =	shalt  }
0x41: {  	_ =	shalt  }
0x42: {  	_ =	shalt  }
0x43: {  	_ =	shalt  }
0x44: {  	_ =	shalt  }
0x45: {  	_ =	shalt  }
0x46: {  	_ =	shalt  }
0x47: {  	_ =	shalt  }
0x48: {  	_ =	shalt  }
0x49: {  	_ =	shalt  }
0x4a: {  	_ =	shalt  }
0x4b: {  	_ =	shalt  }
0x4c: {  	_ =	shalt  }
0x4d: {  	_ =	shalt  }
0x4e: {  	_ =	shalt  }
0x4f: {  	_ =	shalt  }
0x50: {  	_ =	shalt  }
0x51: {  	_ =	shalt  }
0x52: {  	_ =	shalt  }
0x53: {  	_ =	shalt  }
0x54: {  	_ =	shalt  }
0x55: {  	_ =	shalt  }
0x56: {  	_ =	shalt  }
0x57: {  	_ =	shalt  }
0x58: {  	_ =	shalt  }
0x59: {  	_ =	shalt  }
0x5a: {  	_ =	shalt  }
0x5b: {  	_ =	shalt  }
0x5c: {  	_ =	shalt  }
0x5d: {  	_ =	shalt  }
0x5e: {  	_ =	shalt  }
0x5f: {  	_ =	shalt  }
0x60: {  	_ =	shalt  }
0x61: {  	_ =	shalt  }
0x62: {  	_ =	shalt  }
0x63: {  	_ =	shalt  }
0x64: {  	_ =	shalt  }
0x65: {  	_ =	shalt  }
0x66: {  	_ =	shalt  }
0x67: {  	_ =	shalt  }
0x68: {  	_ =	shalt  }
0x69: {  	_ =	shalt  }
0x6a: {  	_ =	shalt  }
0x6b: {  	_ =	shalt  }
0x6c: {  	_ =	shalt  }
0x6d: {  	_ =	shalt  }
0x6e: {  	_ =	shalt  }
0x6f: {  	_ =	shalt  }
0x70: {  	_ =	shalt  }
0x71: {  	_ =	shalt  }
0x72: {  	_ =	shalt  }
0x73: {  	_ =	shalt  }
0x74: {  	_ =	shalt  }
0x75: {  	_ =	shalt  }
0x76: {  	_ =	shalt  }
0x77: {  	_ =	shalt  }
0x78: {  	_ =	shalt  }
0x79: {  	_ =	shalt  }
0x7a: {  	_ =	shalt  }
0x7b: {  	_ =	shalt  }
0x7c: {  	_ =	shalt  }
0x7d: {  	_ =	shalt  }
0x7e: {  	_ =	shalt  }
0x7f: {  	_ =	shalt  }
0x80: {  	_ =	shalt  }
0x81: {  	_ =	shalt  }
0x82: {  	_ =	shalt  }
0x83: {  	_ =	shalt  }
0x84: {  	_ =	shalt  }
0x85: {  	_ =	shalt  }
0x86: {  	_ =	shalt  }
0x87: {  	_ =	shalt  }
.Lfunc_end0:
.L_simem_size_0:
called_computation.1_lowered:
.L_overlay_start_0:
0x88: {  	s2 =	sld [smem:$0x3FD9]  }
0x89: {  	s3 =	sld [smem:$0x3FFE];
	_ =	sdelay $0x1  }
0x8a: {  	s1 =	srdreg.scid  }
0x8b: {  	s0 =	sand.u32 $0x1, s1  }
0x8c: {  	s17 =	sshll.u32 s0, $0xA;
	s2 =	sadd.s32 s3, s2  }
0x8d: {  	s2 =	sadd.s32 s2, s17  }
0x8e: {  	[smem:$0x3FC4] =	sst s2  }
0x8f: {  	_ = 	snop  }
0x90: {  	s2 =	sld [smem:$0x3FC7]  }
0x91: {  	s18 =	sld [smem:$0x3FC6]  }
0x92: {  	s4 =	sld [smem:$0x3FD0];
	(tm) =	ssettm $0x1  }
0x93: {  	s5 =	sld [smem:$0x3FFB];
	_ =	sdelay $0x3  }
0x94: {  	_ =	strace s5  }
0x95: {  	s5 =	sld [smem:$0x3FFC];
	_ =	sdelay $0x3  }
0x96: {  	_ =	strace s5  }
0x97: {  	s5 =	sld [smem:$0x3FFD];
	_ =	sdelay $0x3  }
0x98: {  	_ =	strace s5  }
0x99: {  	_ =	strace $0x8FFFFFFF  }
0x9a: {  	s19 =	sld [smem:$0x3FDB];
	_ =	sdelay $0x1  }
0x9b: {  	s6 =	simm.s32 $_scs_section_size  }
0x9c: {  	s7 =	simm.s32 $_size__tile_overlayer_lowered;
	s8 =	simm.s32 $_tile_overlayer_lowered  }
0x9d: {  	s22 =	simm.s32 $0x1BFF;
	s21 =	sshll.u32 s8, $0x1;
	s5 =	sadd.s32 s6, s19  }
0x9e: {  	s9 =	simm.s32 $0x0;
	s20 =	sshll.u32 s7, $0x1;
	s7 =	sadd.s32 s21, s5  }
0x9f: {  	[timem:s9], [sflag:s22] =	dma.local [hbm:s7], s20  }
0xa0: {  	_ =	swait.ge [sflag:s22], s20  }
0xa1: {  	s6 =	ssub.s32 $0x0, s20;
	[sflag:s22] =	ssyncset.done $0x0  }
0xa2: {  	[sflag:s22] =	ssyncadd.s32 s6;
	_ =	sdelay $0x1  }
0xa3: {  	s23 =	simm.s32 $0x1B8B  }
0xa4: {  	_ =	swait.ge [sflag:s23], $0x1  }
0xa5: {  	[sflag:s23] =	ssyncset.done $0x0  }
0xa6: {  	s25 =	simm.s32 $0x1B8E;
	s24 =	sld [smem:$0x3FFE];
	[sflag:s23] =	ssyncadd.s32 $0xFFFFFFFF  }
0xa7: {  	s26 =	simm.s32 $execute0_lowered;
	[smem:$0x3FD2] =	sst s25  }
0xa8: {  	s7 =	sshll.u32 s26, $0x1;
	_ =	strace $0x80000046;
	[dreg:$0x1] =	wrdreg $0xFFFFFFFF  }
0xa9: {  	s28 =	simm.s32 $_size_execute0_lowered;
	s5 =	sadd.s32 s5, s7;
	[dreg:$0x0] =	wrdreg $0x0  }
0xaa: {  	s7 =	sshll.u32 s28, $0x1;
	[dreg:$0x2] =	wrdreg s5  }
0xab: {  	[dreg:$0x3] =	wrdreg s7  }
0xac: {  	[dreg:$0x4] =	wrdreg $0xC0  }
0xad: {  	_ =	task [dreg:s9], $0x5FFFF  }
0xae: {  	[dreg:$0x1] =	wrdreg $0xFFFFFFFF  }
0xaf: {  	[dreg:$0x0] =	wrdreg $0x60  }
0xb0: {  	[dreg:$0x2] =	wrdreg s24  }
0xb1: {  	[dreg:$0x3] =	wrdreg s2  }
0xb2: {  	[dreg:$0x4] =	wrdreg s18  }
0xb3: {  	[dreg:$0x5] =	wrdreg s4  }
0xb4: {  	[dreg:$0x6] =	wrdreg $0x9  }
0xb5: {  	_ =	task.clear_ibuf [dreg:s9], $0x7FFFF;
	_ =	strace $0x90000046  }
0xb6: {  	s29 =	simm.s32 $0x9;
	_ =	strace $0x80000048  }
0xb7: {  	_ =	swait.ge [sflag:s29], $0x1  }
0xb8: {  	[sflag:s29] =	ssyncadd.s32 $0xFFFFFFFF  }
0xb9: {  	_ =	strace $0x90000048  }
0xba: {  	_ =	sfence  }
0xbb: {  	s30 =	sld [smem:$0x0];
	_ =	sdelay $0x2  }
0xbc: {  	s31 =	sshll.u32 s1, $0xD;
	s1 =	sshrl.u32 s1, $0x2  }
0xbd: {  	s3 =	sand.u32 $0x4000, s31;
	s1 =	sadd.s32 s1, s30  }
0xbe: {  	s0 =	sor.u32 s3, s0;
	s1 =	sshll.u32 s1, $0x11  }
0xbf: {  	s0 =	sor.u32 s1, s0  }
0xc0: {  	s0 =	sadd.s32 $0x8F2B, s0  }
0xc1: {  	[sflag:s0] =	ssyncadd.remote.s32 $0x1  }
0xc2: {  	_ =	sfence.sel $0xFFFF  }
0xc3: {  	[dreg:$0x0] =	wrdreg $0xFFFFFFFF;
	(pc) =	sbr.abs _section_cstart, $3  }
0xc4: {  	[dreg:$0x1] =	wrdreg $0xFFFFFFFF  }
0xc5: {  	_ =	task.clear_ibuf [dreg:s9], $0x2FFFF;
	_ =	strace $0x9FFFFFFF  }
0xc6: {  	(tm) =	ssettm $0x7FFFFFFF  }
0xc7: {  	_ =	shalt  }
tec
execute0_lowered:
.L_overlay_start_1:
0x0: {  	(tag) =	ssettag $0x1  }
0x1: {  	s1 =	srdreg.scid;
	s2 =	stileid.u32  }
0x2: {  	s0 =	rddreg [dreg:$0x0];
	s1 =	sand.u32 $0x1, s1;
	s2 =	sshll.u32 s2, $0x1  }
0x3: {  	s5 =	rddreg [dreg:$0x3];
	s3 =	simm.s32 $0x0;
	s2 =	sor.u32 s1, s2  }
0x4: {  	[smem:$0x7FF] =	sst s3;
	s6 =	sadd.s32 $0xA00, s0;
	s21 =	smul.u32 $0xC80, s2  }
0x5: {  	_ =	strace $0x80000047;
	s1 =	ssub.s32 $0x2, s1;
	s26 =	smul.u32 $0x190000, s2  }
0x6: {  	[dreg:$0x5] =	wrdreg s6;
	s4 =	smul.u32 $0x6400, s2;
	s7 =	sshrl.u32 s1, $0x1  }
0x7: {  	s22 =	smul.u32 $0x32000, s2;
	s6 =	sadd.s32 s6, s21;
	[dreg:$0x9] =	wrdreg s26  }
0x8: {  	s23 =	ssub.s32 s1, s7;
	s25 =	sor.u32 $0x200, s4;
	[dreg:$0x6] =	wrdreg s6  }
.Ltmp0:
0x9: {  	s30 =	sor.u32 $0x300, s4;
	[dreg:$0x8] =	wrdreg s25;
	(pc) =	sbr.rel .LBB2_1-.Ltmp0, $4  }
0xa: {  	s8 =	sadd.s32 $0xF42E00, s0;
	s0 =	smax.u32 s23, $0x1;
	[dreg:$0xa] =	wrdreg s30  }
0xb: {  	s29 =	sadd.s32 s22, s5;
	s24 =	sadd.s32 $0x20, s6;
	[dreg:$0xb] =	wrdreg s0  }
0xc: {  	s31 =	sadd.s32 $0x800, s29;
	[dreg:$0x7] =	wrdreg s24  }
0xd: {  	s28 =	simm.s32 $0x1;
	s2 =	simm.s32 $0x0;
	[dreg:$0xc] =	wrdreg s31  }
.LBB2_11:
0xe: {  	s0 =	simm.s32 $0x3  }
0xf: {  	_ =	swait.ge [sflag:s0], $0x4000  }
0x10: {  	[sflag:s0] =	ssyncset.done $0x0  }
0x11: {  	s1 =	simm.s32 $0x4;
	[sflag:s0] =	ssyncadd.s32 $0xFFFFC000  }
0x12: {  	_ =	swait.ge [sflag:s1], $0x4000  }
0x13: {  	s2 =	rddreg [dreg:$0xd]  }
0x14: {  	s31 =	rddreg [dreg:$0xb];
	s2 =	sadd.s32 $0x1, s2  }
0x15: {  	p0 =	sne.s32 s2, s31  }
.Ltmp1:
0x16: {  	_ = 	snop;
	(pc) =	sbr.rel @!p0 .LBB2_12-.Ltmp1, $3  }
0x17: {  	_ =	sdelay $0x1  }
0x18: {  	[sflag:s1] =	ssyncset.done $0x0  }
0x19: {  	[sflag:s1] =	ssyncadd.s32 $0xFFFFC000  }
.LBB2_1:
0x1a: {  	[dreg:$0xd] =	wrdreg s2  }
0x1b: {  	s0 =	rddreg [dreg:$0x1]  }
0x1c: {  	s1 =	simm.s32 $0x0;
	s16 =	simm.s32 $0x10200;
	s17 =	simm.s32 $0x7  }
0x1d: {  	[tilespmem:s16], [sflag:$0x7] =	stream.linear.gather [hbm4b:s0+s1], $0x40, $0x38;
	[tilespmem:$0x10280] =	vst v63  }
0x1e: {  	_ =	swait.ge [sflag:s17], $0x40  }
0x1f: {  	[sflag:s17] =	ssyncset.done $0x0  }
0x20: {  	[sflag:s17] =	ssyncadd.s32 $0xFFFFFFC0  }
0x21: {  	s3 =	simm.s32 $0x10240;
	s18 =	rddreg [dreg:$0x2]  }
0x22: {  	[tilespmem:s3], [sflag:$0x7] =	stream.linear.gather [hbm4b:s18+s1], $0x40, $0x38;
	[tilespmem:$0x10280] =	vst v63  }
0x23: {  	_ =	swait.ge [sflag:s17], $0x40  }
0x24: {  	[sflag:s17] =	ssyncset.done $0x0  }
0x25: {  	s20 =	simm.s32 $0x5;
	s19 =	rddreg [dreg:$0x6];
	[sflag:s17] =	ssyncadd.s32 $0xFFFFFFC0  }
0x26: {  	[tilespmem:s1], [sflag:$0x5] =	stream.linear.gather [hbm4b:s19+s1], $0x100, $0x38;
	[tilespmem:$0x10280] =	vst v63  }
0x27: {  	_ =	swait.ge [sflag:s20], $0x100  }
0x28: {  	[sflag:s20] =	ssyncset.done $0x0  }
0x29: {  	s21 =	simm.s32 $0x80;
	s22 =	simm.s32 $0x200;
	[sflag:s20] =	ssyncadd.s32 $0xFFFFFF00  }
0x2a: {  	[tilespmem:s22], [sflag:$0x1] =	stream.indirect.gather [hbm4b:s8+s21], $0x40, s1, s21, $0xb8;
	[tilespmem:$0x10280] =	vst v63  }
0x2b: {  	s23 =	simm.s32 $0x2200  }
0x2c: {  	[tilespmem:s23], [sflag:$0x1] =	stream.indirect.gather [hbm4b:s8+s21], $0x40, s21, s21, $0xb8;
	[tilespmem:$0x10280] =	vst v63  }
0x2d: {  	s25 =	simm.s32 $0x100;
	s26 =	simm.s32 $0x6;
	s24 =	rddreg [dreg:$0x7]  }
0x2e: {  	[tilespmem:s25], [sflag:$0x6] =	stream.linear.gather [hbm4b:s24+s1], $0x100, $0x38;
	[tilespmem:$0x10280] =	vst v63  }
0x2f: {  	_ =	swait.ge [sflag:s26], $0x100  }
0x30: {  	[sflag:s26] =	ssyncset.done $0x0  }
0x31: {  	s29 =	simm.s32 $0x4200;
	[sflag:s26] =	ssyncadd.s32 $0xFFFFFF00  }
0x32: {  	[tilespmem:s29], [sflag:$0x2] =	stream.indirect.gather [hbm4b:s8+s21], $0x40, s25, s21, $0xb8;
	[tilespmem:$0x10280] =	vst v63  }
0x33: {  	s30 =	simm.s32 $0x180;
	s31 =	simm.s32 $0x6200;
	s1 =	simm.s32 $0x0  }
0x34: {  	[tilespmem:s31], [sflag:$0x2] =	stream.indirect.gather [hbm4b:s8+s21], $0x40, s30, s21, $0xb8;
	[tilespmem:$0x10280] =	vst v63  }
.LBB2_2:
0x35: {  	_ =	swait.ge [sflag:s28], $0x2000  }
0x36: {  	p0 =	seq.s32 s1, $0x31;
	[sflag:s28] =	ssyncset.done $0x0  }
0x37: {  	p1 =	seq.s32 @!p0 s1, $0x0;
	[sflag:s28] =	ssyncadd.s32 $0xFFFFE000  }
0x38: {  	p1 =	por p0, !p1;
	_ =	swait.ge [sflag:s28], $0x2000  }
.Ltmp2:
0x39: {  	s3 =	sshll.u32 @!p0 s1, $0x9;
	s0 =	rddreg [dreg:$0x8];
	(pc) =	sbr.rel @!p1 .LBB2_3-.Ltmp2, $4  }
0x3a: {  	s0 =	sadd.s32 @!p0 s3, s0  }
0x3b: {  	[sflag:s28] =	ssyncset.done $0x0;
	s2 =	rddreg [dreg:$0x5];
	s0 =	sshrl.u32 @!p0 s0, $0x3  }
0x3c: {  	[sflag:s28] =	ssyncadd.s32 $0xFFFFE000;
	s0 =	sadd.s32 @!p0 s2, s0;
	s2 =	simm.s32 @!p0 $0x0  }
0x3d: {  	[tilespmem:s2], [sflag:$0x5] =	stream.linear.gather @!p0 [hbm4b:s0+s2], $0x100, $0x38;
	[tilespmem:$0x10280] =	vst v63  }
.Ltmp3:
0x3e: {  	(pc) =	sbr.rel .LBB2_5-.Ltmp3, $4  }
0x3f: {  	s0 =	simm.s32 $0x3  }
0x40: {  	_ =	swait.ge [sflag:s0], $0x4000  }
0x41: {  	[sflag:s0] =	ssyncset.done $0x0  }
0x42: {  	p1 =	por $0x0, $0x0;
	[sflag:s0] =	ssyncadd.s32 $0xFFFFC000  }
.LBB2_3:
0x43: {  	p1 =	por @!p0 $0x1, $0x1  }
.LBB2_5:
0x44: {  	s0 =	simm.s32 $0x300  }
0x45: {  	v15 =	vld [tilespmem:s0+$0xC0]  }
0x46: {  	v16 =	vld [tilespmem:s0+$0xD0]  }
0x47: {  	v17 =	vld [tilespmem:s0+$0xE0]  }
0x48: {  	v18 =	vld [tilespmem:s0+$0xF0];
	_ =	sdelay $0x3  }
0x49: {  	v14 =	vld [tilespmem:s0+$0xFFFFFF10]  }
0x4a: {  	v2 =	vld [tilespmem:s0+$0xFFFFFF20];
	v0 =	vadd.f32 v16, v15;
	v1 =	vadd.f32 v18, v17  }
0x4b: {  	v13 =	vld [tilespmem:s0+$0xFFFFFF30]  }
0x4c: {  	v19 =	vld [tilespmem:s0+$0xFFFFFF40];
	v0 =	vadd.f32 v1, v0  }
0x4d: {  	v20 =	vld [tilespmem:s0+$0xFFFFFF50]  }
0x4e: {  	v21 =	vld [tilespmem:s0+$0xFFFFFF60];
	(xrf2) =	vadd.scan.msk.f32 $0xffff, v0  }
0x4f: {  	v23 =	vld [tilespmem:s0+$0xFFFFFF70]  }
0x50: {  	v24 =	vld [tilespmem:s0+$0xFFFFFF80]  }
0x51: {  	v26 =	vld [tilespmem:s0+$0xFFFFFF90]  }
0x52: {  	v29 =	vld [tilespmem:s0+$0xFFFFFFA0]  }
0x53: {  	v30 =	vld [tilespmem:s0+$0xFFFFFFB0]  }
0x54: {  	v31 =	vld [tilespmem:s0+$0xFFFFFFC0]  }
0x55: {  	v32 =	vld [tilespmem:s0+$0xFFFFFFD0]  }
0x56: {  	v33 =	vld [tilespmem:s0+$0xFFFFFFE0]  }
0x57: {  	v34 =	vld [tilespmem:s0+$0xFFFFFFF0]  }
0x58: {  	v11 =	vld [tilespmem:s0+$0x0];
	v1 =	vadd.f32 v23, v21;
	v0, _, _ =	vpop (xrf2)  }
0x59: {  	v8 =	vld [tilespmem:s0+$0x10];
	(v2sf) =	vpush v0, $0xF;
	v0 =	vadd.f32 v20, v19  }
0x5a: {  	v9 =	vld [tilespmem:s0+$0x20]  }
0x5b: {  	v10 =	vld [tilespmem:s0+$0x30];
	v0 =	vadd.f32 v1, v0  }
0x5c: {  	v4 =	vld [tilespmem:s0+$0x40]  }
0x5d: {  	v12 =	vld [tilespmem:s0+$0x50];
	(xrf2) =	vadd.scan.msk.f32 $0xffff, v0  }
0x5e: {  	v35 =	vld [tilespmem:s0+$0xFFFFFF00];
	v3 =	vadd.f32 v30, v29;
	v1 =	vadd.f32 v26, v24  }
0x5f: {  	v5 =	vld [tilespmem:s0+$0x60]  }
0x60: {  	v0 =	vadd.f32 v3, v1;
	v3 =	vld [tilespmem:s0+$0x70]  }
0x61: {  	v6 =	vadd.f32 v34, v33;
	v1 =	vadd.f32 v32, v31  }
0x62: {  	v7 =	vadd.f32 v13, v2  }
0x63: {  	v27 =	vadd.f32 v14, v35;
	(xrf2) =	vadd.scan.msk.f32 $0xffff, v0;
	v1 =	vadd.f32 v6, v1  }
0x64: {  	v0 =	vadd.f32 v8, v11;
	v6 =	vadd.f32 v10, v9  }
0x65: {  	v22 =	vadd.f32 v12, v4;
	v25 =	vadd.f32 v3, v5  }
0x66: {  	v6 =	vadd.f32 v6, v0  }
0x67: {  	v22 =	vadd.f32 v25, v22;
	v25 =	vadd.f32 v7, v27;
	v27, _, _ =	vpop (xrf2)  }
0x68: {  	v0 =	vld [tilespmem:s0+$0x80];
	(xrf2) =	vadd.scan.msk.f32 $0xffff, v1;
	s2 =	spop (v2sf);
	(v2sf) =	vpush v27, $0xF  }
0x69: {  	v1 =	vld [tilespmem:s0+$0x90];
	(xrf2) =	vadd.scan.msk.f32 $0xffff, v6;
	s2 =	smul.f32 $1.562500000e-02, s2  }
0x6a: {  	v6 =	vld [tilespmem:s0+$0xA0];
	(xrf2) =	vadd.scan.msk.f32 $0xffff, v22  }
0x6b: {  	v7 =	vld [tilespmem:s0+$0xB0];
	(xrf2) =	vadd.scan.msk.f32 $0xffff, v25;
	v25 =	vmov s2  }
0x6c: {  	v22 =	vsub.f32 v15, v25;
	v27 =	vsub.f32 v16, v25  }
0x6d: {  	v48 =	vsub.f32 v17, v25;
	v46 =	vsub.f32 v18, v25;
	v15, _, _ =	vpop (xrf2)  }
0x6e: {  	(v2sf) =	vpush v15, $0xF;
	v16 =	vmul.f32 v22, v22;
	v17 =	vmul.f32 v27, v27  }
0x6f: {  	v15 =	vmul.f32 v48, v48;
	v18 =	vmul.f32 v46, v46  }
0x70: {  	v36 =	vadd.f32 v1, v0;
	v37 =	vadd.f32 v7, v6  }
0x71: {  	v16 =	vadd.f32 v17, v16;
	v15 =	vadd.f32 v18, v15  }
0x72: {  	v17 =	vadd.f32 v37, v36  }
0x73: {  	v18, _, _ =	vpop (xrf2);
	v15 =	vadd.f32 v15, v16  }
0x74: {  	(xrf2) =	vadd.scan.msk.f32 $0xffff, v17;
	(v2sf) =	vpush v18, $0xF;
	v18, _, _ =	vpop (xrf2)  }
0x75: {  	(v2sf) =	vpush v18, $0xF;
	v16, _, _ =	vpop (xrf2);
	(xrf2) =	vadd.scan.msk.f32 $0xffff, v15  }
0x76: {  	(v2sf) =	vpush v16, $0xF;
	v16, _, _ =	vpop (xrf2)  }
0x77: {  	(v2sf) =	vpush v16, $0xF;
	s6 =	spop (v2sf)  }
0x78: {  	s0 =	smul.f32 $1.562500000e-02, s6;
	_ =	sdelay $0x1  }
0x79: {  	v15 =	vmov s0  }
0x7a: {  	v18 =	vsub.f32 v21, v15  }
0x7b: {  	v57 =	vsub.f32 v19, v15;
	v19 =	vsub.f32 v23, v15  }
0x7c: {  	v60 =	vsub.f32 v20, v15;
	s7 =	spop (v2sf);
	[tilespmem:$0x1FFA0] =	vst v18  }
0x7d: {  	v16, _, _ =	vpop (xrf2);
	s0 =	smul.f32 $1.562500000e-02, s7;
	[tilespmem:$0x1FFB0] =	vst v19;
	v18 =	vmul.f32 v18, v18;
	v19 =	vmul.f32 v19, v19  }
0x7e: {  	(v2sf) =	vpush v16, $0xF;
	v17 =	vmul.f32 v60, v60;
	v16, _, _ =	vpop (xrf2)  }
0x7f: {  	(v2sf) =	vpush v16, $0xF;
	v15 =	vmov s0;
	v18 =	vadd.f32 v19, v18  }
0x80: {  	v16 =	vmul.f32 v57, v57;
	v62 =	vsub.f32 v24, v15;
	v58 =	vsub.f32 v26, v15  }
0x81: {  	v21 =	vsub.f32 v29, v15;
	v23 =	vsub.f32 v30, v15  }
0x82: {  	v16 =	vadd.f32 v17, v16;
	s9 =	spop (v2sf);
	v15 =	vmul.f32 v62, v62;
	v20 =	vmul.f32 v58, v58  }
0x83: {  	[tilespmem:$0x1FFD0] =	vst v21;
	v21 =	vmul.f32 v21, v21;
	v19 =	vmul.f32 v23, v23;
	s0 =	smul.f32 $1.562500000e-02, s9;
	s10 =	spop (v2sf)  }
0x84: {  	v16 =	vadd.f32 v18, v16;
	s4 =	spop (v2sf)  }
0x85: {  	v15 =	vadd.f32 v20, v15;
	v19 =	vadd.f32 v19, v21;
	v17 =	vmov s0;
	s11 =	spop (v2sf);
	s14 =	smul.f32 $1.562500000e-02, s4  }
0x86: {  	v56 =	vsub.f32 v31, v17;
	s0 =	smul.f32 $1.562500000e-02, s11;
	v63 =	vsub.f32 v32, v17  }
0x87: {  	v25 =	vsub.f32 v33, v17;
	v55 =	vsub.f32 v34, v17  }
0x88: {  	[tilespmem:$0x1FFE0] =	vst v23;
	v61 =	vmov s14;
	v23 =	vmul.f32 v56, v56;
	v18 =	vmov s0  }
0x89: {  	(xrf2) =	vadd.scan.msk.f32 $0xffff, v16;
	v24 =	vmul.f32 v63, v63;
	v33 =	vsub.f32 v12, v61;
	v34 =	vsub.f32 v5, v61  }
0x8a: {  	v47 =	vmul.f32 v25, v25;
	v49 =	vsub.f32 v35, v18;
	v50 =	vsub.f32 v14, v18  }
0x8b: {  	v20 =	vmul.f32 v55, v55;
	v2 =	vsub.f32 v2, v18;
	v53 =	vsub.f32 v13, v18  }
0x8c: {  	v5 =	vadd.f32 v19, v15;
	v59 =	vmul.f32 v49, v49;
	v16 =	vmul.f32 v50, v50  }
0x8d: {  	s12 =	smul.f32 $1.562500000e-02, s10;
	v35 =	vsub.f32 v3, v61;
	v17 =	vmul.f32 v2, v2;
	v18 =	vmul.f32 v53, v53  }
0x8e: {  	v21 =	vadd.f32 v24, v23;
	v14 =	vadd.f32 v20, v47  }
0x8f: {  	[tilespmem:$0x1FFF0] =	vst v25;
	v23 =	vmov s12;
	v13 =	vadd.f32 v16, v59;
	v16 =	vadd.f32 v18, v17  }
0x90: {  	[tilespmem:$0x1FE50] =	vst v33;
	v54 =	vsub.f32 v8, v23;
	s13 =	spop (v2sf);
	v39 =	vadd.f32 v14, v21  }
0x91: {  	[tilespmem:$0x1FE60] =	vst v34;
	v59 =	vsub.f32 v11, v23;
	s0 =	smul.f32 $1.562500000e-02, s13;
	v8 =	vadd.f32 v16, v13  }
0x92: {  	v12 =	vmul.f32 v34, v34;
	[tilespmem:$0x1FE70] =	vst v35;
	v18 =	vsub.f32 v10, v23;
	v17 =	vsub.f32 v4, v61  }
0x93: {  	v4 =	vmul.f32 v54, v54;
	s15 =	spop (v2sf);
	v16 =	vsub.f32 v9, v23;
	v36, _, _ =	vpop (xrf2);
	v38 =	vmov s0;
	(xrf2) =	vadd.scan.msk.f32 $0xffff, v8  }
0x94: {  	s4 =	smul.f32 $1.562500000e-02, s15;
	v32 =	vmul.f32 v59, v59;
	[tilespmem:$0x1FE30] =	vst v18;
	(v2sf) =	vpush v36, $0xF;
	v40 =	vsub.f32 v0, v38  }
0x95: {  	[tilespmem:$0x1FE40] =	vst v17;
	v6 =	vsub.f32 v6, v38;
	v3 =	vmul.f32 v16, v16;
	v8 =	vmul.f32 v18, v18  }
0x96: {  	v37 =	vmul.f32 v17, v17;
	v7 =	vsub.f32 v7, v38;
	s16 =	sadd.f32 $9.999999740e-06, s4;
	[tilespmem:$0x1FE20] =	vst v16;
	v4 =	vadd.f32 v4, v32  }
0x97: {  	(xrf2) =	vadd.scan.msk.f32 $0xffff, v5;
	[tilespmem:$0x1FE80] =	vst v40;
	v0 =	vadd.f32 v8, v3;
	v3 =	vmul.f32 v35, v35  }
0x98: {  	v5 =	vmul.f32 v33, v33;
	[tilespmem:$0x1FEA0] =	vst v6;
	s4 =	sshra.s32 s16, $0x1;
	s2 =	smul.f32 $5.000000000e-01, s16;
	v8 =	vsub.f32 v1, v38;
	(xrf2) =	vadd.scan.msk.f32 $0xffff, v39  }
0x99: {  	v6 =	vmul.f32 v6, v6;
	[tilespmem:$0x1FEB0] =	vst v7;
	v7 =	vmul.f32 v7, v7;
	s4 =	ssub.s32 $0x5F3759DF, s4;
	v3 =	vadd.f32 v3, v12  }
0x9a: {  	v1 =	vmul.f32 v40, v40;
	s16 =	simm.s32 $0x500;
	s17 =	smul.f32 s4, s2;
	v0 =	vadd.f32 v0, v4;
	[tilespmem:$0x1FE90] =	vst v8;
	v4 =	vmul.f32 v8, v8  }
0x9b: {  	v5 =	vadd.f32 v5, v37;
	v21 =	vld [tilespmem:s16+$0xC0]  }
0x9c: {  	v36 =	vld [tilespmem:s16+$0xE0];
	s0 =	smul.f32 s4, s17;
	(xrf2) =	vadd.scan.msk.f32 $0xffff, v0;
	v0 =	vadd.f32 v4, v1;
	v4 =	vadd.f32 v7, v6  }
0x9d: {  	v37 =	vld [tilespmem:s16+$0xF0];
	v1 =	vadd.f32 v3, v5;
	v3, _, _ =	vpop (xrf2)  }
0x9e: {  	v33 =	vld [tilespmem:s16+$0xD0];
	s0 =	ssub.f32 $1.500000000e+00, s0;
	v0 =	vadd.f32 v4, v0;
	(v2sf) =	vpush v3, $0xF;
	_ =	sdelay $0x1  }
0x9f: {  	s0 =	smul.f32 s4, s0  }
0xa0: {  	(xrf2) =	vadd.scan.msk.f32 $0xffff, v1;
	v1, _, _ =	vpop (xrf2)  }
0xa1: {  	v4 =	vadd.f32 v37, v36;
	(xrf2) =	vadd.scan.msk.f32 $0xffff, v0;
	s4 =	smul.f32 s0, s2;
	(v2sf) =	vpush v1, $0xF;
	v0, _, _ =	vpop (xrf2)  }
0xa2: {  	v3 =	vadd.f32 v33, v21;
	(v2sf) =	vpush v0, $0xF  }
0xa3: {  	s4 =	smul.f32 s4, s0  }
0xa4: {  	v3 =	vadd.f32 v4, v3  }
0xa5: {  	v20 =	vld [tilespmem:s16+$0xFFFFFF40];
	s4 =	ssub.f32 $1.500000000e+00, s4;
	v0, _, _ =	vpop (xrf2)  }
0xa6: {  	v16 =	vld [tilespmem:s16+$0xFFFFFF50];
	(xrf2) =	vadd.scan.msk.f32 $0xffff, v3;
	(v2sf) =	vpush v0, $0xF  }
0xa7: {  	v31 =	vld [tilespmem:s16+$0xFFFFFF60];
	s7 =	spop (v2sf);
	s0 =	smul.f32 s4, s0  }
0xa8: {  	v30 =	vld [tilespmem:s16+$0xFFFFFF70];
	s18 =	smul.f32 $1.562500000e-02, s7  }
0xa9: {  	v18 =	vld [tilespmem:s16+$0xFFFFFF80];
	s2 =	smul.f32 s0, s2  }
0xaa: {  	v19 =	vld [tilespmem:s16+$0xFFFFFF90];
	s4 =	sadd.f32 $9.999999740e-06, s18;
	v0, _, _ =	vpop (xrf2)  }
0xab: {  	v17 =	vld [tilespmem:s16+$0xFFFFFFA0];
	(v2sf) =	vpush v0, $0xF;
	v1, _, _ =	vpop (xrf2);
	s19 =	smul.f32 s2, s0  }
0xac: {  	v29 =	vld [tilespmem:s16+$0xFFFFFFB0];
	s9 =	sshra.s32 s4, $0x1;
	s2 =	smul.f32 $5.000000000e-01, s4;
	s22 =	spop (v2sf);
	(v2sf) =	vpush v1, $0xF  }
0xad: {  	v23 =	vld [tilespmem:s16+$0xFFFFFFC0];
	s10 =	ssub.s32 $0x5F3759DF, s9;
	s20 =	ssub.f32 $1.500000000e+00, s19  }
0xae: {  	v24 =	vld [tilespmem:s16+$0xFFFFFFD0];
	s21 =	smul.f32 s10, s2  }
0xaf: {  	v26 =	vld [tilespmem:s16+$0xFFFFFFE0];
	s0 =	smul.f32 s20, s0  }
0xb0: {  	v15 =	vld [tilespmem:s16+$0xFFFFFFF0];
	v4 =	vadd.f32 v30, v31;
	v3 =	vadd.f32 v16, v20;
	v7, _, _ =	vpop (xrf2);
	s4 =	smul.f32 $1.562500000e-02, s22;
	s23 =	spop (v2sf)  }
0xb1: {  	v9 =	vld [tilespmem:s16+$0x20];
	s24 =	smul.f32 $1.562500000e-02, s23;
	s25 =	spop (v2sf);
	(v2sf) =	vpush v7, $0xF  }
0xb2: {  	v14 =	vld [tilespmem:s16+$0x30];
	v4 =	vadd.f32 v4, v3;
	s11 =	sadd.f32 $9.999999740e-06, s4;
	s26 =	smul.f32 $1.562500000e-02, s25  }
0xb3: {  	v10 =	vld [tilespmem:s16+$0x60];
	s18 =	smul.f32 s10, s21;
	s15 =	sadd.f32 $9.999999740e-06, s24  }
0xb4: {  	v5 =	vadd.f32 v19, v18;
	v6 =	vadd.f32 v29, v17;
	v3 =	vld [tilespmem:s16+$0x0];
	(xrf2) =	vadd.scan.msk.f32 $0xffff, v4;
	s4 =	smul.f32 $5.000000000e-01, s11;
	s17 =	sadd.f32 $9.999999740e-06, s26  }
0xb5: {  	v8 =	vadd.f32 v24, v23;
	v4 =	vld [tilespmem:s16+$0x10];
	s7 =	smul.f32 $5.000000000e-01, s15;
	s29 =	spop (v2sf)  }
0xb6: {  	v11 =	vld [tilespmem:s16+$0x70];
	v41 =	vadd.f32 v15, v26;
	v5 =	vadd.f32 v6, v5;
	s11 =	sshra.s32 s11, $0x1;
	s13 =	smul.f32 $1.562500000e-02, s29  }
0xb7: {  	v38 =	vld [tilespmem:s16+$0xFFFFFF30];
	s24 =	ssub.s32 $0x5F3759DF, s11;
	s31 =	sshra.s32 s15, $0x1;
	s9 =	smul.f32 $5.000000000e-01, s17  }
0xb8: {  	v32 =	vld [tilespmem:s16+$0xFFFFFF00];
	(xrf2) =	vadd.scan.msk.f32 $0xffff, v5;
	v5 =	vadd.f32 v41, v8;
	s11 =	ssub.s32 $0x5F3759DF, s31;
	s25 =	smul.f32 s24, s4  }
0xb9: {  	v6 =	vld [tilespmem:s16+$0x40];
	s26 =	smul.f32 s11, s7;
	s20 =	sadd.f32 $9.999999740e-06, s13  }
0xba: {  	v42 =	vadd.f32 v14, v9;
	v0 =	vld [tilespmem:s16+$0xFFFFFF10];
	(xrf2) =	vadd.scan.msk.f32 $0xffff, v5;
	v5 =	vadd.f32 v4, v3;
	s25 =	smul.f32 s24, s25;
	s30 =	spop (v2sf)  }
0xbb: {  	v7 =	vld [tilespmem:s16+$0x50];
	s13 =	smul.f32 $5.000000000e-01, s20;
	s22 =	spop (v2sf)  }
0xbc: {  	v1 =	vld [tilespmem:s16+$0xFFFFFF20];
	v44 =	vadd.f32 v42, v5;
	s17 =	sshra.s32 s17, $0x1;
	s20 =	sshra.s32 s20, $0x1;
	s22 =	smul.f32 $1.562500000e-02, s22  }
0xbd: {  	v12 =	vld [tilespmem:s16+$0x80];
	s21 =	smul.f32 $1.562500000e-02, s30;
	s23 =	ssub.f32 $1.500000000e+00, s25;
	s20 =	ssub.s32 $0x5F3759DF, s20  }
0xbe: {  	v13 =	vld [tilespmem:s16+$0xB0];
	v43, _, _ =	vpop (xrf2);
	(xrf2) =	vadd.scan.msk.f32 $0xffff, v44;
	s29 =	ssub.s32 $0x5F3759DF, s17;
	s6 =	smul.f32 s20, s13;
	s22 =	sadd.f32 $9.999999740e-06, s22  }
0xbf: {  	v8 =	vld [tilespmem:s16+$0x90];
	s30 =	smul.f32 s29, s9;
	s21 =	sadd.f32 $9.999999740e-06, s21  }
0xc0: {  	v39 =	vadd.f32 v11, v10;
	v5 =	vld [tilespmem:s16+$0xA0];
	v45 =	vadd.f32 v7, v6;
	s16 =	smul.f32 s20, s6;
	s6 =	spop (v2sf);
	s5 =	sshra.s32 s22, $0x1  }
0xc1: {  	v61 =	vadd.f32 v0, v32;
	v52 =	vadd.f32 v38, v1;
	s12 =	ssub.s32 $0x5F3759DF, s5;
	s5 =	ssub.f32 $1.500000000e+00, s18;
	s18 =	smul.f32 s24, s23  }
0xc2: {  	v51, _, _ =	vpop (xrf2);
	v47 =	vadd.f32 v39, v45;
	(v2sf) =	vpush v43, $0xF;
	s23 =	smul.f32 $1.562500000e-02, s6  }
0xc3: {  	v34 =	vadd.f32 v52, v61;
	s15 =	smul.f32 $5.000000000e-01, s21;
	s21 =	sshra.s32 s21, $0x1;
	(v2sf) =	vpush v51, $0xF  }
0xc4: {  	v44 =	vadd.f32 v8, v12;
	(xrf2) =	vadd.scan.msk.f32 $0xffff, v47;
	s30 =	smul.f32 s29, s30;
	s31 =	ssub.s32 $0x5F3759DF, s21;
	v45 =	vmov s23  }
0xc5: {  	(xrf2) =	vadd.scan.msk.f32 $0xffff, v34;
	s19 =	smul.f32 s31, s15;
	v35 =	vsub.f32 v21, v45;
	v34 =	vsub.f32 v33, v45  }
0xc6: {  	s26 =	smul.f32 s11, s26;
	s30 =	ssub.f32 $1.500000000e+00, s30;
	v33 =	vsub.f32 v36, v45;
	v36 =	vsub.f32 v37, v45  }
0xc7: {  	v40 =	vadd.f32 v13, v5;
	v41, _, _ =	vpop (xrf2);
	s25 =	smul.f32 s31, s19;
	v21 =	vmul.f32 v35, v35;
	v47 =	vmul.f32 v34, v34  }
0xc8: {  	v51, _, _ =	vpop (xrf2);
	(v2sf) =	vpush v41, $0xF;
	s19 =	ssub.f32 $1.500000000e+00, s26;
	s26 =	smul.f32 s29, s30;
	v52 =	vmul.f32 v33, v33;
	v61 =	vmul.f32 v36, v36  }
0xc9: {  	v39 =	vadd.f32 v40, v44;
	(v2sf) =	vpush v51, $0xF;
	s17 =	smul.f32 $5.000000000e-01, s22  }
0xca: {  	s21 =	smul.f32 s11, s19;
	v21 =	vadd.f32 v47, v21;
	v42 =	vadd.f32 v61, v52  }
0xcb: {  	s14 =	smul.f32 s12, s17  }
0xcc: {  	(xrf2) =	vadd.scan.msk.f32 $0xffff, v39;
	s6 =	ssub.f32 $1.500000000e+00, s25;
	s22 =	smul.f32 s10, s5;
	v21 =	vadd.f32 v42, v21  }
0xcd: {  	s14 =	smul.f32 s12, s14  }
0xce: {  	s25 =	smul.f32 s31, s6;
	(xrf2) =	vadd.scan.msk.f32 $0xffff, v21  }
0xcf: {  	s24 =	smul.f32 s21, s7;
	s14 =	ssub.f32 $1.500000000e+00, s14  }
0xd0: {  	v43, _, _ =	vpop (xrf2);
	s5 =	ssub.f32 $1.500000000e+00, s16;
	s6 =	smul.f32 s26, s9  }
0xd1: {  	s16 =	smul.f32 s12, s14;
	s12 =	spop (v2sf);
	(v2sf) =	vpush v43, $0xF;
	v21, _, _ =	vpop (xrf2)  }
0xd2: {  	s11 =	smul.f32 $1.562500000e-02, s12;
	s19 =	spop (v2sf);
	(v2sf) =	vpush v21, $0xF  }
0xd3: {  	s14 =	smul.f32 s22, s2  }
0xd4: {  	s20 =	smul.f32 s20, s5;
	v44 =	vmov s11  }
0xd5: {  	s12 =	smul.f32 s14, s22;
	v45 =	vsub.f32 v20, v44  }
0xd6: {  	s29 =	smul.f32 $1.562500000e-02, s19;
	v20 =	vsub.f32 v16, v44;
	v16 =	vsub.f32 v31, v44;
	v21, _, _ =	vpop (xrf2)  }
0xd7: {  	s14 =	smul.f32 s24, s21;
	s5 =	spop (v2sf);
	(v2sf) =	vpush v21, $0xF;
	v21 =	vsub.f32 v30, v44  }
0xd8: {  	s24 =	smul.f32 s6, s26;
	v30 =	vmov s29;
	v47 =	vmul.f32 v20, v20;
	v51 =	vmul.f32 v16, v16;
	v31, _, _ =	vpop (xrf2)  }
0xd9: {  	s5 =	smul.f32 $1.562500000e-02, s5;
	s6 =	spop (v2sf);
	v18 =	vsub.f32 v18, v30;
	(v2sf) =	vpush v31, $0xF;
	v31 =	vmul.f32 v45, v45  }
0xda: {  	v42 =	vsub.f32 v19, v30;
	v61 =	vsub.f32 v17, v30;
	v52 =	vmul.f32 v21, v21  }
0xdb: {  	s10 =	smul.f32 s18, s4;
	[tilespmem:$0x1FED0] =	vst v20;
	v20 =	vsub.f32 v29, v30;
	v29 =	vadd.f32 v47, v31;
	v31 =	vmov s5  }
0xdc: {  	s23 =	smul.f32 s20, s13;
	[tilespmem:$0x1FEE0] =	vst v16;
	v30 =	vadd.f32 v52, v51;
	v16 =	vsub.f32 v23, v31  }
0xdd: {  	s10 =	smul.f32 s10, s18;
	v19 =	vsub.f32 v24, v31;
	v17 =	vsub.f32 v26, v31;
	v23 =	vmul.f32 v18, v18  }
0xde: {  	s11 =	smul.f32 s23, s20;
	s12 =	ssub.f32 $1.500000000e+00, s12;
	[tilespmem:$0x1FEF0] =	vst v18;
	v24 =	vmul.f32 v42, v42;
	v18 =	vsub.f32 v15, v31;
	v15 =	vmul.f32 v61, v61  }
0xdf: {  	s30 =	smul.f32 $1.562500000e-02, s6;
	s6 =	ssub.f32 $1.500000000e+00, s24;
	v26 =	vmul.f32 v20, v20;
	v29 =	vadd.f32 v30, v29;
	v30 =	vmul.f32 v16, v16  }
0xe0: {  	s24 =	smul.f32 s12, s22;
	s23 =	spop (v2sf);
	v31 =	vmul.f32 v19, v19;
	v44 =	vmul.f32 v17, v17  }
0xe1: {  	[tilespmem:$0x1FEC0] =	vst v45;
	s29 =	smul.f32 $1.562500000e-02, s23;
	v52 =	vadd.f32 v24, v23;
	v15 =	vadd.f32 v26, v15;
	v23 =	vmov s30;
	s23 =	spop (v2sf)  }
0xe2: {  	s12 =	ssub.f32 $1.500000000e+00, s11;
	[tilespmem:$0x1FF00] =	vst v42;
	v45 =	vmul.f32 v18, v18;
	v42 =	vsub.f32 v4, v23;
	v43 =	vsub.f32 v9, v23;
	s11 =	smul.f32 $1.562500000e-02, s23  }
0xe3: {  	s31 =	smul.f32 s25, s15;
	(xrf2) =	vadd.scan.msk.f32 $0xffff, v29;
	v37 =	vsub.f32 v14, v23;
	v26 =	vadd.f32 v31, v30  }
0xe4: {  	s10 =	ssub.f32 $1.500000000e+00, s10;
	v29 =	vadd.f32 v45, v44;
	v44 =	vsub.f32 v3, v23;
	v3 =	vmov s11  }
0xe5: {  	s31 =	smul.f32 s31, s25;
	s14 =	ssub.f32 $1.500000000e+00, s14;
	v4 =	vsub.f32 v32, v3;
	v30 =	vsub.f32 v0, v3  }
0xe6: {  	s10 =	smul.f32 s10, s18;
	v24 =	vsub.f32 v1, v3;
	v51 =	vsub.f32 v38, v3;
	v0 =	vmov s29  }
0xe7: {  	s22 =	smul.f32 s14, s21;
	v1 =	vmul.f32 v44, v44;
	v3 =	vmul.f32 v42, v42;
	v40 =	vsub.f32 v6, v0  }
0xe8: {  	s21 =	smul.f32 s6, s26;
	s6 =	spop (v2sf);
	v41 =	vsub.f32 v7, v0;
	[tilespmem:$0x1FF20] =	vst v4;
	v4 =	vmul.f32 v4, v4;
	v6 =	vmul.f32 v30, v30  }
0xe9: {  	[tilespmem:$0x1FF10] =	vst v61;
	v61 =	vld [tilespmem:$0x10200];
	s5 =	smul.f32 $1.562500000e-02, s6;
	v39 =	vsub.f32 v10, v0;
	v7 =	vmul.f32 v24, v24;
	v47 =	vmul.f32 v51, v51  }
0xea: {  	s19 =	smul.f32 s16, s17;
	v14 =	vld [tilespmem:$0x10270];
	v38 =	vsub.f32 v11, v0;
	v0 =	vadd.f32 v3, v1  }
0xeb: {  	s4 =	smul.f32 s10, s4;
	v32 =	vld [tilespmem:$0x10230];
	v1 =	vadd.f32 v6, v4;
	v3 =	vadd.f32 v47, v7;
	v4 =	vmov s5  }
0xec: {  	s19 =	smul.f32 s19, s16;
	s26 =	ssub.f32 $1.500000000e+00, s31;
	v7 =	vmul.f32 v37, v37;
	v28 =	vsub.f32 v12, v4;
	v25 =	vsub.f32 v8, v4  }
0xed: {  	s20 =	smul.f32 s12, s20;
	v47 =	vsub.f32 v5, v4;
	v5 =	vmul.f32 v40, v40;
	v8 =	vmul.f32 v41, v41;
	v6, _, _ =	vpop (xrf2)  }
0xee: {  	s18 =	smul.f32 s26, s25;
	[tilespmem:$0x1FF40] =	vst v61;
	s25 =	spop (v2sf);
	v45 =	vsub.f32 v13, v4;
	v12 =	vld [tilespmem:$0x10210];
	(v2sf) =	vpush v6, $0xF;
	v6 =	vmul.f32 v43, v43  }
0xef: {  	s31 =	ssub.f32 $1.500000000e+00, s19;
	s19 =	smul.f32 s24, s2;
	[tilespmem:$0x1FF70] =	vst v14;
	v13 =	vld [tilespmem:$0x10220];
	v1 =	vadd.f32 v3, v1;
	v3 =	vadd.f32 v15, v52  }
0xf0: {  	s7 =	smul.f32 s22, s7;
	[tilespmem:$0x1FF30] =	vst v32;
	v5 =	vadd.f32 v8, v5;
	v4 =	vadd.f32 v7, v6  }
0xf1: {  	s16 =	smul.f32 s31, s16;
	v15 =	vld [tilespmem:$0x10240];
	v8 =	vadd.f32 v29, v26;
	(xrf2) =	vadd.scan.msk.f32 $0xffff, v1;
	v6 =	vmul.f32 s0, v22;
	v7 =	vmul.f32 s0, v46  }
0xf2: {  	s12 =	smul.f32 s19, s24;
	(xrf2) =	vadd.scan.msk.f32 $0xffff, v3;
	v3 =	vmul.f32 v28, v28;
	v0 =	vadd.f32 v4, v0;
	v4 =	vmul.f32 v25, v25  }
0xf3: {  	s9 =	smul.f32 s21, s9;
	[tilespmem:$0x1FF50] =	vst v12;
	v7 =	vmul.f32 v7, v32;
	v32 =	vld [tilespmem:$0x10250]  }
0xf4: {  	s30 =	smul.f32 s16, s17;
	s17 =	ssub.f32 $1.500000000e+00, s12;
	(xrf2) =	vadd.scan.msk.f32 $0xffff, v8;
	[tilespmem:$0x1FF60] =	vst v13;
	v61 =	vmul.f32 v6, v61;
	v3 =	vadd.f32 v4, v3  }
0xf5: {  	s7 =	smul.f32 s7, s22;
	(xrf2) =	vadd.scan.msk.f32 $0xffff, v0;
	v0 =	vmul.f32 s0, v27;
	v4 =	vmul.f32 s0, v48;
	v48 =	vld [tilespmem:$0x10260];
	v7 =	vadd.f32 v7, v14  }
0xf6: {  	v52 =	vmul.f32 v45, v45;
	v8 =	vmul.f32 v47, v47;
	[tilespmem:$0x1FF80] =	vst v15;
	s0 =	smul.f32 s17, s24;
	s17 =	simm.s32 $0x8300  }
0xf7: {  	s26 =	smul.f32 $1.562500000e-02, s25;
	v9 =	vadd.f32 v61, v15;
	v0 =	vmul.f32 v0, v12;
	[tilespmem:s17+$0xF0] =	vst v7  }
0xf8: {  	s31 =	smul.f32 s4, s10;
	s7 =	ssub.f32 $1.500000000e+00, s7;
	v8 =	vadd.f32 v52, v8;
	[tilespmem:$0x1FF90] =	vst v32;
	v52 =	vld [tilespmem:$0x1FFB0]  }
0xf9: {  	s23 =	smul.f32 s20, s13;
	s13 =	sadd.f32 $9.999999740e-06, s26;
	v7 =	vadd.f32 v0, v32;
	v0 =	vld [tilespmem:$0x1FFA0];
	[tilespmem:s17+$0xC0] =	vst v9  }
0xfa: {  	s7 =	smul.f32 s7, s22;
	[tilespmem:$0x1FFC0] =	vst v48  }
0xfb: {  	s4 =	sshra.s32 s13, $0x1;
	s6 =	smul.f32 $5.000000000e-01, s13;
	[tilespmem:s17+$0xD0] =	vst v7  }
0xfc: {  	s29 =	smul.f32 s18, s15;
	s15 =	ssub.f32 $1.500000000e+00, s31;
	s5 =	ssub.s32 $0x5F3759DF, s4;
	v7 =	vld [tilespmem:$0x1FFD0]  }
0xfd: {  	s13 =	smul.f32 s5, s6  }
0xfe: {  	s10 =	smul.f32 s15, s10  }
0xff: {  	s13 =	smul.f32 s5, s13  }
0x100: {  	s9 =	smul.f32 s9, s21;
	v1 =	vmul.f32 v39, v39;
	v46 =	vmul.f32 v38, v38  }
0x101: {  	s11 =	smul.f32 s23, s20;
	v6 =	vmul.f32 s10, v49;
	s13 =	ssub.f32 $1.500000000e+00, s13;
	v49 =	vmul.f32 s7, v7;
	v7 =	vld [tilespmem:$0x1FFE0]  }
0x102: {  	s23 =	smul.f32 s30, s16;
	v1 =	vadd.f32 v46, v1;
	v46 =	vmul.f32 v4, v13  }
0x103: {  	v8 =	vadd.f32 v8, v3;
	s5 =	smul.f32 s5, s13  }
0x104: {  	s9 =	ssub.f32 $1.500000000e+00, s9;
	s14 =	smul.f32 s29, s18;
	v3 =	vmul.f32 s10, v2;
	v2 =	vmul.f32 s10, v53;
	v53 =	vadd.f32 v46, v48  }
0x105: {  	v5 =	vadd.f32 v1, v5;
	v4 =	vmul.f32 s10, v50;
	v50 =	vmul.f32 s7, v62;
	v62, _, _ =	vpop (xrf2);
	s19 =	smul.f32 s5, s6  }
0x106: {  	s25 =	ssub.f32 $1.500000000e+00, s11;
	s26 =	smul.f32 s9, s21;
	v1 =	vmul.f32 s0, v57;
	(v2sf) =	vpush v62, $0xF;
	[tilespmem:s17+$0xE0] =	vst v53;
	v57 =	vmul.f32 s7, v7;
	v7, _, _ =	vpop (xrf2)  }
0x107: {  	s12 =	smul.f32 s19, s5;
	(v2sf) =	vpush v7, $0xF;
	v7, _, _ =	vpop (xrf2);
	(xrf2) =	vadd.scan.msk.f32 $0xffff, v5;
	v5 =	vld [tilespmem:$0x1FFF0]  }
0x108: {  	s9 =	smul.f32 s25, s20  }
0x109: {  	v58 =	vmul.f32 s7, v58;
	v55 =	vmul.f32 s26, v55;
	s29 =	spop (v2sf);
	s24 =	ssub.f32 $1.500000000e+00, s12  }
0x10a: {  	s30 =	ssub.f32 $1.500000000e+00, s14;
	v59 =	vmul.f32 s9, v59;
	v54 =	vmul.f32 s9, v54;
	s31 =	smul.f32 $1.562500000e-02, s29  }
0x10b: {  	s15 =	simm.s32 $0x8300;
	v61 =	vmul.f32 s0, v60;
	v60 =	vmul.f32 s0, v52;
	s2 =	smul.f32 s24, s5  }
0x10c: {  	s18 =	smul.f32 s30, s18;
	s20 =	simm.s32 $0x8;
	v0 =	vmul.f32 s0, v0;
	s0 =	ssub.f32 $1.500000000e+00, s23;
	(v2sf) =	vpush v7, $0xF;
	v23 =	vmul.f32 s26, v5;
	v5, _, _ =	vpop (xrf2)  }
0x10d: {  	s21 =	simm.s32 $0x700;
	v62 =	vmul.f32 s26, v56;
	v56 =	vmul.f32 s26, v63;
	s4 =	sadd.f32 $9.999999740e-06, s31;
	s10 =	smul.f32 s2, s6;
	(xrf2) =	vadd.scan.msk.f32 $0xffff, v8;
	(v2sf) =	vpush v5, $0xF  }
.LBB2_6:
0x10e: {  	v5 =	vld [tilespmem:$0x1FE20];
	_ =	sdelay $0x4  }
0x10f: {  	v22 =	vmul.f32 s9, v5;
	v5 =	vld [tilespmem:$0x1FE30];
	_ =	sdelay $0x1  }
0x110: {  	v53 =	vld [tilespmem:s21+$0xC0]  }
0x111: {  	v9 =	vmov v42;
	v42 =	vld [tilespmem:s21+$0xD0]  }
0x112: {  	v27 =	vld [tilespmem:$0x1FF50]  }
0x113: {  	v48 =	vld [tilespmem:$0x1FE40];
	v8 =	vmul.f32 s9, v5;
	v5, _, _ =	vpop (xrf2)  }
0x114: {  	(v2sf) =	vpush v5, $0xF;
	v5 =	vld [tilespmem:$0x1FE60]  }
0x115: {  	v52 =	vld [tilespmem:$0x1FE50]  }
0x116: {  	v15 =	vmov v37;
	v37 =	vld [tilespmem:s21+$0xE0]  }
0x117: {  	v14 =	vmov v40;
	v40 =	vld [tilespmem:s21+$0xF0];
	v63 =	vmul.f32 v4, v27;
	v4, _, _ =	vpop (xrf2)  }
0x118: {  	v7 =	vmov v43;
	s22 =	spop (v2sf);
	(v2sf) =	vpush v4, $0xF;
	v4 =	vld [tilespmem:$0x1FEA0]  }
0x119: {  	[tilespmem:$0x1FE20] =	vst v7;
	v7 =	vmul.f32 s18, v5;
	v5 =	vld [tilespmem:$0x1FE70]  }
0x11a: {  	v26 =	vld [tilespmem:$0x1FF40]  }
0x11b: {  	[tilespmem:$0x1FDC0] =	vst v16;
	v16 =	vld [tilespmem:s21+$0xFFFFFF20]  }
0x11c: {  	v29 =	vld [tilespmem:$0x1FF80];
	s0 =	smul.f32 s0, s16  }
0x11d: {  	[tilespmem:$0x1FD80] =	vst v24;
	v10 =	vmov v44;
	v44 =	vmov v38;
	v38 =	vld [tilespmem:s21+$0xFFFFFF40];
	v12 =	vmul.f32 s18, v52  }
0x11e: {  	[tilespmem:$0x1FE00] =	vst v10;
	v52 =	vmul.f32 s0, v4;
	v4 =	vld [tilespmem:$0x1FEB0];
	v10 =	vmul.f32 s18, v5;
	v5 =	vmov v41  }
0x11f: {  	v13 =	vmov v39;
	v39 =	vld [tilespmem:s21+$0xFFFFFF50];
	[tilespmem:$0x1FE50] =	vst v5;
	v5 =	vmul.f32 v6, v26;
	v6 =	vmov v51  }
0x120: {  	s5 =	smul.f32 s10, s2;
	[tilespmem:$0x1FD90] =	vst v6;
	v6 =	vld [tilespmem:$0x1FE80]  }
0x121: {  	[tilespmem:$0x1FDE0] =	vst v17;
	v17 =	vmov v25;
	v25 =	vld [tilespmem:$0x1FF30]  }
0x122: {  	[tilespmem:$0x1FDF0] =	vst v18;
	v43 =	vld [tilespmem:s21+$0xFFFFFF60];
	s14 =	ssub.f32 $1.500000000e+00, s5  }
0x123: {  	v18 =	vmov v28;
	v28 =	vld [tilespmem:$0x1FF70];
	[tilespmem:$0x1FE10] =	vst v9;
	v9 =	vmul.f32 s0, v4;
	v4 =	vmov v47  }
0x124: {  	v11 =	vmul.f32 s18, v48;
	s18 =	smul.f32 s14, s2;
	[tilespmem:$0x1FEA0] =	vst v4;
	v4 =	vld [tilespmem:$0x1FF90]  }
0x125: {  	[tilespmem:$0x1FE30] =	vst v15;
	v15 =	vmul.f32 s0, v6;
	v6 =	vld [tilespmem:$0x1FE90]  }
0x126: {  	[tilespmem:$0x1FD70] =	vst v30;
	v48 =	vld [tilespmem:s21+$0xFFFFFF10];
	v46 =	vmul.f32 s18, v36  }
0x127: {  	[tilespmem:$0x1FDB0] =	vst v20;
	s7 =	sshra.s32 s4, $0x1;
	s25 =	spop (v2sf);
	v20 =	vmul.f32 v56, v27;
	v56 =	vld [tilespmem:s21+$0xFFFFFFE0];
	s9 =	smul.f32 $5.000000000e-01, s4  }
0x128: {  	[tilespmem:$0x1FE40] =	vst v14;
	s24 =	ssub.s32 $0x5F3759DF, s7;
	s2 =	smul.f32 $1.562500000e-02, s25;
	v14 =	vmul.f32 s18, v35;
	v35 =	vmul.f32 v46, v25;
	v46 =	vld [tilespmem:$0x1FF60]  }
0x129: {  	[tilespmem:$0x1FDD0] =	vst v19;
	s30 =	spop (v2sf);
	v2 =	vmul.f32 v2, v25;
	v1 =	vmul.f32 v1, v26;
	s16 =	smul.f32 s24, s9;
	v41 =	vld [tilespmem:s21+$0xFFFFFF80];
	v47 =	vadd.f32 v63, v4  }
0x12a: {  	[tilespmem:$0x1FE60] =	vst v13;
	v36 =	vadd.f32 v42, v53;
	s29 =	sadd.f32 $9.999999740e-06, s2;
	s2 =	smul.f32 $1.562500000e-02, s30;
	v63 =	vadd.f32 v40, v37;
	v13 =	vmul.f32 s0, v6;
	v6 =	vmovc v45;
	v45 =	vld [tilespmem:s21+$0xFFFFFF70]  }
0x12b: {  	s6 =	spop (v2sf);
	v19 =	vmul.f32 v62, v26;
	v30 =	vmul.f32 v55, v25;
	s19 =	smul.f32 s24, s16;
	v51 =	vld [tilespmem:s21+$0xFFFFFF30];
	[tilespmem:s17+$0xFFFFFF10] =	vst v47  }
0x12c: {  	v31 =	vmul.f32 v59, v26;
	s5 =	sadd.f32 $9.999999740e-06, s2;
	s2 =	smul.f32 $1.562500000e-02, s6;
	v47 =	vld [tilespmem:s21+$0xFFFFFF90];
	[tilespmem:$0x1FEB0] =	vst v6;
	v6 =	vmul.f32 s18, v33;
	v33 =	vadd.f32 v63, v36  }
0x12d: {  	s23 =	smul.f32 $1.562500000e-02, s22;
	v32 =	vmul.f32 v54, v27;
	s16 =	ssub.f32 $1.500000000e+00, s19;
	[tilespmem:$0x1FE90] =	vst v17;
	v17 =	vmul.f32 v49, v46;
	v63 =	vld [tilespmem:$0x1FFC0]  }
0x12e: {  	v5 =	vadd.f32 v5, v29;
	s12 =	spop (v2sf);
	s11 =	sadd.f32 $9.999999740e-06, s2;
	v49 =	vld [tilespmem:s21+$0xFFFFFFB0];
	v36 =	vmul.f32 v61, v27;
	v61 =	vmul.f32 v0, v46;
	(xrf2) =	vadd.scan.msk.f32 $0xffff, v33  }
0x12f: {  	[tilespmem:$0x1FD60] =	vst v16;
	s2 =	smul.f32 $1.562500000e-02, s12;
	s19 =	spop (v2sf);
	v0 =	vadd.f32 v39, v38;
	v33 =	vmul.f32 v60, v25;
	v60 =	vld [tilespmem:s21+$0xFFFFFFA0];
	v62 =	vadd.f32 v45, v43  }
0x130: {  	v54 =	vld [tilespmem:s21+$0x10];
	v2 =	vadd.f32 v2, v28;
	[tilespmem:$0x1FE80] =	vst v18;
	s31 =	sshra.s32 s29, $0x1;
	v35 =	vadd.f32 v35, v28;
	s4 =	smul.f32 $1.562500000e-02, s19;
	v3 =	vmul.f32 v3, v46  }
0x131: {  	v59 =	vld [tilespmem:s21+$0x40];
	v1 =	vadd.f32 v1, v29;
	v24 =	vmul.f32 v11, v26;
	s7 =	smul.f32 $5.000000000e-01, s29;
	[tilespmem:s17+$0xFFFFFF00] =	vst v5;
	s2 =	sadd.f32 $9.999999740e-06, s2;
	s17 =	sadd.s32 $0x200, s17;
	v0 =	vadd.f32 v62, v0  }
0x132: {  	v11 =	vmul.f32 v12, v27;
	s16 =	smul.f32 s24, s16;
	v18 =	vmul.f32 v57, v25;
	v57 =	vld [tilespmem:s21+$0xFFFFFFC0];
	s25 =	ssub.s32 $0x5F3759DF, s31;
	s4 =	sadd.f32 $9.999999740e-06, s4;
	[tilespmem:s17+$0xF0] =	vst v35;
	v3 =	vadd.f32 v3, v63  }
0x133: {  	v34 =	vmul.f32 s18, v34;
	s10 =	sshra.s32 s5, $0x1;
	v35 =	vmul.f32 v50, v26;
	v50 =	vld [tilespmem:s21+$0xFFFFFFD0];
	[tilespmem:s15+$0xFFFFFF30] =	vst v2;
	s22 =	sshra.s32 s2, $0x1;
	s2 =	smul.f32 $5.000000000e-01, s2;
	(xrf2) =	vadd.scan.msk.f32 $0xffff, v0  }
0x134: {  	v12 =	vmul.f32 v10, v25;
	s29 =	ssub.s32 $0x5F3759DF, s10;
	s12 =	sshra.s32 s4, $0x1;
	s4 =	smul.f32 $5.000000000e-01, s4;
	v62 =	vadd.f32 v47, v41;
	[tilespmem:s15+$0xFFFFFF20] =	vst v3;
	v3 =	vld [tilespmem:s21+$0xFFFFFFF0];
	v2 =	vadd.f32 v49, v60  }
0x135: {  	[tilespmem:$0x1FE70] =	vst v44;
	v44 =	vld [tilespmem:s21+$0x0];
	v9 =	vmul.f32 v9, v25;
	v10 =	vmul.f32 v14, v26;
	v5 =	vadd.f32 v51, v16;
	s10 =	ssub.s32 $0x5F3759DF, s22;
	s0 =	sadd.f32 $9.999999740e-06, s23;
	s23 =	smul.f32 s25, s7  }
0x136: {  	v16 =	vmul.f32 v58, v27;
	v58 =	vld [tilespmem:s21+$0x30];
	[tilespmem:s15+$0xFFFFFF40] =	vst v1;
	s19 =	smul.f32 s10, s2;
	v1 =	vadd.f32 v36, v4;
	v2 =	vadd.f32 v2, v62  }
0x137: {  	[tilespmem:$0x1FDA0] =	vst v21;
	v21 =	vmul.f32 v23, v46;
	v15 =	vmul.f32 v15, v26;
	v26 =	vld [tilespmem:s21+$0x60];
	s31 =	ssub.s32 $0x5F3759DF, s12;
	s18 =	smul.f32 $5.000000000e-01, s5  }
0x138: {  	s22 =	smul.f32 s31, s4;
	v36 =	vmul.f32 v7, v46;
	[tilespmem:s15+$0xFFFFFF50] =	vst v1;
	v1 =	vadd.f32 v61, v63;
	v0 =	vld [tilespmem:s21+$0x20];
	v7, _, _ =	vpop (xrf2);
	(xrf2) =	vadd.scan.msk.f32 $0xffff, v2  }
0x139: {  	v23 =	vmul.f32 v8, v25;
	s13 =	smul.f32 $5.000000000e-01, s0;
	v8 =	vadd.f32 v50, v57;
	v25 =	vld [tilespmem:s21+$0x70];
	v55 =	vadd.f32 v3, v56  }
0x13a: {  	v14 =	vadd.f32 v54, v44;
	s26 =	sshra.s32 s0, $0x1;
	s0 =	smul.f32 $5.000000000e-01, s11;
	[tilespmem:s15+$0xFFFFFF60] =	vst v1;
	v1 =	vadd.f32 v33, v28;
	v62 =	vld [tilespmem:s21+$0x50]  }
0x13b: {  	v18 =	vadd.f32 v18, v28;
	s5 =	smul.f32 s25, s23;
	v2 =	vadd.f32 v55, v8  }
0x13c: {  	s14 =	sshra.s32 s11, $0x1;
	v16 =	vadd.f32 v16, v4;
	s19 =	smul.f32 s10, s19;
	v17 =	vadd.f32 v17, v63;
	[tilespmem:s15+$0xFFFFFF70] =	vst v1;
	v1 =	vld [tilespmem:s21+$0x90]  }
0x13d: {  	s30 =	ssub.s32 $0x5F3759DF, s14;
	s14 =	smul.f32 s29, s18;
	(v2sf) =	vpush v7, $0xF;
	v61 =	vadd.f32 v58, v0;
	v8 =	vmul.f32 v6, v46;
	v55 =	vld [tilespmem:s21+$0x80];
	(xrf2) =	vadd.scan.msk.f32 $0xffff, v2;
	v6, _, _ =	vpop (xrf2)  }
0x13e: {  	s26 =	ssub.s32 $0x5F3759DF, s26;
	s22 =	smul.f32 s31, s22;
	[tilespmem:s15+$0xFFFFFFA0] =	vst v17;
	v17 =	vadd.f32 v25, v26;
	(v2sf) =	vpush v6, $0xF;
	v6 =	vld [tilespmem:s21+$0xFFFFFF00]  }
0x13f: {  	s11 =	smul.f32 s26, s13;
	v33 =	vadd.f32 v62, v59;
	v14 =	vadd.f32 v61, v14;
	v61 =	vld [tilespmem:s21+$0xB0]  }
0x140: {  	v22 =	vmul.f32 v22, v46;
	[tilespmem:s15+$0xFFFFFF90] =	vst v16;
	v16 =	vadd.f32 v20, v4;
	s6 =	smul.f32 s30, s0;
	v2 =	vld [tilespmem:s21+$0xA0]  }
0x141: {  	[tilespmem:s15+$0xFFFFFFB0] =	vst v18;
	v18 =	vadd.f32 v30, v28;
	s5 =	ssub.f32 $1.500000000e+00, s5;
	s14 =	smul.f32 s29, s14;
	v17 =	vadd.f32 v17, v33;
	(xrf2) =	vadd.scan.msk.f32 $0xffff, v14  }
0x142: {  	v52 =	vmul.f32 v52, v46;
	s23 =	ssub.f32 $1.500000000e+00, s22;
	s11 =	smul.f32 s26, s11;
	v46 =	vadd.f32 v21, v63;
	v20 =	vadd.f32 v1, v55;
	v21, _, _ =	vpop (xrf2)  }
0x143: {  	s12 =	smul.f32 s30, s6;
	s14 =	ssub.f32 $1.500000000e+00, s14;
	[tilespmem:s15+$0xFFFFFFF0] =	vst v18;
	(xrf2) =	vadd.scan.msk.f32 $0xffff, v17;
	(v2sf) =	vpush v21, $0xF;
	v18 =	vadd.f32 v48, v6  }
0x144: {  	s25 =	smul.f32 s25, s5;
	s11 =	ssub.f32 $1.500000000e+00, s11  }
0x145: {  	[tilespmem:s15+$0xFFFFFFD0] =	vst v16;
	s12 =	ssub.f32 $1.500000000e+00, s12;
	s22 =	smul.f32 s29, s14;
	v16 =	vadd.f32 v61, v2;
	v5 =	vadd.f32 v5, v18  }
0x146: {  	s19 =	ssub.f32 $1.500000000e+00, s19;
	s26 =	smul.f32 s26, s11  }
0x147: {  	s29 =	smul.f32 s30, s12;
	v16 =	vadd.f32 v16, v20;
	v20, _, _ =	vpop (xrf2);
	(xrf2) =	vadd.scan.msk.f32 $0xffff, v5  }
0x148: {  	v19 =	vadd.f32 v19, v29;
	s30 =	smul.f32 s10, s19  }
0x149: {  	v9 =	vadd.f32 v9, v28;
	s11 =	smul.f32 s16, s9;
	(v2sf) =	vpush v20, $0xF  }
0x14a: {  	v11 =	vadd.f32 v11, v4;
	[tilespmem:s15+$0xFFFFFFC0] =	vst v19;
	v19 =	vadd.f32 v31, v29;
	s12 =	smul.f32 s25, s7  }
0x14b: {  	v13 =	vmul.f32 v13, v27;
	s19 =	smul.f32 s22, s18;
	v5 =	vadd.f32 v12, v28;
	v12 =	vadd.f32 v15, v29;
	v15, _, _ =	vpop (xrf2)  }
0x14c: {  	s5 =	smul.f32 s26, s13;
	v7 =	vmul.f32 v34, v27;
	v34 =	vadd.f32 v32, v4;
	s24 =	spop (v2sf);
	(v2sf) =	vpush v15, $0xF  }
0x14d: {  	[tilespmem:s15+$0x50] =	vst v11;
	v27 =	vadd.f32 v35, v29;
	v17 =	vadd.f32 v22, v63;
	s6 =	smul.f32 $1.562500000e-02, s24;
	(xrf2) =	vadd.scan.msk.f32 $0xffff, v16;
	v16, _, _ =	vpop (xrf2)  }
0x14e: {  	s11 =	smul.f32 s11, s16;
	v35 =	vadd.f32 v24, v29;
	[tilespmem:s15+$0x10] =	vst v34;
	s14 =	spop (v2sf);
	(v2sf) =	vpush v16, $0xF  }
0x14f: {  	v11 =	vadd.f32 v13, v4;
	s12 =	smul.f32 s12, s25;
	[tilespmem:s15+$0x20] =	vst v17;
	v17 =	vadd.f32 v36, v63;
	v36 =	vmov s6  }
0x150: {  	s5 =	smul.f32 s5, s26;
	[tilespmem:s15+$0x40] =	vst v35;
	v35 =	vsub.f32 v53, v36;
	v34 =	vsub.f32 v42, v36  }
0x151: {  	[tilespmem:s15+$0xFFFFFFE0] =	vst v46;
	s24 =	smul.f32 s31, s23;
	v33 =	vsub.f32 v37, v36;
	v36 =	vsub.f32 v40, v36;
	v42, _, _ =	vpop (xrf2)  }
0x152: {  	[tilespmem:s15+$0x70] =	vst v5;
	v5 =	vmul.f32 v35, v35;
	v46 =	vmul.f32 v34, v34;
	s10 =	smul.f32 $1.562500000e-02, s14;
	s31 =	spop (v2sf);
	(v2sf) =	vpush v42, $0xF  }
0x153: {  	v13 =	vadd.f32 v52, v63;
	s6 =	smul.f32 s29, s0;
	v52 =	vmul.f32 v33, v33;
	v15 =	vmul.f32 v36, v36  }
0x154: {  	v10 =	vadd.f32 v10, v29;
	[tilespmem:s15+$0x0] =	vst v19;
	v19 =	vadd.f32 v23, v28;
	v37 =	vmov s10;
	s10 =	smul.f32 s19, s22  }
0x155: {  	v53 =	vadd.f32 v46, v5;
	v32 =	vadd.f32 v15, v52;
	s19 =	smul.f32 s6, s29  }
0x156: {  	[tilespmem:s17+$0xC0] =	vst v10;
	v7 =	vadd.f32 v7, v4;
	v8 =	vadd.f32 v8, v63;
	s14 =	smul.f32 $1.562500000e-02, s31  }
0x157: {  	[tilespmem:s15+$0x90] =	vst v11;
	v5 =	vsub.f32 v38, v37;
	v40 =	vadd.f32 v32, v53;
	s31 =	smul.f32 s30, s2;
	v15, _, _ =	vpop (xrf2)  }
0x158: {  	[tilespmem:s17+$0xD0] =	vst v7;
	v11 =	vsub.f32 v39, v37;
	v46 =	vmov s14;
	s14 =	smul.f32 s24, s4;
	s23 =	spop (v2sf);
	(v2sf) =	vpush v15, $0xF  }
0x159: {  	[tilespmem:s17+$0xE0] =	vst v8;
	v53 =	vsub.f32 v43, v37;
	v7 =	vsub.f32 v45, v37;
	s31 =	smul.f32 s31, s30  }
0x15a: {  	[tilespmem:s15+$0x80] =	vst v12;
	v43 =	vmul.f32 v5, v5;
	v10 =	vsub.f32 v60, v46;
	v12 =	vsub.f32 v49, v46;
	s23 =	smul.f32 $1.562500000e-02, s23  }
0x15b: {  	(xrf2) =	vadd.scan.msk.f32 $0xffff, v40;
	v45 =	vmul.f32 v11, v11;
	v16 =	vmul.f32 v53, v53;
	v8 =	vsub.f32 v41, v46;
	s14 =	smul.f32 s14, s24;
	s6 =	spop (v2sf)  }
0x15c: {  	s5 =	ssub.f32 $1.500000000e+00, s5;
	[tilespmem:s15+$0xB0] =	vst v9;
	v21 =	vmul.f32 v10, v10;
	v22 =	vmul.f32 v12, v12;
	v49 =	vmov s23;
	s23 =	smul.f32 $1.562500000e-02, s6  }
0x15d: {  	[tilespmem:s15+$0x60] =	vst v17;
	v17 =	vmul.f32 v7, v7;
	v9 =	vsub.f32 v47, v46;
	v20 =	vadd.f32 v45, v43;
	s6 =	ssub.f32 $1.500000000e+00, s10;
	s10 =	spop (v2sf)  }
0x15e: {  	[tilespmem:s15+$0x30] =	vst v19;
	s11 =	ssub.f32 $1.500000000e+00, s11;
	v18 =	vmul.f32 v8, v8;
	v21 =	vadd.f32 v22, v21;
	v22 =	vmov s23;
	s23 =	smul.f32 $1.562500000e-02, s10  }
0x15f: {  	[tilespmem:s15+$0xA0] =	vst v13;
	v19 =	vmul.f32 v9, v9;
	v52 =	vsub.f32 v56, v49;
	v13 =	vsub.f32 v3, v49;
	s10 =	smul.f32 s5, s26  }
0x160: {  	v3 =	vadd.f32 v17, v16;
	v43 =	vsub.f32 v0, v22;
	s5 =	ssub.f32 $1.500000000e+00, s31;
	s31 =	smul.f32 s11, s16;
	v0 =	vmov s23  }
0x161: {  	v18 =	vadd.f32 v19, v18;
	v19 =	vmul.f32 v52, v52;
	s11 =	ssub.f32 $1.500000000e+00, s14;
	v40 =	vsub.f32 v59, v0;
	s14 =	spop (v2sf)  }
0x162: {  	v23 =	vmul.f32 v13, v13;
	v41 =	vsub.f32 v62, v0;
	v39 =	vsub.f32 v26, v0;
	s16 =	smul.f32 $1.562500000e-02, s14  }
0x163: {  	v38 =	vsub.f32 v25, v0;
	v0 =	vadd.f32 v3, v20  }
0x164: {  	s12 =	ssub.f32 $1.500000000e+00, s12;
	v19 =	vadd.f32 v23, v19;
	v23 =	vmov s16  }
0x165: {  	v17, _, _ =	vpop (xrf2);
	(xrf2) =	vadd.scan.msk.f32 $0xffff, v0;
	v0 =	vsub.f32 v6, v23;
	v6 =	vld [tilespmem:$0x1FD60]  }
0x166: {  	v15 =	vsub.f32 v57, v49;
	v44 =	vsub.f32 v44, v22;
	s26 =	smul.f32 s12, s25  }
0x167: {  	v42 =	vsub.f32 v54, v22;
	(v2sf) =	vpush v17, $0xF;
	s25 =	smul.f32 s5, s30;
	s23 =	spop (v2sf)  }
0x168: {  	v14 =	vsub.f32 v50, v49;
	v16 =	vmul.f32 v15, v15;
	v37 =	vsub.f32 v58, v22;
	s30 =	smul.f32 $1.562500000e-02, s23  }
0x169: {  	v22 =	vmul.f32 v42, v42;
	v17 =	vmul.f32 v44, v44;
	v51 =	vsub.f32 v51, v23  }
0x16a: {  	v31 =	vsub.f32 v48, v23;
	v59 =	vmov s30;
	v58 =	vsub.f32 v6, v23  }
0x16b: {  	v25 =	vsub.f32 v1, v59;
	v1 =	vmul.f32 v51, v51;
	v6 =	vmul.f32 v0, v0  }
0x16c: {  	v23 =	vmul.f32 v31, v31;
	v60 =	vmul.f32 v58, v58  }
0x16d: {  	v4 =	vmul.f32 v14, v14;
	v17 =	vadd.f32 v22, v17;
	v47 =	vsub.f32 v2, v59  }
0x16e: {  	v22 =	vmul.f32 v41, v41;
	v2 =	vadd.f32 v23, v6;
	v1 =	vadd.f32 v1, v60  }
0x16f: {  	v16 =	vadd.f32 v4, v16;
	v4 =	vmul.f32 v37, v37  }
0x170: {  	v3 =	vmul.f32 v43, v43;
	v20 =	vmul.f32 v40, v40;
	v1 =	vadd.f32 v1, v2;
	_ =	sdelay $0x1  }
0x171: {  	s19 =	ssub.f32 $1.500000000e+00, s19;
	v3 =	vadd.f32 v4, v3;
	v4 =	vadd.f32 v22, v20;
	v22, _, _ =	vpop (xrf2);
	(xrf2) =	vadd.scan.msk.f32 $0xffff, v1;
	_ =	sdelay $0x1  }
0x172: {  	s29 =	smul.f32 s19, s29  }
0x173: {  	s22 =	smul.f32 s6, s22  }
0x174: {  	s16 =	smul.f32 s11, s24;
	s14 =	spop (v2sf)  }
0x175: {  	s11 =	smul.f32 $1.562500000e-02, s14  }
0x176: {  	s6 =	smul.f32 s10, s13  }
0x177: {  	s13 =	smul.f32 s22, s18;
	s18 =	sadd.f32 $9.999999740e-06, s11  }
0x178: {  	s12 =	smul.f32 s16, s4  }
0x179: {  	v18 =	vadd.f32 v21, v18;
	v45 =	vsub.f32 v61, v59;
	s11 =	sshra.s32 s18, $0x1;
	s4 =	smul.f32 $5.000000000e-01, s18  }
0x17a: {  	s5 =	smul.f32 s6, s10;
	v28 =	vsub.f32 v55, v59;
	(v2sf) =	vpush v22, $0xF;
	s11 =	ssub.s32 $0x5F3759DF, s11;
	v1, _, _ =	vpop (xrf2)  }
0x17b: {  	v61 =	vmul.f32 v47, v47;
	v62 =	vmul.f32 v45, v45;
	(xrf2) =	vadd.scan.msk.f32 $0xffff, v18;
	s19 =	smul.f32 s11, s4;
	(v2sf) =	vpush v1, $0xF;
	v1 =	vld [tilespmem:$0x1FF20]  }
0x17c: {  	s5 =	ssub.f32 $1.500000000e+00, s5;
	v6 =	vmul.f32 v28, v28;
	v23 =	vmul.f32 v25, v25  }
0x17d: {  	s24 =	smul.f32 s11, s19  }
0x17e: {  	v6 =	vadd.f32 v23, v6;
	v2 =	vadd.f32 v62, v61;
	s19 =	smul.f32 s5, s10  }
0x17f: {  	v16 =	vadd.f32 v19, v16;
	v24 =	vmul.f32 v39, v39;
	v30 =	vmul.f32 v38, v38  }
0x180: {  	v3 =	vadd.f32 v3, v17;
	v17 =	vadd.f32 v2, v6;
	v6 =	vmul.f32 s19, v1;
	v1 =	vld [tilespmem:$0x1FD70]  }
0x181: {  	v20 =	vadd.f32 v30, v24  }
0x182: {  	(xrf2) =	vadd.scan.msk.f32 $0xffff, v16  }
0x183: {  	v4 =	vadd.f32 v20, v4  }
0x184: {  	s9 =	smul.f32 s31, s9;
	(xrf2) =	vadd.scan.msk.f32 $0xffff, v3  }
0x185: {  	(xrf2) =	vadd.scan.msk.f32 $0xffff, v4;
	v4 =	vmul.f32 s19, v1;
	v1 =	vmov v0;
	v0, _, _ =	vpop (xrf2)  }
0x186: {  	v5 =	vmov v5;
	s6 =	smul.f32 s9, s31;
	(v2sf) =	vpush v0, $0xF;
	v0 =	vld [tilespmem:$0x1FEC0]  }
0x187: {  	[tilespmem:$0x1FEC0] =	vst v5;
	v5 =	vld [tilespmem:$0x1FDA0]  }
0x188: {  	s6 =	ssub.f32 $1.500000000e+00, s6  }
0x189: {  	s7 =	smul.f32 s26, s7  }
0x18a: {  	s6 =	smul.f32 s6, s31;
	_ =	sdelay $0x1  }
0x18b: {  	s7 =	smul.f32 s7, s26;
	v60 =	vmul.f32 s6, v5;
	v5, _, _ =	vpop (xrf2)  }
0x18c: {  	s31 =	spop (v2sf);
	(v2sf) =	vpush v5, $0xF;
	v5 =	vld [tilespmem:$0x1FF10]  }
0x18d: {  	s14 =	ssub.f32 $1.500000000e+00, s7;
	_ =	sdelay $0x1  }
0x18e: {  	s30 =	ssub.f32 $1.500000000e+00, s24;
	s24 =	smul.f32 s14, s26  }
0x18f: {  	v21 =	vmov v7;
	v7 =	vld [tilespmem:$0x1FEF0]  }
0x190: {  	v49 =	vmul.f32 s24, v5;
	v5 =	vld [tilespmem:$0x1FDB0];
	_ =	sdelay $0x3  }
0x191: {  	[tilespmem:$0x1FF20] =	vst v1;
	v1 =	vld [tilespmem:$0x1FD80]  }
0x192: {  	s23 =	smul.f32 s13, s22;
	v50 =	vmul.f32 s24, v7;
	v7 =	vld [tilespmem:$0x1FF00];
	v57 =	vmul.f32 s24, v5;
	v5 =	vmov v9  }
0x193: {  	[tilespmem:$0x1FF00] =	vst v5;
	v5 =	vld [tilespmem:$0x1FDC0]  }
0x194: {  	s13 =	ssub.f32 $1.500000000e+00, s23  }
0x195: {  	s11 =	smul.f32 s11, s30  }
0x196: {  	s30 =	smul.f32 s13, s22;
	v3 =	vmul.f32 s19, v1;
	v1 =	vld [tilespmem:$0x1FD90];
	_ =	sdelay $0x1  }
0x197: {  	v62 =	vmul.f32 s30, v5;
	v5 =	vld [tilespmem:$0x1FDD0];
	_ =	sdelay $0x1  }
0x198: {  	s0 =	smul.f32 s29, s0  }
0x199: {  	v2 =	vmul.f32 s19, v1;
	v1 =	vmul.f32 s6, v0;
	v0 =	vld [tilespmem:$0x1FED0]  }
0x19a: {  	s0 =	smul.f32 s0, s29;
	v24 =	vmov v58;
	v58 =	vmul.f32 s24, v7;
	v7 =	vmov v10  }
0x19b: {  	[tilespmem:$0x1FF10] =	vst v7;
	v7 =	vld [tilespmem:$0x1FDE0];
	v56 =	vmul.f32 s30, v5;
	v5, _, _ =	vpop (xrf2)  }
0x19c: {  	s2 =	smul.f32 s25, s2;
	s9 =	ssub.f32 $1.500000000e+00, s0;
	(v2sf) =	vpush v5, $0xF;
	v5 =	vld [tilespmem:$0x1FE00]  }
0x19d: {  	s23 =	smul.f32 s11, s4  }
0x19e: {  	s9 =	smul.f32 s9, s29;
	v61 =	vmul.f32 s6, v0;
	v0 =	vmov v11  }
0x19f: {  	s5 =	smul.f32 s23, s11;
	[tilespmem:$0x1FED0] =	vst v0;
	v0 =	vld [tilespmem:$0x1FEE0]  }
0x1a0: {  	s20 =	sadd.s32 $0x8, s20;
	s2 =	smul.f32 s2, s25;
	v23 =	vmul.f32 s30, v7;
	v7 =	vld [tilespmem:$0x1FDF0]  }
0x1a1: {  	p2 =	slt.u32 s20, $0xF8;
	s12 =	smul.f32 s12, s16;
	s26 =	ssub.f32 $1.500000000e+00, s5;
	v59 =	vmul.f32 s9, v5;
	v5 =	vld [tilespmem:$0x1FE10]  }
.Ltmp4:
0x1a2: {  	_ = 	snop;
	(pc) =	sbr.rel @p2 .LBB2_6-.Ltmp4, $4  }
0x1a3: {  	s18 =	ssub.f32 $1.500000000e+00, s2;
	s2 =	smul.f32 s26, s11  }
0x1a4: {  	[tilespmem:s15+$0xFFFFFF80] =	vst v27;
	v63 =	vmov v53;
	v8 =	vmov v8;
	v0 =	vmul.f32 s6, v0;
	s6 =	smul.f32 $1.562500000e-02, s31  }
0x1a5: {  	s21 =	sadd.s32 $0x200, s21;
	[tilespmem:$0x1FEF0] =	vst v8;
	v19 =	vmovc v14;
	v30 =	vmovc v31;
	v20 =	vmov v12;
	s0 =	ssub.f32 $1.500000000e+00, s12;
	v18 =	vmov v13;
	v16 =	vmov v15;
	s18 =	smul.f32 s18, s25  }
0x1a6: {  	s15 =	smov.u32 s17;
	s10 =	smul.f32 s2, s4;
	(xrf2) =	vadd.scan.msk.f32 $0xffff, v17;
	v17 =	vmovc v52;
	[tilespmem:$0x1FEE0] =	vst v63;
	v55 =	vmul.f32 s30, v7;
	s4 =	sadd.f32 $9.999999740e-06, s6;
	v54 =	vmul.f32 s9, v5  }
0x1a7: {  	_ =	sdelay $0x2  }
0x1a8: {  	s24 =	smul.f32 s0, s16  }
0x1a9: {  	s22 =	spop (v2sf);
	s5 =	smul.f32 s10, s2  }
0x1aa: {  	s6 =	sshra.s32 s4, $0x1;
	s21 =	smul.f32 $5.000000000e-01, s4;
	s23 =	spop (v2sf)  }
0x1ab: {  	s6 =	ssub.s32 $0x5F3759DF, s6;
	s4 =	smul.f32 $1.562500000e-02, s23;
	s25 =	spop (v2sf)  }
0x1ac: {  	v5, _, _ =	vpop (xrf2);
	s19 =	ssub.f32 $1.500000000e+00, s5;
	s20 =	smul.f32 s6, s21  }
0x1ad: {  	(v2sf) =	vpush v5, $0xF;
	s5 =	smul.f32 $1.562500000e-02, s25  }
0x1ae: {  	s16 =	smul.f32 s19, s2;
	v5, _, _ =	vpop (xrf2)  }
0x1af: {  	s4 =	sadd.f32 $9.999999740e-06, s4;
	s2 =	smul.f32 $1.562500000e-02, s22;
	(v2sf) =	vpush v5, $0xF  }
0x1b0: {  	s7 =	spop (v2sf);
	s0 =	smul.f32 s6, s20  }
0x1b1: {  	v8 =	vld [tilespmem:$0x1FF40];
	s5 =	sadd.f32 $9.999999740e-06, s5;
	s7 =	smul.f32 $1.562500000e-02, s7  }
0x1b2: {  	v9 =	vld [tilespmem:$0x1FF50];
	s20 =	smul.f32 $5.000000000e-01, s4;
	s30 =	sshra.s32 s4, $0x1;
	s2 =	sadd.f32 $9.999999740e-06, s2  }
0x1b3: {  	v12 =	vld [tilespmem:$0x1FF80];
	s13 =	smul.f32 $5.000000000e-01, s5;
	s19 =	ssub.s32 $0x5F3759DF, s30  }
0x1b4: {  	v13 =	vld [tilespmem:$0x1FF90];
	s26 =	sadd.f32 $9.999999740e-06, s7;
	s23 =	smul.f32 s19, s20  }
0x1b5: {  	s5 =	sshra.s32 s5, $0x1;
	s0 =	ssub.f32 $1.500000000e+00, s0;
	s22 =	smul.f32 $5.000000000e-01, s2  }
0x1b6: {  	s5 =	ssub.s32 $0x5F3759DF, s5;
	s7 =	smul.f32 $5.000000000e-01, s26;
	v5 =	vmul.f32 v6, v8  }
0x1b7: {  	v4 =	vmul.f32 v4, v9;
	s2 =	sshra.s32 s2, $0x1;
	s10 =	sshra.s32 s26, $0x1;
	s30 =	smul.f32 s6, s0  }
0x1b8: {  	s14 =	ssub.s32 $0x5F3759DF, s2;
	s26 =	ssub.s32 $0x5F3759DF, s10;
	s10 =	smul.f32 s5, s13;
	v5 =	vadd.f32 v5, v12  }
0x1b9: {  	v7 =	vld [tilespmem:$0x1FF30];
	v1 =	vmul.f32 v1, v8;
	v4 =	vadd.f32 v4, v13;
	s31 =	smul.f32 s14, s22  }
0x1ba: {  	v10 =	vld [tilespmem:$0x1FF60];
	s23 =	smul.f32 s19, s23;
	[tilespmem:s17+$0xFFFFFF00] =	vst v5  }
0x1bb: {  	v1 =	vadd.f32 v1, v12;
	s25 =	smul.f32 s14, s31;
	v11 =	vld [tilespmem:$0x1FF70];
	[tilespmem:s17+$0xFFFFFF10] =	vst v4  }
0x1bc: {  	s10 =	smul.f32 s5, s10;
	s29 =	spop (v2sf);
	v14 =	vld [tilespmem:$0x1FFC0]  }
0x1bd: {  	s25 =	ssub.f32 $1.500000000e+00, s25;
	[tilespmem:s15+$0xFFFFFF40] =	vst v1;
	v1 =	vmul.f32 v58, v9;
	s11 =	smul.f32 $1.562500000e-02, s29  }
0x1be: {  	v2 =	vmul.f32 v2, v7;
	s29 =	smul.f32 s26, s7;
	s12 =	spop (v2sf)  }
0x1bf: {  	v3 =	vmul.f32 v3, v10;
	v1 =	vadd.f32 v1, v13;
	s12 =	smul.f32 $1.562500000e-02, s12  }
0x1c0: {  	v0 =	vmul.f32 v0, v10;
	v4 =	vmul.f32 v61, v9;
	s31 =	smul.f32 s14, s25;
	s11 =	sadd.f32 $9.999999740e-06, s11;
	v2 =	vadd.f32 v2, v11  }
0x1c1: {  	s25 =	smul.f32 s26, s29;
	[tilespmem:s15+$0xFFFFFF90] =	vst v1;
	v3 =	vadd.f32 v3, v14;
	s12 =	sadd.f32 $9.999999740e-06, s12  }
0x1c2: {  	s4 =	smul.f32 $5.000000000e-01, s11;
	s11 =	sshra.s32 s11, $0x1;
	v0 =	vadd.f32 v0, v14;
	[tilespmem:s15+$0xFFFFFF30] =	vst v2;
	v2 =	vadd.f32 v4, v13;
	v4 =	vmul.f32 v50, v8  }
0x1c3: {  	s11 =	ssub.s32 $0x5F3759DF, s11;
	[tilespmem:s15+$0xFFFFFF20] =	vst v3;
	v3 =	vmul.f32 v60, v7;
	s2 =	smul.f32 $5.000000000e-01, s12;
	s12 =	sshra.s32 s12, $0x1  }
0x1c4: {  	v6 =	vmul.f32 s16, v36;
	s14 =	smul.f32 s11, s4;
	[tilespmem:s15+$0xFFFFFF60] =	vst v0;
	v0 =	vadd.f32 v4, v12;
	v4 =	vmul.f32 v57, v7;
	s12 =	ssub.s32 $0x5F3759DF, s12  }
0x1c5: {  	[tilespmem:s15+$0xFFFFFF50] =	vst v2;
	v2 =	vadd.f32 v3, v11;
	v3 =	vmul.f32 v49, v10;
	s0 =	smul.f32 s12, s2  }
0x1c6: {  	s6 =	ssub.f32 $1.500000000e+00, s23;
	v6 =	vmul.f32 v6, v7;
	s14 =	smul.f32 s11, s14;
	[tilespmem:s15+$0xFFFFFF80] =	vst v0;
	v4 =	vadd.f32 v4, v11  }
0x1c7: {  	s29 =	ssub.f32 $1.500000000e+00, s10;
	[tilespmem:s15+$0xFFFFFF70] =	vst v2;
	v3 =	vadd.f32 v3, v14;
	s0 =	smul.f32 s12, s0  }
0x1c8: {  	s10 =	smul.f32 s19, s6;
	v5 =	vadd.f32 v6, v11;
	s19 =	ssub.f32 $1.500000000e+00, s14;
	v2 =	vmul.f32 v62, v8;
	[tilespmem:s15+$0xFFFFFFB0] =	vst v4  }
0x1c9: {  	v0 =	vmul.f32 v56, v9;
	[tilespmem:s15+$0xFFFFFFA0] =	vst v3;
	s14 =	ssub.f32 $1.500000000e+00, s0;
	s0 =	sadd.s32 $0x200, s17  }
0x1ca: {  	v2 =	vadd.f32 v2, v12;
	[tilespmem:s0+$0xF0] =	vst v5  }
0x1cb: {  	v0 =	vadd.f32 v0, v13;
	v4 =	vld [tilespmem:$0x1FE20]  }
0x1cc: {  	s23 =	ssub.f32 $1.500000000e+00, s25;
	[tilespmem:s15+$0xFFFFFFC0] =	vst v2  }
0x1cd: {  	v2 =	vld [tilespmem:$0x1FE30];
	[tilespmem:s15+$0xFFFFFFD0] =	vst v0  }
0x1ce: {  	v1 =	vmul.f32 v23, v10;
	s26 =	smul.f32 s26, s23;
	v0 =	vld [tilespmem:$0x1FE40]  }
0x1cf: {  	s23 =	smul.f32 s30, s21;
	v3 =	vmul.f32 v55, v7  }
0x1d0: {  	v1 =	vadd.f32 v1, v14;
	v5 =	vmul.f32 v59, v8;
	v4 =	vmul.f32 s9, v4  }
0x1d1: {  	v6 =	vmul.f32 v54, v9;
	s6 =	smul.f32 s23, s30;
	v3 =	vadd.f32 v3, v11  }
0x1d2: {  	s25 =	smul.f32 s11, s19;
	v5 =	vadd.f32 v5, v12;
	[tilespmem:s15+$0xFFFFFFE0] =	vst v1;
	v2 =	vmul.f32 s9, v2;
	v4 =	vmul.f32 v4, v10  }
0x1d3: {  	v6 =	vadd.f32 v6, v13;
	s19 =	smul.f32 s31, s22;
	v1 =	vld [tilespmem:$0x1FE50];
	[tilespmem:s15+$0xFFFFFFF0] =	vst v3;
	v0 =	vmul.f32 s18, v0  }
0x1d4: {  	s29 =	smul.f32 s5, s29;
	v3 =	vld [tilespmem:$0x1FE60];
	[tilespmem:s15+$0x0] =	vst v5;
	v2 =	vmul.f32 v2, v7;
	v4 =	vadd.f32 v4, v14  }
0x1d5: {  	s6 =	ssub.f32 $1.500000000e+00, s6;
	s5 =	smul.f32 s19, s31;
	v5 =	vld [tilespmem:$0x1FE70];
	[tilespmem:s15+$0x10] =	vst v6;
	v0 =	vmul.f32 v0, v8  }
0x1d6: {  	s19 =	smul.f32 s26, s7;
	v6 =	vld [tilespmem:$0x1FE80];
	v2 =	vadd.f32 v2, v11;
	[tilespmem:s15+$0x20] =	vst v4  }
0x1d7: {  	s30 =	smul.f32 s6, s30;
	s5 =	ssub.f32 $1.500000000e+00, s5;
	v0 =	vadd.f32 v0, v12;
	v4 =	vld [tilespmem:$0x1FE90]  }
0x1d8: {  	s19 =	smul.f32 s19, s26;
	v1 =	vmul.f32 s18, v1;
	[tilespmem:s15+$0x30] =	vst v2  }
0x1d9: {  	s11 =	smul.f32 s5, s31;
	v3 =	vmul.f32 s18, v3;
	v2 =	vld [tilespmem:$0x1FEA0];
	[tilespmem:s15+$0x40] =	vst v0  }
0x1da: {  	s31 =	smul.f32 s25, s4;
	v5 =	vmul.f32 s18, v5;
	v1 =	vmul.f32 v1, v9;
	v0 =	vld [tilespmem:$0x1FEB0]  }
0x1db: {  	s17 =	smul.f32 s12, s14;
	v6 =	vmul.f32 s24, v6;
	v3 =	vmul.f32 v3, v10  }
0x1dc: {  	s12 =	smul.f32 s10, s20;
	v5 =	vmul.f32 v5, v7;
	v1 =	vadd.f32 v1, v13;
	v4 =	vmul.f32 s24, v4  }
0x1dd: {  	s14 =	smul.f32 s29, s13;
	v6 =	vmul.f32 v6, v8;
	v3 =	vadd.f32 v3, v14  }
0x1de: {  	s23 =	smul.f32 s17, s2;
	v5 =	vadd.f32 v5, v11;
	[tilespmem:s15+$0x50] =	vst v1;
	v2 =	vmul.f32 s24, v2;
	v4 =	vmul.f32 v4, v9  }
0x1df: {  	s18 =	smul.f32 s11, s22;
	v6 =	vadd.f32 v6, v12;
	[tilespmem:s15+$0x60] =	vst v3;
	v0 =	vmul.f32 s24, v0  }
0x1e0: {  	s12 =	smul.f32 s12, s10;
	v1 =	vmul.f32 s16, v35;
	[tilespmem:s15+$0x70] =	vst v5;
	v2 =	vmul.f32 v2, v10;
	v4 =	vadd.f32 v4, v13  }
0x1e1: {  	s5 =	smul.f32 s18, s11;
	v3 =	vmul.f32 s16, v34;
	[tilespmem:s15+$0x80] =	vst v6;
	v0 =	vmul.f32 v0, v7  }
0x1e2: {  	s14 =	smul.f32 s14, s29;
	v5 =	vmul.f32 s16, v33;
	v1 =	vmul.f32 v1, v8;
	v2 =	vadd.f32 v2, v14;
	[tilespmem:s15+$0x90] =	vst v4  }
0x1e3: {  	s9 =	smul.f32 s23, s17;
	s5 =	ssub.f32 $1.500000000e+00, s5;
	v3 =	vmul.f32 v3, v9;
	v0 =	vadd.f32 v0, v11;
	v4 =	vld [tilespmem:$0x1FF20]  }
0x1e4: {  	s23 =	smul.f32 s30, s21;
	s22 =	ssub.f32 $1.500000000e+00, s12;
	v5 =	vmul.f32 v5, v10;
	v1 =	vadd.f32 v1, v12;
	[tilespmem:s15+$0xA0] =	vst v2  }
0x1e5: {  	s5 =	smul.f32 s5, s11;
	[tilespmem:s15+$0xB0] =	vst v0;
	v0 =	vadd.f32 v3, v13  }
0x1e6: {  	s6 =	smul.f32 s22, s10;
	[tilespmem:s0+$0xC0] =	vst v1;
	v1 =	vadd.f32 v5, v14  }
0x1e7: {  	s18 =	ssub.f32 $1.500000000e+00, s14;
	s24 =	smul.f32 s23, s30;
	v2 =	vmul.f32 s5, v30;
	[tilespmem:s0+$0xD0] =	vst v0  }
0x1e8: {  	s21 =	smul.f32 s6, s20;
	v0 =	vld [tilespmem:$0x1FEC0];
	[tilespmem:s0+$0xE0] =	vst v1;
	v4 =	vmul.f32 s5, v4  }
0x1e9: {  	s12 =	smul.f32 s18, s29;
	s10 =	ssub.f32 $1.500000000e+00, s24;
	v3 =	vmul.f32 s5, v24;
	v2 =	vmul.f32 v2, v9;
	v1 =	vld [tilespmem:$0x1FED0]  }
0x1ea: {  	s11 =	smul.f32 s21, s6;
	v6 =	vld [tilespmem:$0x1FEE0];
	v4 =	vmul.f32 v4, v8  }
0x1eb: {  	s10 =	smul.f32 s10, s30;
	v5 =	vmul.f32 s5, v51;
	v3 =	vmul.f32 v3, v10;
	v2 =	vadd.f32 v2, v13  }
0x1ec: {  	s13 =	smul.f32 s12, s13;
	v4 =	vadd.f32 v4, v12  }
0x1ed: {  	s31 =	smul.f32 s31, s25;
	s22 =	ssub.f32 $1.500000000e+00, s19;
	v5 =	vmul.f32 v5, v7;
	v3 =	vadd.f32 v3, v14;
	[tilespmem:s0+$0xFFFFFF10] =	vst v2;
	v0 =	vmul.f32 s10, v0  }
0x1ee: {  	s11 =	ssub.f32 $1.500000000e+00, s11;
	s13 =	smul.f32 s13, s12;
	v1 =	vmul.f32 s10, v1;
	[tilespmem:s0+$0xFFFFFF00] =	vst v4  }
0x1ef: {  	s23 =	smul.f32 s22, s26;
	v2 =	vadd.f32 v5, v11;
	v6 =	vmul.f32 s10, v6;
	v0 =	vmul.f32 v0, v8;
	v5 =	vld [tilespmem:$0x1FEF0];
	[tilespmem:s0+$0xFFFFFF20] =	vst v3  }
0x1f0: {  	s6 =	smul.f32 s11, s6;
	s26 =	ssub.f32 $1.500000000e+00, s13;
	v4 =	vmul.f32 s10, v21;
	v1 =	vmul.f32 v1, v9;
	v3 =	vld [tilespmem:$0x1FF00]  }
0x1f1: {  	s7 =	smul.f32 s23, s7;
	v6 =	vmul.f32 v6, v10;
	v0 =	vadd.f32 v0, v12;
	[tilespmem:s0+$0xFFFFFF30] =	vst v2  }
0x1f2: {  	s24 =	ssub.f32 $1.500000000e+00, s31;
	s11 =	smul.f32 s26, s12;
	v4 =	vmul.f32 v4, v7;
	v1 =	vadd.f32 v1, v13;
	v2 =	vld [tilespmem:$0x1FF10]  }
0x1f3: {  	s7 =	smul.f32 s7, s23;
	[tilespmem:s0+$0xFFFFFF40] =	vst v0;
	v0 =	vadd.f32 v6, v14;
	v6 =	vmul.f32 s6, v20  }
0x1f4: {  	s25 =	smul.f32 s24, s25;
	[tilespmem:s0+$0xFFFFFF50] =	vst v1;
	v1 =	vadd.f32 v4, v11;
	v4 =	vmul.f32 s11, v16;
	v5 =	vmul.f32 s6, v5  }
0x1f5: {  	s7 =	ssub.f32 $1.500000000e+00, s7;
	v6 =	vmul.f32 v6, v7;
	v3 =	vmul.f32 s6, v3  }
0x1f6: {  	s9 =	ssub.f32 $1.500000000e+00, s9;
	s4 =	smul.f32 s25, s4;
	v4 =	vmul.f32 v4, v8;
	v5 =	vmul.f32 v5, v8  }
0x1f7: {  	s5 =	smul.f32 s7, s23;
	[tilespmem:s0+$0xFFFFFF60] =	vst v0;
	v2 =	vmul.f32 s6, v2;
	v6 =	vadd.f32 v6, v11;
	v3 =	vmul.f32 v3, v9  }
0x1f8: {  	s29 =	smul.f32 s9, s17;
	[tilespmem:s0+$0xFFFFFF70] =	vst v1;
	v4 =	vadd.f32 v4, v12;
	v0 =	vadd.f32 v5, v12;
	v5 =	vmul.f32 s11, v19  }
0x1f9: {  	s4 =	smul.f32 s4, s25;
	v2 =	vmul.f32 v2, v10;
	[tilespmem:s0+$0xFFFFFFB0] =	vst v6;
	v6 =	vmul.f32 s5, v43  }
0x1fa: {  	s2 =	smul.f32 s29, s2;
	v1 =	vadd.f32 v3, v13;
	v3 =	vmul.f32 s11, v17;
	[tilespmem:s0+$0xFFFFFFC0] =	vst v4;
	v5 =	vmul.f32 v5, v9  }
0x1fb: {  	s4 =	ssub.f32 $1.500000000e+00, s4;
	v2 =	vadd.f32 v2, v14;
	[tilespmem:s0+$0xFFFFFF80] =	vst v0;
	v0 =	vmul.f32 s11, v18;
	v6 =	vmul.f32 v6, v10  }
0x1fc: {  	s2 =	smul.f32 s2, s29;
	[tilespmem:s0+$0xFFFFFF90] =	vst v1;
	v1 =	vmul.f32 s5, v44;
	v3 =	vmul.f32 v3, v10;
	v5 =	vadd.f32 v5, v13  }
0x1fd: {  	s4 =	smul.f32 s4, s25;
	v4 =	vmul.f32 s5, v37;
	[tilespmem:s0+$0xFFFFFFA0] =	vst v2;
	v0 =	vmul.f32 v0, v7;
	v6 =	vadd.f32 v6, v14  }
0x1fe: {  	v2 =	vmul.f32 s5, v42;
	v1 =	vmul.f32 v1, v8;
	v3 =	vadd.f32 v3, v14;
	[tilespmem:s0+$0xFFFFFFD0] =	vst v5  }
0x1ff: {  	s2 =	ssub.f32 $1.500000000e+00, s2;
	v4 =	vmul.f32 v4, v7;
	v0 =	vadd.f32 v0, v11;
	v5 =	vmul.f32 s4, v40;
	[tilespmem:s0+$0x20] =	vst v6  }
0x200: {  	v2 =	vmul.f32 v2, v9;
	v1 =	vadd.f32 v1, v12;
	[tilespmem:s0+$0xFFFFFFE0] =	vst v3;
	v3 =	vmul.f32 s4, v41  }
0x201: {  	s2 =	smul.f32 s2, s29;
	v4 =	vadd.f32 v4, v11;
	[tilespmem:s0+$0xFFFFFFF0] =	vst v0;
	v0 =	vmul.f32 s4, v39;
	v5 =	vmul.f32 v5, v8  }
0x202: {  	v2 =	vadd.f32 v2, v13;
	[tilespmem:s0+$0x0] =	vst v1;
	v1 =	vmul.f32 s4, v38;
	v3 =	vmul.f32 v3, v9  }
0x203: {  	v6 =	vmul.f32 s2, v25;
	[tilespmem:s0+$0x30] =	vst v4;
	v0 =	vmul.f32 v0, v10;
	v5 =	vadd.f32 v5, v12  }
0x204: {  	[tilespmem:s0+$0x10] =	vst v2;
	v2 =	vmul.f32 s2, v28;
	v1 =	vmul.f32 v1, v7;
	v3 =	vadd.f32 v3, v13  }
0x205: {  	v4 =	vmul.f32 s2, v47;
	v6 =	vmul.f32 v6, v9;
	v0 =	vadd.f32 v0, v14;
	[tilespmem:s0+$0x40] =	vst v5  }
0x206: {  	v2 =	vmul.f32 v2, v8;
	v1 =	vadd.f32 v1, v11;
	[tilespmem:s0+$0x50] =	vst v3  }
0x207: {  	v3 =	vmul.f32 v4, v10;
	v4 =	vadd.f32 v6, v13;
	[tilespmem:s0+$0x60] =	vst v0  }
0x208: {  	v5 =	vmul.f32 s2, v45;
	v2 =	vadd.f32 v2, v12;
	[tilespmem:s0+$0x70] =	vst v1  }
0x209: {  	[tilespmem:s0+$0x90] =	vst v4  }
0x20a: {  	v0 =	vmul.f32 v5, v7;
	[tilespmem:s0+$0x80] =	vst v2  }
0x20b: {  	s30 =	sshll.u32 s1, $0xF;
	v1 =	vadd.f32 v3, v14;
	s31 =	rddreg [dreg:$0x9]  }
0x20c: {  	v0 =	vadd.f32 v0, v11;
	s2 =	sadd.s32 s31, s30  }
0x20d: {  	s5 =	rddreg [dreg:$0x3];
	[tilespmem:s0+$0xA0] =	vst v1;
	s2 =	sshrl.u32 s2, $0x3  }
0x20e: {  	s7 =	simm.s32 $0x8200;
	s6 =	simm.s32 $0x0;
	[tilespmem:s0+$0xB0] =	vst v0;
	s0 =	sadd.s32 s5, s2  }
0x20f: {  	[hbm4b:s0+s6] =	stream.linear.scatter [tilespmem:s7], [sflag:$0x3], $0x4000, $0x38;
	[tilespmem:$0x10280] =	vst v63  }
0x210: {  	s0 =	simm.s32 @p0 $0x2  }
0x211: {  	_ =	swait.ge @p0 [sflag:s0], $0x2000  }
0x212: {  	[sflag:s0] =	ssyncset.done @p0 $0x0  }
0x213: {  	[sflag:s0] =	ssyncadd.s32 @p0 $0xFFFFE000  }
0x214: {  	_ =	swait.ge @p0 [sflag:s0], $0x2000  }
0x215: {  	[sflag:s0] =	ssyncset.done @p0 $0x0  }
0x216: {  	[sflag:s0] =	ssyncadd.s32 @p0 $0xFFFFE000;
	s0 =	simm.s32 @!p0 $0x5  }
0x217: {  	_ =	swait.ge @!p0 [sflag:s0], $0x100  }
0x218: {  	s4 =	simm.s32 @!p0 $0x200;
	[sflag:s0] =	ssyncset.done @!p0 $0x0  }
0x219: {  	s2 =	simm.s32 @!p0 $0x0;
	[sflag:s0] =	ssyncadd.s32 @!p0 $0xFFFFFF00;
	s0 =	simm.s32 @!p0 $0x80  }
0x21a: {  	[tilespmem:s4], [sflag:$0x1] =	stream.indirect.gather @!p0 [hbm4b:s8+s0], $0x40, s2, s0, $0xb8;
	[tilespmem:$0x10280] =	vst v63  }
0x21b: {  	s4 =	simm.s32 @!p0 $0x2200  }
0x21c: {  	[tilespmem:s4], [sflag:$0x1] =	stream.indirect.gather @!p0 [hbm4b:s8+s0], $0x40, s0, s0, $0xb8;
	[tilespmem:$0x10280] =	vst v63  }
0x21d: {  	s0 =	simm.s32 @!p0 $0x2  }
0x21e: {  	_ =	swait.ge @!p0 [sflag:s0], $0x2000  }
0x21f: {  	[sflag:s0] =	ssyncset.done @!p0 $0x0  }
0x220: {  	[sflag:s0] =	ssyncadd.s32 @!p0 $0xFFFFE000  }
0x221: {  	_ =	swait.ge @!p0 [sflag:s0], $0x2000  }
0x222: {  	s4 =	rddreg [dreg:$0xa]  }
0x223: {  	[sflag:s0] =	ssyncset.done @!p0 $0x0;
	s3 =	sadd.s32 @!p0 s3, s4  }
0x224: {  	[sflag:s0] =	ssyncadd.s32 @!p0 $0xFFFFE000;
	s0 =	rddreg [dreg:$0x5];
	s3 =	sshrl.u32 @!p0 s3, $0x3  }
0x225: {  	s0 =	sadd.s32 @!p0 s0, s3;
	s3 =	simm.s32 @!p0 $0x100  }
0x226: {  	[tilespmem:s3], [sflag:$0x6] =	stream.linear.gather @!p0 [hbm4b:s0+s2], $0x100, $0x38;
	[tilespmem:$0x10280] =	vst v63  }
0x227: {  	s0 =	simm.s32 @!p1 $0x4  }
0x228: {  	_ =	swait.ge @!p1 [sflag:s0], $0x4000  }
0x229: {  	[sflag:s0] =	ssyncset.done @!p1 $0x0  }
0x22a: {  	s9 =	simm.s32 $0x4300;
	[sflag:s0] =	ssyncadd.s32 @!p1 $0xFFFFC000  }
0x22b: {  	v15 =	vld [tilespmem:s9+$0xC0]  }
0x22c: {  	v16 =	vld [tilespmem:s9+$0xD0]  }
0x22d: {  	v17 =	vld [tilespmem:s9+$0xE0]  }
0x22e: {  	v18 =	vld [tilespmem:s9+$0xF0];
	_ =	sdelay $0x4  }
0x22f: {  	v41 =	vld [tilespmem:s9+$0xFFFFFF10];
	v0 =	vadd.f32 v16, v15;
	v1 =	vadd.f32 v18, v17  }
0x230: {  	v42 =	vld [tilespmem:s9+$0xFFFFFF20]  }
0x231: {  	v43 =	vld [tilespmem:s9+$0xFFFFFF30];
	v0 =	vadd.f32 v1, v0  }
0x232: {  	v19 =	vld [tilespmem:s9+$0xFFFFFF40]  }
0x233: {  	v20 =	vld [tilespmem:s9+$0xFFFFFF50];
	(xrf2) =	vadd.scan.msk.f32 $0xffff, v0  }
0x234: {  	v22 =	vld [tilespmem:s9+$0xFFFFFF60]  }
0x235: {  	v23 =	vld [tilespmem:s9+$0xFFFFFF70]  }
0x236: {  	v25 =	vld [tilespmem:s9+$0xFFFFFF80]  }
0x237: {  	v26 =	vld [tilespmem:s9+$0xFFFFFF90]  }
0x238: {  	v28 =	vld [tilespmem:s9+$0xFFFFFFA0]  }
0x239: {  	v29 =	vld [tilespmem:s9+$0xFFFFFFB0]  }
0x23a: {  	v30 =	vld [tilespmem:s9+$0xFFFFFFC0]  }
0x23b: {  	v31 =	vld [tilespmem:s9+$0xFFFFFFD0]  }
0x23c: {  	v32 =	vld [tilespmem:s9+$0xFFFFFFE0]  }
0x23d: {  	v44 =	vld [tilespmem:s9+$0xFFFFFFF0];
	v0, _, _ =	vpop (xrf2)  }
0x23e: {  	v45 =	vld [tilespmem:s9+$0x0];
	(v2sf) =	vpush v0, $0xF  }
0x23f: {  	v5 =	vld [tilespmem:s9+$0x10];
	v1 =	vadd.f32 v23, v22;
	v0 =	vadd.f32 v20, v19  }
0x240: {  	v8 =	vld [tilespmem:s9+$0x20]  }
0x241: {  	v46 =	vld [tilespmem:s9+$0x30];
	v0 =	vadd.f32 v1, v0  }
0x242: {  	v3 =	vld [tilespmem:s9+$0x40]  }
0x243: {  	v47 =	vld [tilespmem:s9+$0x50];
	(xrf2) =	vadd.scan.msk.f32 $0xffff, v0  }
0x244: {  	v51 =	vld [tilespmem:s9+$0xFFFFFF00];
	v2 =	vadd.f32 v29, v28;
	v1 =	vadd.f32 v26, v25  }
0x245: {  	v4 =	vld [tilespmem:s9+$0x60]  }
0x246: {  	v0 =	vadd.f32 v2, v1;
	v2 =	vld [tilespmem:s9+$0x70]  }
0x247: {  	v6 =	vadd.f32 v44, v32;
	v1 =	vadd.f32 v31, v30  }
0x248: {  	v7 =	vadd.f32 v43, v42;
	(xrf2) =	vadd.scan.msk.f32 $0xffff, v0  }
0x249: {  	v27 =	vadd.f32 v41, v51;
	v1 =	vadd.f32 v6, v1  }
0x24a: {  	v0 =	vadd.f32 v5, v45;
	v6 =	vadd.f32 v46, v8  }
0x24b: {  	v21 =	vadd.f32 v47, v3;
	v24 =	vadd.f32 v2, v4  }
0x24c: {  	v6 =	vadd.f32 v6, v0  }
0x24d: {  	v0 =	vld [tilespmem:s9+$0x80];
	(xrf2) =	vadd.scan.msk.f32 $0xffff, v1;
	v21 =	vadd.f32 v24, v21;
	v24 =	vadd.f32 v7, v27;
	v27, _, _ =	vpop (xrf2);
	s10 =	spop (v2sf)  }
0x24e: {  	v1 =	vld [tilespmem:s9+$0x90];
	(xrf2) =	vadd.scan.msk.f32 $0xffff, v6;
	(v2sf) =	vpush v27, $0xF;
	s2 =	smul.f32 $1.562500000e-02, s10  }
0x24f: {  	v6 =	vld [tilespmem:s9+$0xA0];
	(xrf2) =	vadd.scan.msk.f32 $0xffff, v21  }
0x250: {  	v7 =	vld [tilespmem:s9+$0xB0];
	(xrf2) =	vadd.scan.msk.f32 $0xffff, v24;
	v24 =	vmov s2  }
0x251: {  	v21 =	vsub.f32 v15, v24;
	v27 =	vsub.f32 v16, v24  }
0x252: {  	v62 =	vsub.f32 v17, v24;
	v24 =	vsub.f32 v18, v24;
	v15, _, _ =	vpop (xrf2)  }
0x253: {  	(v2sf) =	vpush v15, $0xF;
	v16 =	vmul.f32 v21, v21;
	v17 =	vmul.f32 v27, v27  }
0x254: {  	v15 =	vmul.f32 v62, v62;
	v18 =	vmul.f32 v24, v24  }
0x255: {  	v61 =	vadd.f32 v1, v0;
	v63 =	vadd.f32 v7, v6  }
0x256: {  	v16 =	vadd.f32 v17, v16;
	v15 =	vadd.f32 v18, v15  }
0x257: {  	v17 =	vadd.f32 v63, v61  }
0x258: {  	v18, _, _ =	vpop (xrf2);
	v15 =	vadd.f32 v15, v16  }
0x259: {  	(v2sf) =	vpush v18, $0xF;
	v18, _, _ =	vpop (xrf2);
	(xrf2) =	vadd.scan.msk.f32 $0xffff, v17  }
0x25a: {  	(xrf2) =	vadd.scan.msk.f32 $0xffff, v15  }
0x25b: {  	(v2sf) =	vpush v18, $0xF;
	v16, _, _ =	vpop (xrf2)  }
0x25c: {  	(v2sf) =	vpush v16, $0xF;
	v16, _, _ =	vpop (xrf2)  }
0x25d: {  	(v2sf) =	vpush v16, $0xF;
	s11 =	spop (v2sf)  }
0x25e: {  	s0 =	smul.f32 $1.562500000e-02, s11;
	_ =	sdelay $0x1  }
0x25f: {  	v15 =	vmov s0  }
0x260: {  	v57 =	vsub.f32 v22, v15;
	v63 =	vsub.f32 v23, v15  }
0x261: {  	v59 =	vsub.f32 v20, v15;
	s12 =	spop (v2sf)  }
0x262: {  	v60 =	vsub.f32 v19, v15;
	v16, _, _ =	vpop (xrf2);
	s0 =	smul.f32 $1.562500000e-02, s12;
	v18 =	vmul.f32 v57, v57;
	v19 =	vmul.f32 v63, v63  }
0x263: {  	v17 =	vmul.f32 v59, v59;
	(v2sf) =	vpush v16, $0xF;
	v16, _, _ =	vpop (xrf2)  }
0x264: {  	(v2sf) =	vpush v16, $0xF;
	v15 =	vmov s0;
	v18 =	vadd.f32 v19, v18  }
0x265: {  	v16 =	vmul.f32 v60, v60;
	v20 =	vsub.f32 v25, v15;
	v56 =	vsub.f32 v26, v15  }
0x266: {  	v61 =	vsub.f32 v28, v15;
	v23 =	vsub.f32 v29, v15  }
0x267: {  	v16 =	vadd.f32 v17, v16;
	[tilespmem:$0x1FD30] =	vst v20;
	s13 =	spop (v2sf);
	v15 =	vmul.f32 v20, v20;
	v20 =	vmul.f32 v56, v56  }
0x268: {  	v22 =	vmul.f32 v61, v61;
	v19 =	vmul.f32 v23, v23;
	s0 =	smul.f32 $1.562500000e-02, s13  }
0x269: {  	s14 =	spop (v2sf);
	v16 =	vadd.f32 v18, v16  }
0x26a: {  	s15 =	spop (v2sf);
	v15 =	vadd.f32 v20, v15;
	s17 =	smul.f32 $1.562500000e-02, s14;
	v19 =	vadd.f32 v19, v22;
	v17 =	vmov s0  }
0x26b: {  	s16 =	spop (v2sf);
	v55 =	vsub.f32 v30, v17;
	v54 =	vsub.f32 v31, v17  }
0x26c: {  	s0 =	smul.f32 $1.562500000e-02, s16;
	v26 =	vsub.f32 v32, v17;
	v53 =	vsub.f32 v44, v17;
	v22 =	vmov s17  }
0x26d: {  	v48 =	vsub.f32 v45, v22;
	v5 =	vsub.f32 v5, v22  }
0x26e: {  	[tilespmem:$0x1FD40] =	vst v23;
	v23 =	vmul.f32 v55, v55;
	v18 =	vmov s0;
	v25 =	vmul.f32 v54, v54  }
0x26f: {  	(xrf2) =	vadd.scan.msk.f32 $0xffff, v16;
	v32 =	vmul.f32 v26, v26;
	v28 =	vsub.f32 v51, v18;
	v50 =	vsub.f32 v41, v18  }
0x270: {  	v29 =	vsub.f32 v42, v18;
	v49 =	vsub.f32 v43, v18;
	v18 =	vmul.f32 v53, v53  }
0x271: {  	v20 =	vadd.f32 v25, v23;
	v34 =	vmul.f32 v28, v28;
	v35 =	vmul.f32 v50, v50  }
0x272: {  	s19 =	smul.f32 $1.562500000e-02, s15;
	v16 =	vmul.f32 v29, v29;
	v17 =	vmul.f32 v49, v49;
	v14 =	vadd.f32 v18, v32  }
0x273: {  	v18 =	vsub.f32 v46, v22;
	v10 =	vadd.f32 v35, v34  }
0x274: {  	v36 =	vadd.f32 v17, v16;
	v16 =	vsub.f32 v8, v22;
	v8 =	vmov s19  }
0x275: {  	[tilespmem:$0x1FD50] =	vst v26;
	v44 =	vadd.f32 v14, v20;
	v17 =	vsub.f32 v3, v8  }
0x276: {  	v37 =	vmul.f32 v48, v48;
	s18 =	spop (v2sf);
	[tilespmem:$0x1FBD0] =	vst v18;
	v38 =	vsub.f32 v47, v8;
	v39 =	vsub.f32 v4, v8  }
0x277: {  	v3 =	vmul.f32 v5, v5;
	s0 =	smul.f32 $1.562500000e-02, s18;
	v4 =	vadd.f32 v19, v15;
	v10 =	vadd.f32 v36, v10;
	[tilespmem:$0x1FBC0] =	vst v16  }
0x278: {  	s20 =	spop (v2sf);
	v40 =	vsub.f32 v2, v8;
	v8 =	vmul.f32 v18, v18;
	v2 =	vmul.f32 v16, v16;
	[tilespmem:$0x1FBE0] =	vst v17  }
0x279: {  	s3 =	smul.f32 $1.562500000e-02, s20;
	v41, _, _ =	vpop (xrf2);
	v3 =	vadd.f32 v3, v37;
	[tilespmem:$0x1FBF0] =	vst v38;
	v43 =	vmov s0;
	(xrf2) =	vadd.scan.msk.f32 $0xffff, v10  }
0x27a: {  	v42 =	vmul.f32 v17, v17;
	(v2sf) =	vpush v41, $0xF;
	[tilespmem:$0x1FC00] =	vst v39;
	v45 =	vsub.f32 v0, v43  }
0x27b: {  	v12 =	vmul.f32 v39, v39;
	[tilespmem:$0x1FC10] =	vst v40;
	s21 =	sadd.f32 $9.999999740e-06, s3;
	v0 =	vadd.f32 v8, v2;
	v8 =	vsub.f32 v1, v43  }
0x27c: {  	v2 =	vmul.f32 v40, v40;
	v52 =	vsub.f32 v6, v43;
	v7 =	vsub.f32 v7, v43;
	(xrf2) =	vadd.scan.msk.f32 $0xffff, v4  }
0x27d: {  	v4 =	vmul.f32 v38, v38;
	s3 =	sshra.s32 s21, $0x1;
	s2 =	smul.f32 $5.000000000e-01, s21;
	(xrf2) =	vadd.scan.msk.f32 $0xffff, v44;
	v1 =	vmul.f32 v45, v45;
	v0 =	vadd.f32 v0, v3  }
0x27e: {  	[tilespmem:$0x1FC20] =	vst v45;
	v3 =	vmul.f32 v8, v8;
	v2 =	vadd.f32 v2, v12;
	v6 =	vmul.f32 v52, v52;
	s3 =	ssub.s32 $0x5F3759DF, s3  }
0x27f: {  	[tilespmem:$0x1FC40] =	vst v7;
	v7 =	vmul.f32 v7, v7;
	v4 =	vadd.f32 v4, v42;
	s22 =	smul.f32 s3, s2;
	(xrf2) =	vadd.scan.msk.f32 $0xffff, v0  }
0x280: {  	s16 =	simm.s32 $0x4500;
	[tilespmem:$0x1FC30] =	vst v8;
	v0 =	vadd.f32 v3, v1  }
0x281: {  	v12 =	vld [tilespmem:s16+$0xC0];
	v3 =	vadd.f32 v7, v6;
	v1 =	vadd.f32 v2, v4;
	s0 =	smul.f32 s3, s22  }
0x282: {  	v20 =	vld [tilespmem:s16+$0xD0]  }
0x283: {  	v22 =	vld [tilespmem:s16+$0xE0];
	v0 =	vadd.f32 v3, v0;
	s0 =	ssub.f32 $1.500000000e+00, s0;
	v2, _, _ =	vpop (xrf2);
	(xrf2) =	vadd.scan.msk.f32 $0xffff, v1  }
0x284: {  	v36 =	vld [tilespmem:s16+$0xF0]  }
0x285: {  	s0 =	smul.f32 s3, s0  }
0x286: {  	(v2sf) =	vpush v2, $0xF;
	v1, _, _ =	vpop (xrf2)  }
0x287: {  	(xrf2) =	vadd.scan.msk.f32 $0xffff, v0;
	s3 =	smul.f32 s0, s2;
	(v2sf) =	vpush v1, $0xF;
	v0, _, _ =	vpop (xrf2)  }
0x288: {  	(v2sf) =	vpush v0, $0xF  }
0x289: {  	v2 =	vadd.f32 v36, v22;
	v1 =	vadd.f32 v20, v12;
	s3 =	smul.f32 s3, s0;
	v0, _, _ =	vpop (xrf2)  }
0x28a: {  	(v2sf) =	vpush v0, $0xF  }
0x28b: {  	v0 =	vadd.f32 v2, v1;
	s3 =	ssub.f32 $1.500000000e+00, s3;
	_ =	sdelay $0x1  }
0x28c: {  	s23 =	spop (v2sf);
	s0 =	smul.f32 s3, s0;
	v1, _, _ =	vpop (xrf2);
	(xrf2) =	vadd.scan.msk.f32 $0xffff, v0  }
0x28d: {  	s24 =	smul.f32 $1.562500000e-02, s23  }
0x28e: {  	s2 =	smul.f32 s0, s2  }
0x28f: {  	v16 =	vld [tilespmem:s16+$0xFFFFFF40];
	s3 =	sadd.f32 $9.999999740e-06, s24  }
0x290: {  	v19 =	vld [tilespmem:s16+$0xFFFFFF50];
	(v2sf) =	vpush v1, $0xF;
	s2 =	smul.f32 s2, s0  }
0x291: {  	v18 =	vld [tilespmem:s16+$0xFFFFFF60];
	s25 =	sshra.s32 s3, $0x1;
	s4 =	smul.f32 $5.000000000e-01, s3  }
0x292: {  	v37 =	vld [tilespmem:s16+$0xFFFFFF70];
	s17 =	ssub.s32 $0x5F3759DF, s25;
	s2 =	ssub.f32 $1.500000000e+00, s2  }
0x293: {  	v32 =	vld [tilespmem:s16+$0xFFFFFF80];
	s3 =	smul.f32 s17, s4  }
0x294: {  	v17 =	vld [tilespmem:s16+$0xFFFFFF90];
	s0 =	smul.f32 s2, s0;
	s26 =	spop (v2sf)  }
0x295: {  	v25 =	vld [tilespmem:s16+$0xFFFFFFA0];
	v0, _, _ =	vpop (xrf2);
	s2 =	smul.f32 $1.562500000e-02, s26;
	s30 =	spop (v2sf)  }
0x296: {  	v31 =	vld [tilespmem:s16+$0xFFFFFFB0];
	s10 =	smul.f32 s17, s3;
	(v2sf) =	vpush v0, $0xF;
	s12 =	spop (v2sf);
	v0, _, _ =	vpop (xrf2)  }
0x297: {  	v13 =	vld [tilespmem:s16+$0xFFFFFFC0];
	s29 =	sadd.f32 $9.999999740e-06, s2;
	s2 =	smul.f32 $1.562500000e-02, s30;
	(v2sf) =	vpush v0, $0xF  }
0x298: {  	v23 =	vld [tilespmem:s16+$0xFFFFFFD0];
	s13 =	smul.f32 $1.562500000e-02, s12;
	s20 =	spop (v2sf)  }
0x299: {  	v26 =	vld [tilespmem:s16+$0xFFFFFFE0];
	s15 =	smul.f32 $5.000000000e-01, s29;
	s31 =	sadd.f32 $9.999999740e-06, s2  }
0x29a: {  	v14 =	vld [tilespmem:s16+$0xFFFFFFF0];
	v1 =	vadd.f32 v37, v18;
	s14 =	sadd.f32 $9.999999740e-06, s13;
	v0 =	vadd.f32 v19, v16;
	s21 =	smul.f32 $1.562500000e-02, s20  }
0x29b: {  	v9 =	vld [tilespmem:s16+$0x30];
	s5 =	sshra.s32 s29, $0x1;
	s2 =	smul.f32 $5.000000000e-01, s31  }
0x29c: {  	v15 =	vld [tilespmem:s16+$0xFFFFFF10];
	s11 =	ssub.s32 $0x5F3759DF, s5;
	s3 =	smul.f32 $5.000000000e-01, s14;
	v0 =	vadd.f32 v1, v0;
	s30 =	sshra.s32 s31, $0x1  }
0x29d: {  	v39 =	vld [tilespmem:s16+$0xFFFFFF00];
	s5 =	smul.f32 s11, s15;
	s18 =	ssub.s32 $0x5F3759DF, s30  }
0x29e: {  	v6 =	vld [tilespmem:s16+$0x10];
	s22 =	sadd.f32 $9.999999740e-06, s21;
	(xrf2) =	vadd.scan.msk.f32 $0xffff, v0;
	s19 =	smul.f32 s18, s2  }
0x29f: {  	v7 =	vld [tilespmem:s16+$0x20];
	v2 =	vadd.f32 v31, v25;
	v1 =	vadd.f32 v17, v32;
	s5 =	smul.f32 s11, s5;
	s23 =	spop (v2sf)  }
0x2a0: {  	v4 =	vld [tilespmem:s16+$0x0];
	s24 =	smul.f32 $1.562500000e-02, s23  }
0x2a1: {  	s7 =	smul.f32 $5.000000000e-01, s22;
	v0 =	vld [tilespmem:s16+$0x40];
	v3 =	vadd.f32 v2, v1;
	s5 =	ssub.f32 $1.500000000e+00, s5  }
0x2a2: {  	v1 =	vld [tilespmem:s16+$0x50];
	s19 =	smul.f32 s18, s19;
	s25 =	sadd.f32 $9.999999740e-06, s24  }
0x2a3: {  	v8 =	vadd.f32 v23, v13;
	v46 =	vadd.f32 v14, v26;
	s12 =	sshra.s32 s14, $0x1;
	v2 =	vld [tilespmem:s16+$0x60];
	(xrf2) =	vadd.scan.msk.f32 $0xffff, v3;
	s5 =	smul.f32 s11, s5  }
0x2a4: {  	v51 =	vadd.f32 v9, v7;
	s20 =	ssub.s32 $0x5F3759DF, s12;
	v3 =	vld [tilespmem:s16+$0x70];
	s9 =	smul.f32 $5.000000000e-01, s25  }
0x2a5: {  	v30 =	vld [tilespmem:s16+$0xFFFFFF20];
	v10 =	vadd.f32 v46, v8;
	v47 =	vadd.f32 v6, v4;
	s26 =	spop (v2sf);
	s24 =	sshra.s32 s25, $0x1;
	s25 =	smul.f32 s20, s3  }
0x2a6: {  	v38 =	vld [tilespmem:s16+$0xFFFFFF30];
	s23 =	sshra.s32 s22, $0x1;
	s29 =	smul.f32 $1.562500000e-02, s26;
	s30 =	spop (v2sf)  }
0x2a7: {  	v45 =	vadd.f32 v51, v47;
	s21 =	ssub.s32 $0x5F3759DF, s23;
	(xrf2) =	vadd.scan.msk.f32 $0xffff, v10;
	s22 =	ssub.s32 $0x5F3759DF, s24;
	s24 =	smul.f32 $1.562500000e-02, s30  }
0x2a8: {  	v11 =	vld [tilespmem:s16+$0xA0];
	v47 =	vadd.f32 v15, v39;
	v58 =	vadd.f32 v1, v0;
	s26 =	smul.f32 s21, s7;
	v43, _, _ =	vpop (xrf2)  }
0x2a9: {  	v8 =	vld [tilespmem:s16+$0x80];
	s10 =	ssub.f32 $1.500000000e+00, s10;
	v44 =	vadd.f32 v3, v2;
	s14 =	smul.f32 s20, s25;
	(v2sf) =	vpush v43, $0xF;
	v46 =	vmov s24  }
0x2aa: {  	v10 =	vld [tilespmem:s16+$0x90];
	s31 =	sadd.f32 $9.999999740e-06, s29;
	s29 =	smul.f32 s22, s9;
	v35 =	vsub.f32 v12, v46;
	v33 =	vsub.f32 v20, v46  }
0x2ab: {  	s12 =	smul.f32 s21, s26;
	v12 =	vld [tilespmem:s16+$0xB0];
	v36 =	vsub.f32 v36, v46;
	v20 =	vadd.f32 v38, v30  }
0x2ac: {  	v41 =	vadd.f32 v44, v58;
	s25 =	ssub.f32 $1.500000000e+00, s14;
	s14 =	smul.f32 s17, s10  }
0x2ad: {  	(xrf2) =	vadd.scan.msk.f32 $0xffff, v45;
	s19 =	ssub.f32 $1.500000000e+00, s19;
	s13 =	smul.f32 $5.000000000e-01, s31;
	v34 =	vsub.f32 v22, v46;
	v22, _, _ =	vpop (xrf2);
	v20 =	vadd.f32 v20, v47;
	v51 =	vmul.f32 v36, v36  }
0x2ae: {  	s6 =	sshra.s32 s31, $0x1;
	s23 =	smul.f32 s22, s29;
	(xrf2) =	vadd.scan.msk.f32 $0xffff, v41;
	(v2sf) =	vpush v22, $0xF;
	v22 =	vmul.f32 v35, v35  }
0x2af: {  	s26 =	ssub.f32 $1.500000000e+00, s12;
	s12 =	smul.f32 s18, s19;
	s6 =	ssub.s32 $0x5F3759DF, s6;
	v40 =	vmul.f32 v33, v33;
	v42 =	vmul.f32 v34, v34;
	(xrf2) =	vadd.scan.msk.f32 $0xffff, v20  }
0x2b0: {  	v44 =	vadd.f32 v10, v8;
	s31 =	smul.f32 s6, s13;
	v58 =	vadd.f32 v12, v11  }
0x2b1: {  	s17 =	smul.f32 s21, s26;
	v22 =	vadd.f32 v40, v22;
	v47 =	vadd.f32 v51, v42;
	v51, _, _ =	vpop (xrf2)  }
0x2b2: {  	s21 =	smul.f32 s12, s2;
	v58 =	vadd.f32 v58, v44;
	(v2sf) =	vpush v51, $0xF  }
0x2b3: {  	s29 =	ssub.f32 $1.500000000e+00, s23;
	s24 =	smul.f32 s6, s31;
	v20 =	vadd.f32 v47, v22  }
0x2b4: {  	s16 =	smul.f32 s20, s25;
	(xrf2) =	vadd.scan.msk.f32 $0xffff, v58  }
0x2b5: {  	s11 =	smul.f32 s22, s29;
	(xrf2) =	vadd.scan.msk.f32 $0xffff, v20  }
0x2b6: {  	s31 =	smul.f32 s5, s15  }
0x2b7: {  	s20 =	smul.f32 s14, s4;
	v20, _, _ =	vpop (xrf2)  }
0x2b8: {  	s25 =	smul.f32 s17, s7;
	(v2sf) =	vpush v20, $0xF;
	v20, _, _ =	vpop (xrf2)  }
0x2b9: {  	s30 =	ssub.f32 $1.500000000e+00, s24;
	s23 =	smul.f32 s16, s3;
	(v2sf) =	vpush v20, $0xF;
	v20, _, _ =	vpop (xrf2)  }
0x2ba: {  	s26 =	smul.f32 s11, s9;
	s19 =	spop (v2sf);
	(v2sf) =	vpush v20, $0xF  }
0x2bb: {  	s18 =	smul.f32 $1.562500000e-02, s19  }
0x2bc: {  	s10 =	smul.f32 s6, s30  }
0x2bd: {  	s6 =	smul.f32 s31, s5;
	v44 =	vmov s18  }
0x2be: {  	s30 =	smul.f32 s10, s13;
	v19 =	vsub.f32 v19, v44;
	s24 =	spop (v2sf);
	v20, _, _ =	vpop (xrf2)  }
0x2bf: {  	s6 =	ssub.f32 $1.500000000e+00, s6;
	v18 =	vsub.f32 v18, v44;
	s22 =	smul.f32 $1.562500000e-02, s24;
	(v2sf) =	vpush v20, $0xF;
	v20, _, _ =	vpop (xrf2)  }
0x2c0: {  	s19 =	smul.f32 s20, s14;
	(v2sf) =	vpush v20, $0xF;
	v20 =	vsub.f32 v16, v44  }
0x2c1: {  	s24 =	smul.f32 s6, s5;
	v47 =	vmul.f32 v19, v19;
	v16 =	vsub.f32 v37, v44;
	v37 =	vmov s22;
	s29 =	spop (v2sf)  }
0x2c2: {  	[tilespmem:$0x1FC60] =	vst v19;
	v51 =	vmul.f32 v18, v18;
	v45 =	vsub.f32 v32, v37;
	s5 =	smul.f32 $1.562500000e-02, s29;
	v46 =	vmul.f32 v20, v20  }
0x2c3: {  	s20 =	smul.f32 s21, s12;
	[tilespmem:$0x1FC70] =	vst v18;
	v19 =	vsub.f32 v17, v37;
	v22 =	vsub.f32 v25, v37;
	v58 =	vmul.f32 v16, v16  }
0x2c4: {  	s21 =	smul.f32 s23, s16;
	[tilespmem:$0x1FC50] =	vst v20;
	v20 =	vsub.f32 v31, v37;
	v25 =	vadd.f32 v47, v46;
	v42 =	vmov s5  }
0x2c5: {  	s23 =	smul.f32 s25, s17;
	s19 =	ssub.f32 $1.500000000e+00, s19;
	[tilespmem:$0x1FC80] =	vst v16;
	v44 =	vmul.f32 v45, v45;
	v31 =	vadd.f32 v58, v51;
	v16 =	vsub.f32 v13, v42  }
0x2c6: {  	s31 =	ssub.f32 $1.500000000e+00, s20;
	s20 =	smul.f32 s26, s11;
	[tilespmem:$0x1FC90] =	vst v45;
	v45 =	vmul.f32 v22, v22;
	v18 =	vsub.f32 v23, v42;
	v17 =	vsub.f32 v26, v42  }
0x2c7: {  	s25 =	smul.f32 s19, s14;
	[tilespmem:$0x1FCA0] =	vst v19;
	s19 =	spop (v2sf);
	v23 =	vmul.f32 v19, v19;
	v19 =	vsub.f32 v14, v42;
	v26 =	vmul.f32 v20, v20  }
0x2c8: {  	s14 =	smul.f32 $1.562500000e-02, s19;
	s26 =	spop (v2sf);
	v25 =	vadd.f32 v31, v25;
	v31 =	vmul.f32 v16, v16;
	v46 =	vmul.f32 v18, v18  }
0x2c9: {  	s6 =	smul.f32 s30, s10;
	v47 =	vmul.f32 v17, v17;
	v51 =	vmul.f32 v19, v19;
	v13 =	vadd.f32 v23, v44;
	s30 =	spop (v2sf)  }
0x2ca: {  	v14 =	vadd.f32 v26, v45;
	v23 =	vmov s14;
	v31 =	vadd.f32 v46, v31;
	s5 =	smul.f32 $1.562500000e-02, s30  }
0x2cb: {  	s22 =	smul.f32 s31, s12;
	(xrf2) =	vadd.scan.msk.f32 $0xffff, v25;
	v26 =	vadd.f32 v51, v47;
	v44 =	vsub.f32 v4, v23  }
0x2cc: {  	s12 =	smul.f32 $1.562500000e-02, s26;
	v42 =	vsub.f32 v6, v23;
	v43 =	vsub.f32 v7, v23;
	v4 =	vmov s5  }
0x2cd: {  	v46 =	vsub.f32 v39, v4;
	v32 =	vsub.f32 v15, v4  }
0x2ce: {  	s21 =	ssub.f32 $1.500000000e+00, s21;
	v30 =	vsub.f32 v30, v4;
	v51 =	vsub.f32 v38, v4;
	v4 =	vmov s12  }
0x2cf: {  	v37 =	vsub.f32 v9, v23;
	v6 =	vmul.f32 v42, v42;
	v39 =	vsub.f32 v0, v4  }
0x2d0: {  	s21 =	smul.f32 s21, s16;
	s31 =	spop (v2sf);
	v0 =	vmul.f32 v44, v44;
	v41 =	vsub.f32 v1, v4;
	v38 =	vsub.f32 v2, v4  }
0x2d1: {  	s29 =	ssub.f32 $1.500000000e+00, s23;
	v40 =	vsub.f32 v3, v4;
	s23 =	smul.f32 $1.562500000e-02, s31;
	v1 =	vmul.f32 v46, v46;
	v7 =	vmul.f32 v32, v32  }
0x2d2: {  	s3 =	smul.f32 s21, s3;
	v2 =	vmul.f32 v30, v30;
	v58 =	vmul.f32 v51, v51;
	v0 =	vadd.f32 v6, v0  }
0x2d3: {  	s4 =	smul.f32 s25, s4;
	s6 =	ssub.f32 $1.500000000e+00, s6;
	v15 =	vld [tilespmem:$0x10220];
	v6 =	vmul.f32 v37, v37;
	v1 =	vadd.f32 v7, v1;
	v3 =	vmov s23  }
0x2d4: {  	s3 =	smul.f32 s3, s21;
	s19 =	ssub.f32 $1.500000000e+00, s20;
	v2 =	vadd.f32 v58, v2;
	v7 =	vmul.f32 v39, v39;
	v58 =	vsub.f32 v8, v3  }
0x2d5: {  	s16 =	smul.f32 s6, s10;
	v4, _, _ =	vpop (xrf2);
	v25 =	vsub.f32 v10, v3;
	v47 =	vsub.f32 v11, v3;
	v8 =	vmul.f32 v41, v41  }
0x2d6: {  	s18 =	smul.f32 s19, s11;
	s20 =	spop (v2sf);
	v45 =	vsub.f32 v12, v3;
	(v2sf) =	vpush v4, $0xF;
	v4 =	vmul.f32 v43, v43  }
0x2d7: {  	s11 =	smul.f32 $1.562500000e-02, s20;
	v9 =	vmul.f32 v40, v40;
	v11 =	vld [tilespmem:$0x10230];
	v1 =	vadd.f32 v2, v1;
	v2 =	vadd.f32 v14, v13  }
0x2d8: {  	s2 =	smul.f32 s22, s2;
	v12 =	vld [tilespmem:$0x10200];
	[tilespmem:$0x1FCF0] =	vst v15;
	v3 =	vadd.f32 v6, v4;
	v4 =	vadd.f32 v8, v7;
	v7 =	vmul.f32 s0, v21  }
0x2d9: {  	s17 =	smul.f32 s29, s17;
	s11 =	sadd.f32 $9.999999740e-06, s11;
	v14 =	vld [tilespmem:$0x10270];
	v6 =	vmul.f32 s0, v24;
	v8 =	vadd.f32 v26, v31;
	(xrf2) =	vadd.scan.msk.f32 $0xffff, v1;
	v1 =	vmul.f32 v38, v38  }
0x2da: {  	s29 =	smul.f32 s24, s15;
	v13 =	vld [tilespmem:$0x10210];
	(xrf2) =	vadd.scan.msk.f32 $0xffff, v2;
	v2 =	vmul.f32 v58, v58;
	v0 =	vadd.f32 v3, v0;
	v3 =	vmul.f32 v25, v25  }
0x2db: {  	s26 =	sshra.s32 s11, $0x1;
	s20 =	smul.f32 $5.000000000e-01, s11;
	v21 =	vld [tilespmem:$0x10240];
	v1 =	vadd.f32 v9, v1;
	(xrf2) =	vadd.scan.msk.f32 $0xffff, v8;
	v8 =	vmul.f32 v47, v47;
	v9 =	vmul.f32 v45, v45  }
0x2dc: {  	s2 =	smul.f32 s2, s22;
	v10 =	vmul.f32 s0, v62;
	s14 =	ssub.s32 $0x5F3759DF, s26;
	[tilespmem:$0x1FCB0] =	vst v11  }
0x2dd: {  	v23 =	vld [tilespmem:$0x10250];
	s30 =	smul.f32 s14, s20;
	v62 =	vmul.f32 v6, v11;
	[tilespmem:$0x1FCC0] =	vst v12;
	v3 =	vadd.f32 v3, v2;
	v8 =	vadd.f32 v9, v8  }
0x2de: {  	s3 =	ssub.f32 $1.500000000e+00, s3;
	s31 =	smul.f32 s4, s25;
	[tilespmem:$0x1FCD0] =	vst v14;
	(xrf2) =	vadd.scan.msk.f32 $0xffff, v0;
	v0 =	vmul.f32 s0, v27  }
0x2df: {  	v24 =	vld [tilespmem:$0x10260];
	s5 =	smul.f32 s14, s30;
	[tilespmem:$0x1FCE0] =	vst v13;
	v8 =	vadd.f32 v8, v3;
	v3 =	vmul.f32 v7, v12;
	v7 =	vadd.f32 v62, v14  }
0x2e0: {  	s15 =	ssub.f32 $1.500000000e+00, s31;
	s30 =	smul.f32 s3, s21;
	s3 =	simm.s32 $0xC300;
	[tilespmem:$0x1FD00] =	vst v21  }
0x2e1: {  	s23 =	smul.f32 s17, s7;
	v0 =	vmul.f32 v0, v13;
	v14 =	vadd.f32 v3, v21;
	[tilespmem:s3+$0xF0] =	vst v7  }
0x2e2: {  	s19 =	smul.f32 s15, s25;
	[tilespmem:$0x1FD10] =	vst v23  }
0x2e3: {  	s25 =	smul.f32 s16, s13;
	v7 =	vadd.f32 v0, v23;
	[tilespmem:s3+$0xC0] =	vst v14  }
0x2e4: {  	s2 =	ssub.f32 $1.500000000e+00, s2;
	s11 =	smul.f32 s29, s24;
	[tilespmem:$0x1FD20] =	vst v24  }
0x2e5: {  	s6 =	smul.f32 s23, s17;
	s5 =	ssub.f32 $1.500000000e+00, s5;
	v0 =	vld [tilespmem:$0x1FD30];
	[tilespmem:s3+$0xD0] =	vst v7  }
0x2e6: {  	s26 =	smul.f32 s2, s22;
	s11 =	ssub.f32 $1.500000000e+00, s11;
	v7 =	vld [tilespmem:$0x1FD40]  }
0x2e7: {  	s4 =	smul.f32 s14, s5  }
0x2e8: {  	v13 =	vmul.f32 v10, v15;
	s5 =	smul.f32 s11, s24  }
0x2e9: {  	v62 =	vmul.f32 s19, v59;
	s24 =	smul.f32 s18, s9  }
0x2ea: {  	v59 =	vmul.f32 s19, v63;
	v3 =	vmul.f32 s19, v60;
	v9 =	vadd.f32 v13, v24;
	s29 =	smul.f32 s4, s20;
	v63, _, _ =	vpop (xrf2)  }
0x2eb: {  	s9 =	smul.f32 s25, s16;
	v60 =	vmul.f32 s26, v56;
	(v2sf) =	vpush v63, $0xF;
	v56 =	vmul.f32 s26, v7;
	v7, _, _ =	vpop (xrf2)  }
0x2ec: {  	s6 =	ssub.f32 $1.500000000e+00, s6;
	s2 =	smul.f32 s29, s4;
	[tilespmem:s3+$0xE0] =	vst v9;
	(v2sf) =	vpush v7, $0xF;
	v7, _, _ =	vpop (xrf2)  }
0x2ed: {  	v6 =	vmul.f32 s5, v28;
	s7 =	smul.f32 s24, s18;
	s0 =	ssub.f32 $1.500000000e+00, s9;
	(v2sf) =	vpush v7, $0xF;
	v7 =	vld [tilespmem:$0x1FD50]  }
0x2ee: {  	v11 =	vadd.f32 v1, v4;
	v4 =	vmul.f32 s5, v50;
	v2 =	vmul.f32 s5, v29;
	s2 =	ssub.f32 $1.500000000e+00, s2  }
0x2ef: {  	v1 =	vmul.f32 s5, v49;
	v50 =	vmul.f32 s19, v57;
	s9 =	smul.f32 s6, s17;
	s7 =	ssub.f32 $1.500000000e+00, s7  }
0x2f0: {  	v49 =	vmul.f32 s26, v61;
	v57 =	vmul.f32 s30, v54;
	s31 =	spop (v2sf);
	s2 =	smul.f32 s2, s4  }
0x2f1: {  	v63 =	vmul.f32 s30, v55;
	v55 =	vmul.f32 s30, v53;
	s4 =	smul.f32 $1.562500000e-02, s31  }
0x2f2: {  	s15 =	simm.s32 $0xC300;
	s17 =	simm.s32 $0x8;
	v23 =	vmul.f32 s9, v48;
	s18 =	smul.f32 s7, s18;
	(xrf2) =	vadd.scan.msk.f32 $0xffff, v11;
	v61 =	vmul.f32 s30, v7;
	v7, _, _ =	vpop (xrf2)  }
0x2f3: {  	v54 =	vmul.f32 s9, v5;
	v0 =	vmul.f32 s26, v0;
	s10 =	smul.f32 s2, s20;
	s4 =	sadd.f32 $9.999999740e-06, s4;
	s20 =	simm.s32 $0x4700;
	(xrf2) =	vadd.scan.msk.f32 $0xffff, v8;
	(v2sf) =	vpush v7, $0xF  }
.LBB2_8:
0x2f4: {  	v5 =	vld [tilespmem:$0x1FBC0];
	_ =	sdelay $0x4  }
0x2f5: {  	v7 =	vmul.f32 s9, v5;
	v5 =	vld [tilespmem:$0x1FBD0];
	_ =	sdelay $0x2  }
0x2f6: {  	v53 =	vld [tilespmem:s20+$0xC0]  }
0x2f7: {  	v9 =	vmov v42;
	v42 =	vld [tilespmem:s20+$0xD0]  }
0x2f8: {  	v13 =	vld [tilespmem:$0x1FBE0];
	v21 =	vmul.f32 s9, v5;
	v5, _, _ =	vpop (xrf2)  }
0x2f9: {  	(v2sf) =	vpush v5, $0xF;
	v5 =	vld [tilespmem:$0x1FC00]  }
0x2fa: {  	v14 =	vld [tilespmem:$0x1FBF0]  }
0x2fb: {  	[tilespmem:$0x1FB00] =	vst v32;
	v32 =	vmov v37;
	v37 =	vld [tilespmem:s20+$0xE0]  }
0x2fc: {  	v27 =	vld [tilespmem:$0x1FCE0]  }
0x2fd: {  	v26 =	vld [tilespmem:$0x1FCC0]  }
0x2fe: {  	[tilespmem:$0x1FBB0] =	vst v9;
	v9 =	vmul.f32 s18, v5;
	v5 =	vld [tilespmem:$0x1FC10]  }
0x2ff: {  	v48 =	vld [tilespmem:s20+$0xFFFFFF10]  }
0x300: {  	[tilespmem:$0x1FB50] =	vst v16;
	v16 =	vld [tilespmem:s20+$0xFFFFFF20]  }
0x301: {  	[tilespmem:$0x1FB10] =	vst v30;
	v8 =	vmov v43;
	v29 =	vld [tilespmem:$0x1FD00];
	v43 =	vmul.f32 v4, v27;
	v4, _, _ =	vpop (xrf2)  }
0x302: {  	[tilespmem:$0x1FB80] =	vst v17;
	s23 =	spop (v2sf);
	(v2sf) =	vpush v4, $0xF;
	v4 =	vld [tilespmem:$0x1FC40]  }
0x303: {  	v17 =	vmov v25;
	v25 =	vld [tilespmem:$0x1FCB0];
	s5 =	smul.f32 s10, s2;
	[tilespmem:$0x1FBC0] =	vst v8;
	v8 =	vmul.f32 s18, v5;
	v5 =	vmov v41  }
0x304: {  	v41 =	vld [tilespmem:s20+$0xF0];
	[tilespmem:$0x1FBF0] =	vst v5;
	v5 =	vmul.f32 v6, v26;
	v6 =	vmov v51  }
0x305: {  	s0 =	smul.f32 s0, s16;
	s14 =	ssub.f32 $1.500000000e+00, s5;
	[tilespmem:$0x1FB20] =	vst v6;
	v6 =	vld [tilespmem:$0x1FC20]  }
0x306: {  	[tilespmem:$0x1FB30] =	vst v22;
	v10 =	vmov v44;
	v28 =	vld [tilespmem:$0x1FCF0]  }
0x307: {  	[tilespmem:$0x1FBA0] =	vst v10;
	v11 =	vmul.f32 s18, v13;
	v13 =	vmovc v38;
	s19 =	smul.f32 s14, s2;
	v38 =	vld [tilespmem:s20+$0xFFFFFF40];
	v10 =	vmul.f32 s0, v4;
	v4 =	vmov v47  }
0x308: {  	[tilespmem:$0x1FB70] =	vst v4;
	v4 =	vld [tilespmem:$0x1FD10]  }
0x309: {  	[tilespmem:$0x1FAF0] =	vst v46;
	v12 =	vmul.f32 s18, v14;
	v14 =	vmov v39;
	v39 =	vld [tilespmem:s20+$0xFFFFFF50];
	v46 =	vmul.f32 s19, v36  }
0x30a: {  	[tilespmem:$0x1FB60] =	vst v18;
	v18 =	vmovc v58;
	v36 =	vadd.f32 v42, v53;
	v58 =	vadd.f32 v41, v37;
	v15 =	vmul.f32 s0, v6;
	v6 =	vld [tilespmem:$0x1FC30]  }
0x30b: {  	[tilespmem:$0x1FBE0] =	vst v14;
	v14 =	vmul.f32 s19, v35;
	v35 =	vmul.f32 v46, v25;
	v46 =	vld [tilespmem:$0x1FCD0]  }
0x30c: {  	[tilespmem:$0x1FB40] =	vst v20;
	v51 =	vld [tilespmem:s20+$0xFFFFFF30];
	v58 =	vadd.f32 v58, v36  }
0x30d: {  	[tilespmem:$0x1FB90] =	vst v19;
	v52 =	vmul.f32 s0, v52;
	v2 =	vmul.f32 v2, v28;
	v47 =	vadd.f32 v43, v4;
	v43 =	vld [tilespmem:s20+$0xFFFFFF60]  }
0x30e: {  	v44 =	vmovc v40;
	[tilespmem:$0x1FAE0] =	vst v16;
	v1 =	vmul.f32 v1, v25;
	v62 =	vmul.f32 v62, v27;
	(xrf2) =	vadd.scan.msk.f32 $0xffff, v58;
	v58 =	vld [tilespmem:$0x1FD20]  }
0x30f: {  	v50 =	vmul.f32 v50, v28;
	[tilespmem:$0x1FC00] =	vst v13;
	v5 =	vadd.f32 v5, v29;
	v13 =	vmul.f32 s0, v6;
	v6 =	vmovc v45;
	v45 =	vld [tilespmem:s20+$0xFFFFFF70]  }
0x310: {  	v40 =	vld [tilespmem:s20+$0xFFFFFF80];
	v19 =	vmul.f32 v63, v26;
	v20 =	vmul.f32 v57, v27;
	v35 =	vadd.f32 v35, v46;
	[tilespmem:s3+$0xFFFFFF10] =	vst v47  }
0x311: {  	s24 =	smul.f32 $1.562500000e-02, s23;
	s25 =	spop (v2sf);
	v22 =	vmul.f32 v61, v28;
	v30 =	vmul.f32 v55, v25;
	v47 =	vld [tilespmem:s20+$0xFFFFFF90];
	[tilespmem:s3+$0xFFFFFF00] =	vst v5;
	s3 =	sadd.s32 $0x200, s3  }
0x312: {  	s6 =	sshra.s32 s4, $0x1;
	s2 =	smul.f32 $1.562500000e-02, s25;
	v5 =	vadd.f32 v51, v16;
	[tilespmem:s3+$0xF0] =	vst v35;
	v35 =	vmul.f32 v0, v26;
	v16 =	vmul.f32 v60, v27;
	v60 =	vld [tilespmem:s20+$0xFFFFFFB0]  }
0x313: {  	s21 =	ssub.s32 $0x5F3759DF, s6;
	s30 =	spop (v2sf);
	s9 =	smul.f32 $5.000000000e-01, s4;
	v0 =	vadd.f32 v39, v38;
	[tilespmem:$0x1FC40] =	vst v6;
	v6 =	vmul.f32 s19, v34;
	v34 =	vmul.f32 v59, v25;
	v59 =	vld [tilespmem:s20+$0xFFFFFFA0]  }
0x314: {  	[tilespmem:$0x1FBD0] =	vst v32;
	v57 =	vld [tilespmem:s20+$0xFFFFFFD0];
	s29 =	sadd.f32 $9.999999740e-06, s2;
	s2 =	smul.f32 $1.562500000e-02, s30;
	v36 =	vmul.f32 v3, v26;
	v2 =	vadd.f32 v2, v58;
	v3 =	vadd.f32 v45, v43  }
0x315: {  	s5 =	spop (v2sf);
	v31 =	vmul.f32 v23, v26;
	v32 =	vmul.f32 v54, v27;
	v54 =	vld [tilespmem:s20+$0x10];
	v1 =	vadd.f32 v1, v46;
	s18 =	smul.f32 s21, s9;
	[tilespmem:$0x1FC20] =	vst v18  }
0x316: {  	v33 =	vmul.f32 s19, v33;
	s4 =	sadd.f32 $9.999999740e-06, s2;
	s2 =	smul.f32 $1.562500000e-02, s5;
	v18 =	vmul.f32 v56, v25;
	v56 =	vld [tilespmem:s20+$0xFFFFFFC0];
	[tilespmem:s15+$0xFFFFFF20] =	vst v2;
	v2 =	vadd.f32 v3, v0  }
0x317: {  	v23 =	vmul.f32 v11, v26;
	v11 =	vmul.f32 v12, v27;
	s22 =	smul.f32 s21, s18;
	s11 =	spop (v2sf);
	[tilespmem:s15+$0xFFFFFF30] =	vst v1;
	v61 =	vadd.f32 v47, v40;
	v0 =	vld [tilespmem:s20+$0xFFFFFFE0]  }
0x318: {  	s18 =	smul.f32 $5.000000000e-01, s4;
	s14 =	spop (v2sf);
	v1 =	vadd.f32 v36, v29;
	v36 =	vmul.f32 v7, v28;
	v7 =	vadd.f32 v60, v59;
	v3 =	vld [tilespmem:s20+$0xFFFFFFF0];
	(xrf2) =	vadd.scan.msk.f32 $0xffff, v2  }
0x319: {  	s6 =	sshra.s32 s4, $0x1;
	s10 =	sadd.f32 $9.999999740e-06, s2;
	v21 =	vmul.f32 v21, v25;
	[tilespmem:$0x1FC10] =	vst v44;
	v44 =	vld [tilespmem:s20+$0x0];
	v24 =	vmul.f32 v9, v28;
	s4 =	smul.f32 $1.562500000e-02, s14  }
0x31a: {  	s16 =	ssub.f32 $1.500000000e+00, s22;
	s2 =	smul.f32 $1.562500000e-02, s11;
	[tilespmem:$0x1FC30] =	vst v17;
	v17 =	vmul.f32 v49, v28;
	v49 =	vld [tilespmem:s20+$0x20];
	v7 =	vadd.f32 v7, v61;
	v2 =	vadd.f32 v62, v4  }
0x31b: {  	s7 =	smul.f32 $5.000000000e-01, s29;
	v9 =	vmul.f32 v10, v25;
	v12 =	vmul.f32 v8, v25;
	s4 =	sadd.f32 $9.999999740e-06, s4;
	[tilespmem:s15+$0xFFFFFF40] =	vst v1;
	v1 =	vld [tilespmem:s20+$0x30]  }
0x31c: {  	s31 =	sshra.s32 s29, $0x1;
	s16 =	smul.f32 s21, s16;
	v8 =	vadd.f32 v57, v56;
	s2 =	sadd.f32 $9.999999740e-06, s2;
	v25 =	vld [tilespmem:s20+$0x70];
	v63, _, _ =	vpop (xrf2);
	(xrf2) =	vadd.scan.msk.f32 $0xffff, v7;
	[tilespmem:s15+$0xFFFFFF50] =	vst v2;
	v2 =	vadd.f32 v50, v58  }
0x31d: {  	v10 =	vmul.f32 v14, v26;
	s11 =	sshra.s32 s4, $0x1;
	s4 =	smul.f32 $5.000000000e-01, s4;
	s0 =	sadd.f32 $9.999999740e-06, s24;
	(v2sf) =	vpush v63, $0xF;
	v62 =	vld [tilespmem:s20+$0x50];
	v55 =	vadd.f32 v3, v0  }
0x31e: {  	s24 =	ssub.s32 $0x5F3759DF, s31;
	s19 =	sshra.s32 s2, $0x1;
	s2 =	smul.f32 $5.000000000e-01, s2;
	v7 =	vmul.f32 v33, v27;
	v33 =	vadd.f32 v54, v44;
	v50 =	vld [tilespmem:s20+$0x40];
	[tilespmem:s15+$0xFFFFFF60] =	vst v2;
	v2 =	vadd.f32 v34, v46  }
0x31f: {  	s23 =	smul.f32 s24, s7;
	v63 =	vld [tilespmem:s20+$0x60];
	v14 =	vadd.f32 v55, v8;
	v8 =	vmul.f32 v6, v28;
	v6 =	vadd.f32 v16, v4  }
0x320: {  	s13 =	smul.f32 $5.000000000e-01, s0;
	v16 =	vadd.f32 v1, v49;
	[tilespmem:s15+$0xFFFFFF70] =	vst v2;
	v2 =	vadd.f32 v35, v29  }
0x321: {  	v15 =	vmul.f32 v15, v26;
	v26 =	vld [tilespmem:s20+$0x90];
	s30 =	ssub.s32 $0x5F3759DF, s11;
	s26 =	sshra.s32 s0, $0x1;
	s0 =	smul.f32 $5.000000000e-01, s10;
	(xrf2) =	vadd.scan.msk.f32 $0xffff, v14;
	v14 =	vadd.f32 v17, v58;
	v17 =	vadd.f32 v18, v46  }
0x322: {  	s12 =	sshra.s32 s10, $0x1;
	s10 =	ssub.s32 $0x5F3759DF, s19;
	s19 =	smul.f32 s30, s4;
	v55 =	vld [tilespmem:s20+$0x80];
	v18 =	vadd.f32 v19, v29;
	v16 =	vadd.f32 v16, v33;
	v33, _, _ =	vpop (xrf2)  }
0x323: {  	s14 =	smul.f32 s10, s2;
	v19 =	vadd.f32 v62, v50;
	[tilespmem:s15+$0xFFFFFF90] =	vst v6;
	v6 =	vld [tilespmem:s20+$0xFFFFFF00];
	(v2sf) =	vpush v33, $0xF  }
0x324: {  	s25 =	ssub.s32 $0x5F3759DF, s26;
	s5 =	smul.f32 s24, s23;
	v61 =	vld [tilespmem:s20+$0xB0];
	v33 =	vadd.f32 v20, v4;
	v20 =	vadd.f32 v25, v63  }
0x325: {  	s26 =	ssub.s32 $0x5F3759DF, s6;
	s22 =	smul.f32 s25, s13;
	[tilespmem:s15+$0xFFFFFF80] =	vst v2;
	v2 =	vld [tilespmem:s20+$0xA0]  }
0x326: {  	s29 =	ssub.s32 $0x5F3759DF, s12;
	s12 =	smul.f32 s26, s18;
	(xrf2) =	vadd.scan.msk.f32 $0xffff, v16;
	v16 =	vadd.f32 v22, v58;
	v22, _, _ =	vpop (xrf2);
	v19 =	vadd.f32 v20, v19  }
0x327: {  	s31 =	smul.f32 s29, s0;
	(v2sf) =	vpush v22, $0xF  }
0x328: {  	s19 =	smul.f32 s30, s19;
	v20 =	vadd.f32 v26, v55;
	(xrf2) =	vadd.scan.msk.f32 $0xffff, v19;
	v19 =	vadd.f32 v48, v6  }
0x329: {  	s14 =	smul.f32 s10, s14  }
0x32a: {  	s6 =	smul.f32 s25, s22;
	[tilespmem:s15+$0xFFFFFFE0] =	vst v16;
	v16 =	vadd.f32 v61, v2;
	v5 =	vadd.f32 v5, v19  }
0x32b: {  	s5 =	ssub.f32 $1.500000000e+00, s5;
	s12 =	smul.f32 s26, s12  }
0x32c: {  	s11 =	smul.f32 s29, s31;
	v35 =	vadd.f32 v23, v29;
	s23 =	spop (v2sf);
	v16 =	vadd.f32 v16, v20;
	v20, _, _ =	vpop (xrf2);
	(xrf2) =	vadd.scan.msk.f32 $0xffff, v5  }
0x32d: {  	s6 =	ssub.f32 $1.500000000e+00, s6;
	[tilespmem:s15+$0xFFFFFFB0] =	vst v17;
	v17 =	vadd.f32 v30, v46;
	s31 =	smul.f32 $1.562500000e-02, s23  }
0x32e: {  	v11 =	vadd.f32 v11, v4;
	s24 =	smul.f32 s24, s5;
	s12 =	ssub.f32 $1.500000000e+00, s12;
	[tilespmem:s15+$0x40] =	vst v35;
	(v2sf) =	vpush v20, $0xF  }
0x32f: {  	s11 =	ssub.f32 $1.500000000e+00, s11;
	s25 =	smul.f32 s25, s6;
	v34 =	vadd.f32 v32, v4;
	[tilespmem:s15+$0xFFFFFFF0] =	vst v17;
	v17 =	vadd.f32 v36, v58;
	v36 =	vmov s31  }
0x330: {  	s14 =	ssub.f32 $1.500000000e+00, s14;
	s22 =	smul.f32 s26, s12;
	[tilespmem:s15+$0xFFFFFFD0] =	vst v33;
	v35 =	vsub.f32 v53, v36;
	v33 =	vsub.f32 v42, v36  }
0x331: {  	s21 =	ssub.f32 $1.500000000e+00, s19;
	s26 =	smul.f32 s29, s11;
	[tilespmem:s15+$0x10] =	vst v34;
	v34 =	vsub.f32 v37, v36;
	v36 =	vsub.f32 v41, v36  }
0x332: {  	v52 =	vmul.f32 v52, v28;
	s29 =	smul.f32 s10, s14;
	v5 =	vadd.f32 v12, v46;
	v12 =	vadd.f32 v15, v29;
	v15, _, _ =	vpop (xrf2);
	s10 =	spop (v2sf)  }
0x333: {  	v13 =	vmul.f32 v13, v27;
	v7 =	vadd.f32 v7, v4;
	(xrf2) =	vadd.scan.msk.f32 $0xffff, v16;
	(v2sf) =	vpush v15, $0xF;
	v16, _, _ =	vpop (xrf2);
	s6 =	smul.f32 $1.562500000e-02, s10  }
0x334: {  	s21 =	smul.f32 s30, s21;
	v53 =	vmul.f32 v34, v34;
	v15 =	vmul.f32 v36, v36;
	(v2sf) =	vpush v16, $0xF  }
0x335: {  	s11 =	smul.f32 s16, s9;
	[tilespmem:s15+$0x50] =	vst v11;
	v11 =	vadd.f32 v13, v4;
	v13 =	vadd.f32 v52, v58;
	v41 =	vmov s6  }
0x336: {  	s14 =	smul.f32 s24, s7;
	[tilespmem:s3+$0xD0] =	vst v7;
	v37 =	vadd.f32 v15, v53;
	v53 =	vsub.f32 v43, v41;
	v43, _, _ =	vpop (xrf2)  }
0x337: {  	s5 =	smul.f32 s25, s13;
	[tilespmem:s15+$0xA0] =	vst v13;
	s23 =	spop (v2sf);
	(v2sf) =	vpush v43, $0xF  }
0x338: {  	v9 =	vadd.f32 v9, v46;
	s19 =	smul.f32 s22, s18;
	v52 =	vmul.f32 v33, v33;
	[tilespmem:s15+$0x70] =	vst v5;
	v5 =	vmul.f32 v35, v35  }
0x339: {  	s30 =	smul.f32 s26, s0;
	[tilespmem:s15+$0xFFFFFFC0] =	vst v18;
	v18 =	vadd.f32 v31, v29  }
0x33a: {  	v10 =	vadd.f32 v10, v29;
	s5 =	smul.f32 s5, s25;
	[tilespmem:s15+$0xB0] =	vst v9;
	v32 =	vadd.f32 v52, v5  }
0x33b: {  	v8 =	vadd.f32 v8, v58;
	[tilespmem:s15+$0x0] =	vst v18;
	v18 =	vadd.f32 v21, v46;
	s12 =	smul.f32 $1.562500000e-02, s23  }
0x33c: {  	[tilespmem:s15+$0x20] =	vst v17;
	v17 =	vadd.f32 v24, v58;
	s31 =	smul.f32 s29, s2;
	v42 =	vadd.f32 v37, v32  }
0x33d: {  	[tilespmem:s3+$0xE0] =	vst v8;
	s10 =	smul.f32 s11, s16;
	v5 =	vsub.f32 v38, v41;
	v7 =	vsub.f32 v45, v41;
	v58 =	vmov s12;
	v15, _, _ =	vpop (xrf2);
	s23 =	spop (v2sf)  }
0x33e: {  	[tilespmem:s15+$0x30] =	vst v18;
	v8 =	vsub.f32 v40, v58;
	(v2sf) =	vpush v15, $0xF;
	s23 =	smul.f32 $1.562500000e-02, s23  }
0x33f: {  	[tilespmem:s15+$0x60] =	vst v17;
	s11 =	smul.f32 s14, s24;
	v9 =	vsub.f32 v47, v58;
	v52 =	vsub.f32 v60, v58;
	v16 =	vmul.f32 v53, v53  }
0x340: {  	s5 =	ssub.f32 $1.500000000e+00, s5;
	s6 =	smul.f32 s19, s22;
	(xrf2) =	vadd.scan.msk.f32 $0xffff, v42;
	v17 =	vmul.f32 v7, v7;
	v18 =	vmul.f32 v8, v8;
	v60 =	vmov s23  }
0x341: {  	[tilespmem:s15+$0x80] =	vst v12;
	s19 =	smul.f32 s31, s29;
	v19 =	vmul.f32 v9, v9;
	s23 =	ssub.f32 $1.500000000e+00, s10;
	v12 =	vsub.f32 v0, v60;
	v13 =	vsub.f32 v3, v60  }
0x342: {  	[tilespmem:s15+$0x90] =	vst v11;
	v11 =	vsub.f32 v39, v41;
	s10 =	smul.f32 s30, s26;
	s30 =	spop (v2sf);
	v0 =	vadd.f32 v17, v16  }
0x343: {  	v17 =	vadd.f32 v19, v18;
	s14 =	smul.f32 $1.562500000e-02, s30;
	v18 =	vmul.f32 v12, v12;
	v19 =	vmul.f32 v13, v13;
	s31 =	spop (v2sf)  }
0x344: {  	v45 =	vmul.f32 v5, v5;
	v46 =	vmul.f32 v11, v11;
	s30 =	smul.f32 $1.562500000e-02, s31  }
0x345: {  	[tilespmem:s3+$0xC0] =	vst v10;
	v10 =	vsub.f32 v59, v58;
	v18 =	vadd.f32 v19, v18;
	v19 =	vmov s14;
	s31 =	ssub.f32 $1.500000000e+00, s10;
	s10 =	smul.f32 s5, s25  }
0x346: {  	v20 =	vadd.f32 v46, v45;
	v37 =	vsub.f32 v1, v19;
	v1 =	vmov s30;
	s30 =	smul.f32 s23, s16;
	s16 =	spop (v2sf)  }
0x347: {  	v21 =	vmul.f32 v10, v10;
	v22 =	vmul.f32 v52, v52;
	s5 =	ssub.f32 $1.500000000e+00, s19;
	s19 =	smul.f32 $1.562500000e-02, s16  }
0x348: {  	v0 =	vadd.f32 v0, v20  }
0x349: {  	v21 =	vadd.f32 v22, v21;
	v22 =	vmov s19  }
0x34a: {  	v16, _, _ =	vpop (xrf2);
	(xrf2) =	vadd.scan.msk.f32 $0xffff, v0;
	v0 =	vsub.f32 v6, v22;
	v6 =	vld [tilespmem:$0x1FAE0]  }
0x34b: {  	v15 =	vsub.f32 v56, v60  }
0x34c: {  	[tilespmem:s15+$0xFFFFFFA0] =	vst v14;
	v14 =	vsub.f32 v57, v60;
	(v2sf) =	vpush v16, $0xF  }
0x34d: {  	v42 =	vsub.f32 v54, v19;
	s26 =	smul.f32 s31, s26;
	v38 =	vsub.f32 v63, v1;
	s23 =	spop (v2sf)  }
0x34e: {  	v40 =	vsub.f32 v25, v1;
	s31 =	smul.f32 $1.562500000e-02, s23;
	v51 =	vsub.f32 v51, v22  }
0x34f: {  	v30 =	vsub.f32 v48, v22;
	v31 =	vsub.f32 v6, v22  }
0x350: {  	v63 =	vmov s31;
	v59 =	vmul.f32 v51, v51;
	v6 =	vmul.f32 v0, v0  }
0x351: {  	v25 =	vsub.f32 v26, v63;
	v22 =	vmul.f32 v30, v30;
	v54 =	vmul.f32 v31, v31  }
0x352: {  	v58 =	vsub.f32 v55, v63;
	v47 =	vsub.f32 v2, v63  }
0x353: {  	v2 =	vadd.f32 v22, v6;
	v22 =	vmul.f32 v25, v25;
	v60 =	vadd.f32 v59, v54;
	_ =	sdelay $0x1  }
0x354: {  	v44 =	vsub.f32 v44, v19;
	v6 =	vmul.f32 v58, v58;
	v2 =	vadd.f32 v60, v2  }
0x355: {  	s12 =	smul.f32 s21, s4;
	v3 =	vmul.f32 v15, v15;
	v4 =	vmul.f32 v14, v14;
	v17 =	vadd.f32 v21, v17  }
0x356: {  	s6 =	ssub.f32 $1.500000000e+00, s6;
	v43 =	vsub.f32 v49, v19;
	v16 =	vmul.f32 v44, v44;
	v6 =	vadd.f32 v22, v6;
	v22, _, _ =	vpop (xrf2);
	(xrf2) =	vadd.scan.msk.f32 $0xffff, v2  }
0x357: {  	s11 =	ssub.f32 $1.500000000e+00, s11;
	s12 =	smul.f32 s12, s21;
	v3 =	vadd.f32 v4, v3;
	v19 =	vmul.f32 v42, v42;
	v4 =	vmul.f32 v37, v37;
	(xrf2) =	vadd.scan.msk.f32 $0xffff, v17  }
0x358: {  	s22 =	smul.f32 s6, s22;
	v39 =	vsub.f32 v50, v1;
	v41 =	vsub.f32 v62, v1;
	v1 =	vmul.f32 v43, v43  }
0x359: {  	s25 =	smul.f32 s11, s24  }
0x35a: {  	s24 =	smul.f32 s5, s29;
	v16 =	vadd.f32 v19, v16;
	v1 =	vadd.f32 v4, v1  }
0x35b: {  	s6 =	smul.f32 s10, s13  }
0x35c: {  	s12 =	ssub.f32 $1.500000000e+00, s12;
	s13 =	smul.f32 s22, s18;
	v1 =	vadd.f32 v1, v16  }
0x35d: {  	v3 =	vadd.f32 v18, v3;
	s9 =	smul.f32 s30, s9;
	s18 =	spop (v2sf);
	(v2sf) =	vpush v22, $0xF  }
0x35e: {  	s5 =	smul.f32 s6, s10  }
0x35f: {  	s16 =	smul.f32 s12, s21;
	(xrf2) =	vadd.scan.msk.f32 $0xffff, v3  }
0x360: {  	s11 =	smul.f32 $1.562500000e-02, s18;
	(xrf2) =	vadd.scan.msk.f32 $0xffff, v1;
	v1, _, _ =	vpop (xrf2)  }
0x361: {  	s6 =	smul.f32 s9, s30;
	v46 =	vmov v0;
	(v2sf) =	vpush v1, $0xF;
	v0, _, _ =	vpop (xrf2)  }
0x362: {  	s19 =	sadd.f32 $9.999999740e-06, s11;
	(v2sf) =	vpush v0, $0xF;
	v0 =	vld [tilespmem:$0x1FC50]  }
0x363: {  	s12 =	smul.f32 s16, s4;
	s6 =	ssub.f32 $1.500000000e+00, s6  }
0x364: {  	s11 =	sshra.s32 s19, $0x1;
	s4 =	smul.f32 $5.000000000e-01, s19  }
0x365: {  	s6 =	smul.f32 s6, s30;
	s11 =	ssub.s32 $0x5F3759DF, s11  }
0x366: {  	s21 =	smul.f32 s11, s4  }
0x367: {  	v3 =	vmul.f32 s6, v0;
	v0 =	vld [tilespmem:$0x1FC60]  }
0x368: {  	v45 =	vsub.f32 v61, v63;
	s29 =	smul.f32 s11, s21  }
0x369: {  	s7 =	smul.f32 s25, s7;
	v19 =	vmul.f32 v39, v39;
	v20 =	vmul.f32 v41, v41  }
0x36a: {  	v61 =	vmul.f32 v47, v47;
	v62 =	vmul.f32 v45, v45;
	s31 =	ssub.f32 $1.500000000e+00, s29  }
0x36b: {  	s7 =	smul.f32 s7, s25;
	v4 =	vadd.f32 v20, v19;
	v17 =	vmov v5;
	v5, _, _ =	vpop (xrf2)  }
0x36c: {  	v20 =	vadd.f32 v62, v61;
	s11 =	smul.f32 s11, s31;
	s31 =	spop (v2sf);
	(v2sf) =	vpush v5, $0xF;
	v5 =	vld [tilespmem:$0x1FB30];
	v62 =	vmul.f32 s6, v0;
	v0 =	vmovc v11  }
0x36d: {  	s14 =	ssub.f32 $1.500000000e+00, s7;
	[tilespmem:$0x1FC60] =	vst v0;
	v0 =	vld [tilespmem:$0x1FC70];
	_ =	sdelay $0x1  }
0x36e: {  	s25 =	smul.f32 s14, s25;
	_ =	sdelay $0x1  }
0x36f: {  	v49 =	vmul.f32 s25, v5;
	v5 =	vld [tilespmem:$0x1FB40]  }
0x370: {  	v50 =	vmul.f32 s6, v0;
	v0 =	vld [tilespmem:$0x1FC80];
	_ =	sdelay $0x3  }
0x371: {  	v1 =	vld [tilespmem:$0x1FAF0]  }
0x372: {  	s5 =	ssub.f32 $1.500000000e+00, s5;
	s23 =	smul.f32 s13, s22;
	v56 =	vmul.f32 s25, v5;
	v5 =	vmovc v9;
	v59 =	vmul.f32 s6, v0;
	v0 =	vmov v7;
	v7 =	vld [tilespmem:$0x1FCA0]  }
0x373: {  	[tilespmem:$0x1FCA0] =	vst v5;
	v5 =	vld [tilespmem:$0x1FB50]  }
0x374: {  	s13 =	ssub.f32 $1.500000000e+00, s23;
	s21 =	smul.f32 s5, s10  }
0x375: {  	v23 =	vmul.f32 v38, v38;
	v24 =	vmul.f32 v40, v40  }
0x376: {  	s30 =	smul.f32 s13, s22;
	v16 =	vadd.f32 v20, v6;
	v6 =	vmul.f32 s21, v1;
	v1 =	vld [tilespmem:$0x1FB00]  }
0x377: {  	v19 =	vadd.f32 v24, v23;
	v63 =	vmov v53  }
0x378: {  	[tilespmem:$0x1FC70] =	vst v63;
	v63 =	vmul.f32 s30, v5;
	v5 =	vld [tilespmem:$0x1FB60]  }
0x379: {  	v4 =	vadd.f32 v19, v4  }
0x37a: {  	s0 =	smul.f32 s26, s0  }
0x37b: {  	(xrf2) =	vadd.scan.msk.f32 $0xffff, v4;
	v4 =	vmul.f32 s21, v1;
	v1 =	vld [tilespmem:$0x1FB10]  }
0x37c: {  	s0 =	smul.f32 s0, s26;
	[tilespmem:$0x1FC80] =	vst v0;
	v0 =	vld [tilespmem:$0x1FC90];
	v60 =	vmul.f32 s25, v7;
	v7 =	vmov v8  }
0x37d: {  	[tilespmem:$0x1FC90] =	vst v7;
	v7 =	vld [tilespmem:$0x1FB80];
	v57 =	vmul.f32 s30, v5;
	v5, _, _ =	vpop (xrf2)  }
0x37e: {  	s2 =	smul.f32 s24, s2;
	s9 =	ssub.f32 $1.500000000e+00, s0;
	(v2sf) =	vpush v5, $0xF;
	v5 =	vld [tilespmem:$0x1FBA0]  }
0x37f: {  	s23 =	smul.f32 s11, s4  }
0x380: {  	s9 =	smul.f32 s9, s26  }
0x381: {  	s5 =	smul.f32 s23, s11;
	v2 =	vmul.f32 s21, v1;
	v1 =	vld [tilespmem:$0x1FB20]  }
0x382: {  	s17 =	sadd.s32 $0x8, s17;
	s2 =	smul.f32 s2, s24;
	v61 =	vmul.f32 s30, v7;
	v7 =	vld [tilespmem:$0x1FB90]  }
0x383: {  	p1 =	slt.u32 s17, $0xF8;
	s18 =	smul.f32 s12, s16;
	s29 =	ssub.f32 $1.500000000e+00, s5;
	v23 =	vmul.f32 s9, v5;
	v5 =	vld [tilespmem:$0x1FBB0]  }
.Ltmp5:
0x384: {  	_ = 	snop;
	(pc) =	sbr.rel @p1 .LBB2_8-.Ltmp5, $4  }
0x385: {  	s19 =	ssub.f32 $1.500000000e+00, s2;
	s2 =	smul.f32 s29, s11  }
0x386: {  	v18 =	vmov v14;
	v32 =	vmov v30;
	v19 =	vmov v13;
	s6 =	smul.f32 $1.562500000e-02, s31  }
0x387: {  	s20 =	sadd.s32 $0x200, s20;
	v30 =	vmovc v31;
	s0 =	ssub.f32 $1.500000000e+00, s18;
	v20 =	vmov v52;
	s18 =	smul.f32 s19, s24;
	(xrf2) =	vadd.scan.msk.f32 $0xffff, v16;
	v1 =	vmul.f32 s21, v1;
	v0 =	vmul.f32 s25, v0  }
0x388: {  	s15 =	smov.u32 s3;
	v52 =	vld [tilespmem:$0x1FB70];
	v22 =	vmovc v10;
	v16 =	vmovc v15;
	[tilespmem:$0x1FC50] =	vst v17;
	v17 =	vmov v12;
	s10 =	smul.f32 s2, s4;
	s4 =	sadd.f32 $9.999999740e-06, s6;
	v55 =	vmul.f32 s30, v7;
	v54 =	vmul.f32 s9, v5  }
0x389: {  	s21 =	smul.f32 s0, s16  }
0x38a: {  	s16 =	spop (v2sf);
	s5 =	smul.f32 s10, s2  }
0x38b: {  	s6 =	sshra.s32 s4, $0x1;
	s20 =	smul.f32 $5.000000000e-01, s4;
	s23 =	spop (v2sf)  }
0x38c: {  	s17 =	smul.f32 $1.562500000e-02, s16;
	s6 =	ssub.s32 $0x5F3759DF, s6;
	s24 =	spop (v2sf)  }
0x38d: {  	s13 =	ssub.f32 $1.500000000e+00, s5;
	s14 =	smul.f32 s6, s20  }
0x38e: {  	v5, _, _ =	vpop (xrf2);
	s4 =	smul.f32 $1.562500000e-02, s24  }
0x38f: {  	(v2sf) =	vpush v5, $0xF;
	s13 =	smul.f32 s13, s2  }
0x390: {  	s19 =	sadd.f32 $9.999999740e-06, s17;
	s5 =	smul.f32 s6, s14  }
0x391: {  	s26 =	spop (v2sf);
	s2 =	smul.f32 $1.562500000e-02, s23  }
0x392: {  	s22 =	smul.f32 $5.000000000e-01, s19;
	s25 =	sadd.f32 $9.999999740e-06, s4;
	s0 =	sshra.s32 s19, $0x1  }
0x393: {  	s4 =	smul.f32 $1.562500000e-02, s26;
	s17 =	ssub.s32 $0x5F3759DF, s0  }
0x394: {  	s2 =	sadd.f32 $9.999999740e-06, s2;
	s7 =	smul.f32 $5.000000000e-01, s25;
	v27, _, _ =	vpop (xrf2)  }
0x395: {  	v8 =	vld [tilespmem:$0x1FCC0];
	s31 =	smul.f32 s17, s22;
	(v2sf) =	vpush v27, $0xF  }
0x396: {  	v9 =	vld [tilespmem:$0x1FCE0];
	s11 =	sadd.f32 $9.999999740e-06, s4;
	s16 =	smul.f32 $5.000000000e-01, s2  }
0x397: {  	v12 =	vld [tilespmem:$0x1FD00];
	s5 =	ssub.f32 $1.500000000e+00, s5;
	s24 =	smul.f32 s17, s31  }
0x398: {  	v13 =	vld [tilespmem:$0x1FD10];
	s4 =	smul.f32 $5.000000000e-01, s11;
	s30 =	sshra.s32 s2, $0x1  }
0x399: {  	s26 =	smul.f32 s6, s5;
	s19 =	ssub.s32 $0x5F3759DF, s30;
	s24 =	ssub.f32 $1.500000000e+00, s24  }
0x39a: {  	v28 =	vmul.f32 v6, v8;
	s11 =	sshra.s32 s11, $0x1;
	s23 =	smul.f32 s19, s16  }
0x39b: {  	v11 =	vld [tilespmem:$0x1FCF0];
	v4 =	vmul.f32 v4, v9;
	s31 =	ssub.s32 $0x5F3759DF, s11;
	s11 =	smul.f32 s17, s24  }
0x39c: {  	v7 =	vld [tilespmem:$0x1FCB0];
	v5 =	vadd.f32 v28, v12;
	s17 =	smul.f32 s31, s4  }
0x39d: {  	v3 =	vmul.f32 v3, v8;
	v4 =	vadd.f32 v4, v13;
	s23 =	smul.f32 s19, s23  }
0x39e: {  	v0 =	vmul.f32 v0, v8;
	s10 =	sshra.s32 s25, $0x1;
	[tilespmem:s3+$0xFFFFFF00] =	vst v5;
	s17 =	smul.f32 s31, s17;
	s29 =	spop (v2sf)  }
0x39f: {  	v29 =	vmul.f32 v62, v9;
	v3 =	vadd.f32 v3, v12;
	s10 =	ssub.s32 $0x5F3759DF, s10;
	v14 =	vld [tilespmem:$0x1FD20];
	[tilespmem:s3+$0xFFFFFF10] =	vst v4;
	s23 =	ssub.f32 $1.500000000e+00, s23;
	s12 =	smul.f32 $1.562500000e-02, s29  }
0x3a0: {  	v31 =	vmul.f32 v50, v11;
	v50 =	vmul.f32 v60, v9;
	v0 =	vadd.f32 v0, v12;
	v10 =	vld [tilespmem:$0x1FCD0];
	s29 =	smul.f32 s10, s7  }
0x3a1: {  	v48 =	vmul.f32 v59, v7;
	v59 =	vmul.f32 v63, v8;
	v4 =	vadd.f32 v29, v13;
	[tilespmem:s15+$0xFFFFFF40] =	vst v3;
	s25 =	smul.f32 s19, s23  }
0x3a2: {  	v2 =	vmul.f32 v2, v11;
	v3 =	vadd.f32 v50, v13;
	[tilespmem:s15+$0xFFFFFF80] =	vst v0;
	s23 =	smul.f32 s26, s20  }
0x3a3: {  	v1 =	vmul.f32 v1, v7;
	v0 =	vadd.f32 v59, v12;
	[tilespmem:s15+$0xFFFFFF50] =	vst v4;
	s12 =	sadd.f32 $9.999999740e-06, s12;
	s30 =	smul.f32 s10, s29  }
0x3a4: {  	[tilespmem:s15+$0xFFFFFF90] =	vst v3;
	v2 =	vadd.f32 v2, v14;
	s29 =	smul.f32 s25, s16;
	s14 =	spop (v2sf)  }
0x3a5: {  	[tilespmem:s15+$0xFFFFFFC0] =	vst v0;
	v1 =	vadd.f32 v1, v10;
	s19 =	ssub.f32 $1.500000000e+00, s30;
	s14 =	smul.f32 $1.562500000e-02, s14  }
0x3a6: {  	v53 =	vmul.f32 v49, v11;
	[tilespmem:s15+$0xFFFFFF20] =	vst v2;
	v2 =	vadd.f32 v31, v14;
	s2 =	smul.f32 $5.000000000e-01, s12  }
0x3a7: {  	v56 =	vmul.f32 v56, v7;
	[tilespmem:s15+$0xFFFFFF30] =	vst v1;
	v1 =	vadd.f32 v48, v10;
	s30 =	smul.f32 s10, s19;
	s14 =	sadd.f32 $9.999999740e-06, s14  }
0x3a8: {  	[tilespmem:s15+$0xFFFFFF60] =	vst v2;
	v2 =	vadd.f32 v53, v14;
	s12 =	sshra.s32 s12, $0x1;
	s19 =	smul.f32 s11, s22  }
0x3a9: {  	v60 =	vmul.f32 v57, v9;
	[tilespmem:s15+$0xFFFFFF70] =	vst v1;
	v1 =	vadd.f32 v56, v10;
	s12 =	ssub.s32 $0x5F3759DF, s12;
	s0 =	smul.f32 $5.000000000e-01, s14;
	s6 =	sshra.s32 s14, $0x1  }
0x3aa: {  	v62 =	vmul.f32 v61, v11;
	[tilespmem:s15+$0xFFFFFFA0] =	vst v2;
	s14 =	smul.f32 s12, s2;
	s5 =	ssub.s32 $0x5F3759DF, s6  }
0x3ab: {  	v3 =	vadd.f32 v60, v13;
	[tilespmem:s15+$0xFFFFFFB0] =	vst v1;
	s24 =	smul.f32 s5, s0  }
0x3ac: {  	s17 =	ssub.f32 $1.500000000e+00, s17;
	v2 =	vadd.f32 v62, v14;
	v0 =	vld [tilespmem:$0x1FBC0];
	s6 =	smul.f32 s12, s14  }
0x3ad: {  	v5 =	vld [tilespmem:$0x1FBD0];
	[tilespmem:s15+$0xFFFFFFD0] =	vst v3;
	s14 =	smul.f32 s5, s24  }
0x3ae: {  	[tilespmem:s15+$0xFFFFFFE0] =	vst v2;
	s6 =	ssub.f32 $1.500000000e+00, s6;
	s24 =	smul.f32 s31, s17  }
0x3af: {  	v2 =	vld [tilespmem:$0x1FBE0];
	s31 =	smul.f32 s30, s7  }
0x3b0: {  	v63 =	vmul.f32 v55, v7;
	s10 =	smul.f32 s12, s6  }
0x3b1: {  	v15 =	vmul.f32 v23, v8;
	s6 =	smul.f32 s23, s26  }
0x3b2: {  	v1 =	vadd.f32 v63, v10;
	v0 =	vmul.f32 s9, v0;
	s14 =	ssub.f32 $1.500000000e+00, s14;
	s12 =	smul.f32 s29, s25  }
0x3b3: {  	v21 =	vmul.f32 v54, v9;
	v4 =	vadd.f32 v15, v12;
	v5 =	vmul.f32 s9, v5;
	s23 =	smul.f32 s31, s30  }
0x3b4: {  	[tilespmem:s15+$0xFFFFFFF0] =	vst v1;
	v2 =	vmul.f32 s18, v2;
	v0 =	vmul.f32 v0, v11;
	s17 =	smul.f32 s5, s14  }
0x3b5: {  	v3 =	vadd.f32 v21, v13;
	v1 =	vld [tilespmem:$0x1FBF0];
	[tilespmem:s15+$0x0] =	vst v4;
	v5 =	vmul.f32 v5, v7;
	s5 =	smul.f32 s19, s11;
	s19 =	ssub.f32 $1.500000000e+00, s6  }
0x3b6: {  	v4 =	vld [tilespmem:$0x1FC00];
	v2 =	vmul.f32 v2, v8;
	v0 =	vadd.f32 v0, v14;
	s31 =	ssub.f32 $1.500000000e+00, s12;
	s14 =	smul.f32 s24, s4  }
0x3b7: {  	v23 =	vld [tilespmem:$0x1FC10];
	[tilespmem:s15+$0x10] =	vst v3;
	v24 =	vadd.f32 v5, v10;
	s12 =	ssub.f32 $1.500000000e+00, s23;
	s26 =	smul.f32 s19, s26  }
0x3b8: {  	v2 =	vadd.f32 v2, v12;
	[tilespmem:s15+$0x20] =	vst v0;
	s25 =	smul.f32 s31, s25  }
0x3b9: {  	v0 =	vld [tilespmem:$0x1FC20];
	[tilespmem:s15+$0x30] =	vst v24;
	s9 =	smul.f32 s12, s30  }
0x3ba: {  	v3 =	vld [tilespmem:$0x1FC30];
	[tilespmem:s15+$0x40] =	vst v2;
	s5 =	ssub.f32 $1.500000000e+00, s5;
	s19 =	smul.f32 s10, s2  }
0x3bb: {  	v27 =	vmul.f32 s21, v52;
	v28 =	vld [tilespmem:$0x1FC40];
	s6 =	smul.f32 s14, s24  }
0x3bc: {  	v1 =	vmul.f32 s18, v1;
	v4 =	vmul.f32 s18, v4;
	s29 =	smul.f32 s5, s11  }
0x3bd: {  	v48 =	vmul.f32 s13, v36;
	v6 =	vmul.f32 s18, v23;
	s5 =	smul.f32 s19, s10  }
0x3be: {  	v1 =	vmul.f32 v1, v9;
	v4 =	vmul.f32 v4, v11;
	s30 =	smul.f32 s26, s20  }
0x3bf: {  	v26 =	vmul.f32 v6, v7;
	v0 =	vmul.f32 s21, v0;
	s7 =	smul.f32 s9, s7  }
0x3c0: {  	v4 =	vadd.f32 v4, v14;
	v3 =	vmul.f32 s21, v3;
	s6 =	ssub.f32 $1.500000000e+00, s6;
	v6 =	vmul.f32 s21, v28;
	s21 =	smul.f32 s25, s16  }
0x3c1: {  	v1 =	vadd.f32 v1, v13;
	v2 =	vmul.f32 v27, v11;
	s23 =	smul.f32 s29, s22  }
0x3c2: {  	v31 =	vadd.f32 v26, v10;
	[tilespmem:s15+$0x60] =	vst v4;
	v4 =	vmul.f32 v48, v7;
	s31 =	smul.f32 s6, s24  }
0x3c3: {  	[tilespmem:s15+$0x50] =	vst v1;
	v2 =	vadd.f32 v2, v14;
	v0 =	vmul.f32 v0, v8;
	s5 =	ssub.f32 $1.500000000e+00, s5;
	s11 =	smul.f32 s23, s29  }
0x3c4: {  	v49 =	vmul.f32 s13, v35;
	[tilespmem:s15+$0x70] =	vst v31;
	v56 =	vadd.f32 v4, v10;
	v29 =	vmul.f32 v3, v9;
	s19 =	smul.f32 s30, s26  }
0x3c5: {  	v52 =	vmul.f32 s13, v33;
	[tilespmem:s15+$0xA0] =	vst v2;
	s22 =	sadd.s32 $0x200, s3;
	v0 =	vadd.f32 v0, v12;
	v50 =	vmul.f32 v6, v7;
	s10 =	smul.f32 s5, s10;
	s14 =	ssub.f32 $1.500000000e+00, s11  }
0x3c6: {  	v54 =	vmul.f32 v49, v8;
	[tilespmem:s22+$0xF0] =	vst v56;
	v1 =	vadd.f32 v29, v13;
	s4 =	smul.f32 s31, s4  }
0x3c7: {  	[tilespmem:s15+$0x80] =	vst v0;
	v55 =	vadd.f32 v50, v10;
	v0 =	vmul.f32 v52, v9;
	s6 =	smul.f32 s14, s29  }
0x3c8: {  	v53 =	vmul.f32 s13, v34;
	[tilespmem:s15+$0x90] =	vst v1;
	v1 =	vadd.f32 v54, v12;
	s11 =	smul.f32 s21, s25  }
0x3c9: {  	s4 =	smul.f32 s4, s31;
	[tilespmem:s15+$0xB0] =	vst v55;
	v0 =	vadd.f32 v0, v13;
	v57 =	vmul.f32 s6, v46  }
0x3ca: {  	v59 =	vmul.f32 v53, v11;
	s2 =	smul.f32 s10, s2;
	[tilespmem:s22+$0xC0] =	vst v1  }
0x3cb: {  	s7 =	smul.f32 s7, s9;
	s11 =	ssub.f32 $1.500000000e+00, s11;
	[tilespmem:s22+$0xD0] =	vst v0;
	v60 =	vmul.f32 s6, v32;
	v4 =	vmul.f32 v57, v8  }
0x3cc: {  	v62 =	vadd.f32 v59, v14;
	s4 =	ssub.f32 $1.500000000e+00, s4;
	s2 =	smul.f32 s2, s10;
	v61 =	vmul.f32 s6, v30;
	v0 =	vld [tilespmem:$0x1FC50]  }
0x3cd: {  	s20 =	ssub.f32 $1.500000000e+00, s19;
	v63 =	vmul.f32 s6, v51;
	s11 =	smul.f32 s11, s25;
	v5 =	vmul.f32 v60, v9;
	v4 =	vadd.f32 v4, v12  }
0x3ce: {  	[tilespmem:s22+$0xE0] =	vst v62;
	s25 =	ssub.f32 $1.500000000e+00, s7;
	s4 =	smul.f32 s4, s31;
	v2 =	vmul.f32 v61, v11  }
0x3cf: {  	s5 =	smul.f32 s20, s26;
	s2 =	ssub.f32 $1.500000000e+00, s2;
	v1 =	vld [tilespmem:$0x1FC60];
	v3 =	vmul.f32 v63, v7;
	v24 =	vmul.f32 s11, v20;
	v5 =	vadd.f32 v5, v13;
	[tilespmem:s22+$0xFFFFFF00] =	vst v4  }
0x3d0: {  	s6 =	smul.f32 s25, s9;
	v36 =	vmul.f32 s4, v42;
	v46 =	vmul.f32 s4, v37;
	v2 =	vadd.f32 v2, v14;
	v4 =	vld [tilespmem:$0x1FC70]  }
0x3d1: {  	s2 =	smul.f32 s2, s10;
	v30 =	vmul.f32 v24, v7;
	v0 =	vmul.f32 s5, v0;
	v15 =	vld [tilespmem:$0x1FC80];
	[tilespmem:s22+$0xFFFFFF10] =	vst v5  }
0x3d2: {  	v3 =	vadd.f32 v3, v10;
	v32 =	vmul.f32 s6, v19;
	v52 =	vmul.f32 v46, v7;
	[tilespmem:s22+$0xFFFFFF20] =	vst v2  }
0x3d3: {  	s23 =	smul.f32 s17, s0;
	v54 =	vmul.f32 s2, v40;
	v34 =	vadd.f32 v30, v10;
	v0 =	vmul.f32 v0, v8;
	v2 =	vld [tilespmem:$0x1FC90]  }
0x3d4: {  	v1 =	vmul.f32 s5, v1;
	v42 =	vmul.f32 v32, v7;
	v56 =	vadd.f32 v52, v10;
	[tilespmem:s22+$0xFFFFFF30] =	vst v3  }
0x3d5: {  	s24 =	smul.f32 s23, s17;
	v23 =	vmul.f32 s11, v22;
	v59 =	vmul.f32 v54, v7;
	v0 =	vadd.f32 v0, v12;
	v3 =	vld [tilespmem:$0x1FCA0];
	[tilespmem:s22+$0xFFFFFFB0] =	vst v34  }
0x3d6: {  	v1 =	vmul.f32 v1, v9;
	v49 =	vadd.f32 v42, v10;
	[tilespmem:s22+$0x30] =	vst v56;
	v4 =	vmul.f32 s5, v4  }
0x3d7: {  	v5 =	vadd.f32 v59, v10;
	[tilespmem:s22+$0xFFFFFF40] =	vst v0;
	v0 =	vmul.f32 v23, v11;
	v6 =	vmul.f32 s5, v15;
	s5 =	ssub.f32 $1.500000000e+00, s24  }
0x3d8: {  	v1 =	vadd.f32 v1, v13;
	[tilespmem:s22+$0xFFFFFFF0] =	vst v49;
	v2 =	vmul.f32 s11, v2;
	v4 =	vmul.f32 v4, v11  }
0x3d9: {  	v35 =	vmul.f32 s4, v44;
	[tilespmem:s22+$0x70] =	vst v5;
	v0 =	vadd.f32 v0, v14;
	v21 =	vmul.f32 v6, v7;
	s5 =	smul.f32 s5, s17  }
0x3da: {  	[tilespmem:s22+$0xFFFFFF50] =	vst v1;
	v3 =	vmul.f32 s11, v3;
	v2 =	vmul.f32 v2, v8;
	v4 =	vadd.f32 v4, v14  }
0x3db: {  	v28 =	vmul.f32 s6, v16;
	[tilespmem:s22+$0xFFFFFFA0] =	vst v0;
	v0 =	vmul.f32 v35, v8;
	v27 =	vadd.f32 v21, v10;
	s0 =	smul.f32 s5, s0  }
0x3dc: {  	v29 =	vmul.f32 s6, v18;
	v26 =	vmul.f32 v3, v9;
	v2 =	vadd.f32 v2, v12;
	[tilespmem:s22+$0xFFFFFF60] =	vst v4  }
0x3dd: {  	v31 =	vmul.f32 s6, v17;
	v0 =	vadd.f32 v0, v12;
	[tilespmem:s22+$0xFFFFFF70] =	vst v27;
	v4 =	vmul.f32 v28, v8;
	s0 =	smul.f32 s0, s5  }
0x3de: {  	v33 =	vmul.f32 v29, v9;
	v1 =	vadd.f32 v26, v13;
	[tilespmem:s22+$0xFFFFFF80] =	vst v2  }
0x3df: {  	v44 =	vmul.f32 s4, v43;
	v2 =	vmul.f32 v31, v11;
	[tilespmem:s22+$0x0] =	vst v0;
	v4 =	vadd.f32 v4, v12;
	s0 =	ssub.f32 $1.500000000e+00, s0  }
0x3e0: {  	v48 =	vmul.f32 v36, v9;
	v53 =	vmul.f32 s2, v38;
	[tilespmem:s22+$0xFFFFFF90] =	vst v1;
	v1 =	vadd.f32 v33, v13  }
0x3e1: {  	v51 =	vmul.f32 s2, v41;
	v2 =	vadd.f32 v2, v14;
	[tilespmem:s22+$0xFFFFFFC0] =	vst v4;
	v4 =	vmul.f32 v44, v11;
	s0 =	smul.f32 s0, s5  }
0x3e2: {  	v50 =	vmul.f32 s2, v39;
	v0 =	vmul.f32 v53, v11;
	[tilespmem:s22+$0xFFFFFFD0] =	vst v1;
	v1 =	vadd.f32 v48, v13  }
0x3e3: {  	v55 =	vmul.f32 v51, v9;
	[tilespmem:s22+$0xFFFFFFE0] =	vst v2;
	v4 =	vadd.f32 v4, v14;
	v57 =	vmul.f32 s0, v58  }
0x3e4: {  	v0 =	vadd.f32 v0, v14;
	v2 =	vmul.f32 v50, v8;
	[tilespmem:s22+$0x10] =	vst v1;
	v58 =	vmul.f32 s0, v25  }
0x3e5: {  	v1 =	vadd.f32 v55, v13;
	v61 =	vmul.f32 s0, v45;
	[tilespmem:s22+$0x20] =	vst v4;
	v4 =	vmul.f32 v57, v8  }
0x3e6: {  	[tilespmem:s22+$0x60] =	vst v0;
	v60 =	vmul.f32 s0, v47;
	v2 =	vadd.f32 v2, v12;
	v3 =	vmul.f32 v58, v9  }
0x3e7: {  	[tilespmem:s22+$0x50] =	vst v1;
	v62 =	vmul.f32 v61, v7;
	v4 =	vadd.f32 v4, v12  }
0x3e8: {  	[tilespmem:s22+$0x40] =	vst v2;
	v2 =	vmul.f32 v60, v11;
	v63 =	vadd.f32 v3, v13  }
0x3e9: {  	v0 =	vadd.f32 v62, v10;
	[tilespmem:s22+$0x80] =	vst v4  }
0x3ea: {  	v2 =	vadd.f32 v2, v14;
	[tilespmem:s22+$0x90] =	vst v63  }
.Ltmp6:
0x3eb: {  	[tilespmem:s22+$0xB0] =	vst v0;
	(pc) =	sbr.rel @p0 .LBB2_11-.Ltmp6, $4  }
0x3ec: {  	[tilespmem:s22+$0xA0] =	vst v2  }
0x3ed: {  	s26 =	sshll.u32 s1, $0xC;
	s29 =	rddreg [dreg:$0xc]  }
0x3ee: {  	s30 =	simm.s32 $0x0;
	s31 =	simm.s32 $0xC200;
	s0 =	sadd.s32 s29, s26  }
0x3ef: {  	[hbm4b:s0+s30] =	stream.linear.scatter [tilespmem:s31], [sflag:$0x4], $0x4000, $0x38;
	[tilespmem:$0x10280] =	vst v63  }
0x3f0: {  	s0 =	simm.s32 $0x6  }
0x3f1: {  	_ =	swait.ge [sflag:s0], $0x100  }
.Ltmp7:
0x3f2: {  	s29 =	simm.s32 $0x80;
	[sflag:s0] =	ssyncset.done $0x0;
	(pc) =	sbr.rel .LBB2_2-.Ltmp7, $4  }
0x3f3: {  	s2 =	simm.s32 $0x100;
	s3 =	simm.s32 $0x4200;
	[sflag:s0] =	ssyncadd.s32 $0xFFFFFF00  }
0x3f4: {  	[tilespmem:s3], [sflag:$0x2] =	stream.indirect.gather [hbm4b:s8+s29], $0x40, s2, s29, $0xb8;
	[tilespmem:$0x10280] =	vst v63  }
0x3f5: {  	s30 =	simm.s32 $0x180;
	s31 =	simm.s32 $0x6200;
	s1 =	sadd.s32 $0x1, s1  }
0x3f6: {  	[tilespmem:s31], [sflag:$0x2] =	stream.indirect.gather [hbm4b:s8+s29], $0x40, s30, s29, $0xb8;
	[tilespmem:$0x10280] =	vst v63  }
.LBB2_12:
0x3f7: {  	_ =	sfence.sel $0x180000  }
0x3f8: {  	[bflag:$0x0] =	sbarrier.arrive $0xFFFF  }
0x3f9: {  	_ =	strace $0x90000047  }
0x3fa: {  	s0 =	stileid.u32;
	[bflag:$0x2] =	sbarrier.arrive $0xFFFF  }
0x3fb: {  	p0 =	sne.s32 s0, $0x0;
	s0 =	rddreg [dreg:$0x4]  }
0x3fc: {  	s0 =	sadd.s32 @!p0 $0x100000, s0  }
0x3fd: {  	[sflag:s0] =	ssyncadd.tile.s32 @!p0 $0x1;
	_ =	shalt  }
.Lfunc_end2:
_tile_overlayer_lowered:
.L_overlay_start_2:
0x3fe: {  	(tag) =	ssettag $0x2  }
0x3ff: {  	s0 =	rddreg [dreg:$0x0];
	s2 =	stileid.u32  }
0x400: {  	s1 =	rddreg [dreg:$0x1];
	p0 =	sne.s32 s2, $0x0  }
0x401: {  	s3 =	rddreg [dreg:$0x2];
	[bflag:$0x3] =	sbarrier.arrive $0xFFFF;
	s2 =	simm.s32 @!p0 $0x1C07  }
0x402: {  	[timem:s3], [sflag:s2] =	dma.local @!p0 [hbm:s0], s1  }
0x403: {  	s0 =	simm.s32 @!p0 $0x7  }
0x404: {  	_ =	swait.ge @!p0 [sflag:s0], s1  }
0x405: {  	s1 =	ssub.s32 @!p0 $0x0, s1;
	[sflag:s0] =	ssyncset.done @!p0 $0x0  }
0x406: {  	[sflag:s0] =	ssyncadd.s32 @!p0 s1  }
0x407: {  	[bflag:$0x3] =	sbarrier.arrive $0xFFFF  }
0x408: {  	_ =	shalt  }

// kernel: sparse-core-data-format-call.cloned.1.call-start
scs
called_computation_lowered:
.L_overlay_start_0:
0x0: {  	s2 =	sld [smem:$0x3FD9]  }
0x1: {  	s3 =	sld [smem:$0x3FFE];
	_ =	sdelay $0x1  }
0x2: {  	s1 =	srdreg.scid  }
0x3: {  	s0 =	sand.u32 $0x1, s1  }
0x4: {  	s18 =	sshll.u32 s0, $0xA;
	s2 =	sadd.s32 s3, s2  }
0x5: {  	s2 =	sadd.s32 s2, s18  }
0x6: {  	[smem:$0x3FC4] =	sst s2  }
0x7: {  	_ = 	snop  }
0x8: {  	s2 =	sld [smem:$0x3FD0];
	(tm) =	ssettm $0x1  }
0x9: {  	s19 =	sld [smem:$0x3FFB];
	_ =	sdelay $0x3  }
0xa: {  	_ =	strace s19  }
0xb: {  	s3 =	sld [smem:$0x3FFC];
	_ =	sdelay $0x3  }
0xc: {  	_ =	strace s3  }
0xd: {  	s3 =	sld [smem:$0x3FFD];
	_ =	sdelay $0x3  }
0xe: {  	_ =	strace s3  }
0xf: {  	_ =	strace $0x8FFFFFFF  }
0x10: {  	s20 =	sld [smem:$0x3FDB];
	_ =	sdelay $0x1  }
0x11: {  	s4 =	simm.s32 $_scs_section_size  }
0x12: {  	s5 =	simm.s32 $_size__tile_overlayer_lowered;
	s6 =	simm.s32 $_tile_overlayer_lowered  }
0x13: {  	s23 =	simm.s32 $0x1BFF;
	s22 =	sshll.u32 s6, $0x1;
	s3 =	sadd.s32 s4, s20  }
0x14: {  	s7 =	simm.s32 $0x0;
	s21 =	sshll.u32 s5, $0x1;
	s5 =	sadd.s32 s22, s3  }
0x15: {  	[timem:s7], [sflag:s23] =	dma.local [hbm:s5], s21  }
0x16: {  	_ =	swait.ge [sflag:s23], s21  }
0x17: {  	s4 =	ssub.s32 $0x0, s21;
	[sflag:s23] =	ssyncset.done $0x0  }
0x18: {  	[sflag:s23] =	ssyncadd.s32 s4;
	_ =	sdelay $0x1  }
0x19: {  	s24 =	simm.s32 $0x1B8B  }
0x1a: {  	_ =	swait.ge [sflag:s24], $0x1  }
0x1b: {  	[sflag:s24] =	ssyncset.done $0x0  }
0x1c: {  	s26 =	simm.s32 $0x1B8E;
	s25 =	sld [smem:$0x3FFE];
	[sflag:s24] =	ssyncadd.s32 $0xFFFFFFFF  }
0x1d: {  	s27 =	simm.s32 $execute0_lowered;
	[smem:$0x3FD2] =	sst s26  }
0x1e: {  	s5 =	sshll.u32 s27, $0x1;
	_ =	strace $0x80000049;
	[dreg:$0x1] =	wrdreg $0xFFFFFFFF  }
0x1f: {  	s28 =	simm.s32 $_size_execute0_lowered;
	s3 =	sadd.s32 s3, s5;
	[dreg:$0x0] =	wrdreg $0x0  }
0x20: {  	s5 =	sshll.u32 s28, $0x1;
	[dreg:$0x2] =	wrdreg s3  }
0x21: {  	[dreg:$0x3] =	wrdreg s5  }
0x22: {  	[dreg:$0x4] =	wrdreg $0xC0  }
0x23: {  	_ =	task [dreg:s7], $0x5FFFF  }
0x24: {  	[dreg:$0x1] =	wrdreg $0xFFFFFFFF  }
0x25: {  	[dreg:$0x0] =	wrdreg $0x60  }
0x26: {  	[dreg:$0x2] =	wrdreg s25  }
0x27: {  	[dreg:$0x3] =	wrdreg s2  }
0x28: {  	[dreg:$0x4] =	wrdreg $0x9  }
0x29: {  	_ =	task.clear_ibuf [dreg:s7], $0x5FFFF;
	_ =	strace $0x90000049  }
0x2a: {  	s29 =	simm.s32 $0x9;
	_ =	strace $0x8000004B  }
0x2b: {  	_ =	swait.ge [sflag:s29], $0x1  }
0x2c: {  	[sflag:s29] =	ssyncadd.s32 $0xFFFFFFFF  }
0x2d: {  	_ =	strace $0x9000004B  }
0x2e: {  	_ =	sfence  }
0x2f: {  	s30 =	sld [smem:$0x0];
	_ =	sdelay $0x2  }
0x30: {  	s31 =	sshll.u32 s1, $0xD;
	s1 =	sshrl.u32 s1, $0x2  }
0x31: {  	s3 =	sand.u32 $0x4000, s31;
	s1 =	sadd.s32 s1, s30  }
0x32: {  	s0 =	sor.u32 s3, s0;
	s1 =	sshll.u32 s1, $0x11  }
0x33: {  	s0 =	sor.u32 s1, s0  }
0x34: {  	s0 =	sadd.s32 $0x8F2B, s0  }
0x35: {  	[sflag:s0] =	ssyncadd.remote.s32 $0x1  }
0x36: {  	_ =	sfence.sel $0xFFFF  }
0x37: {  	[dreg:$0x0] =	wrdreg $0xFFFFFFFF;
	(pc) =	sbr.abs _section_cstart, $3  }
0x38: {  	[dreg:$0x1] =	wrdreg $0xFFFFFFFF  }
0x39: {  	_ =	task.clear_ibuf [dreg:s7], $0x2FFFF;
	_ =	strace $0x9FFFFFFF  }
0x3a: {  	(tm) =	ssettm $0x7FFFFFFF  }
0x3b: {  	_ =	shalt  }
tec
execute0_lowered:
.L_overlay_start_1:
0x0: {  	(tag) =	ssettag $0x1  }
0x1: {  	s0 =	srdreg.scid  }
0x2: {  	s1 =	sshll.u32 s0, $0x4  }
0x3: {  	s0 =	stileid.u32;
	s1 =	sand.u32 $0x10, s1  }
0x4: {  	s1 =	sor.u32 s0, s1  }
0x5: {  	s6 =	rddreg [dreg:$0x0];
	s4 =	simm.s32 $0x1;
	s2 =	sshll.u32 s1, $0x7  }
0x6: {  	s7 =	simm.s32 $0x2;
	s12 =	simm.s32 $0x0;
	s1 =	ssub.s32 $0x1000, s2  }
0x7: {  	s8 =	simm.s32 $0x8000;
	s13 =	simm.s32 $0x0;
	s3 =	sand.u32 $0xF80, s1  }
0x8: {  	s9 =	simm.s32 $0x0;
	s5 =	sshrl.u32 s1, $0xC;
	p0 =	sne.s32 s3, $0x0  }
.Ltmp0:
0x9: {  	s1 =	rddreg [dreg:$0x2];
	s4 =	simm.s32 @!p0 $0x0;
	(pc) =	sbr.rel .LBB1_1-.Ltmp0, $4  }
0xa: {  	s11 =	simm.s32 $0x0;
	s3 =	rddreg [dreg:$0x1];
	s5 =	sadd.s32 s4, s5  }
0xb: {  	_ =	strace $0x8000004A;
	s4 =	simm.s32 $0x1;
	s5 =	smul.u32 $0xC8, s5  }
0xc: {  	s6 =	sadd.s32 $0xA00, s6;
	s10 =	smov.u32 s2;
	[sflag:s4] =	ssyncpa.u1 $0x0  }
0xd: {  	p0 =	por $0x0, $0x0;
	[sflag:s7] =	ssyncpa.u1 $0x0;
	s7 =	sor.u32 $0x1, s5  }
.LBB1_4:
0xe: {  	s16 =	sshll.u32 s13, $0x3;
	s17 =	sand.u32 $0x78, s13  }
0xf: {  	s30 =	sand.u32 $0x7E00, s13;
	s12 =	sshll.u32 s12, $0xF;
	s16 =	sand.u32 $0xC00, s16  }
0x10: {  	[tilespmem:s15+$0x810 ss:$0x81] =	vst.msk $0xffff, v2;
	s31 =	sand.u32 $0x7, s13;
	s16 =	sor.u32 s17, s16;
	s17 =	sadd.s32 s3, s30  }
0x11: {  	[tilespmem:s15+$0x1020 ss:$0x81] =	vst.msk $0xffff, v0;
	s13 =	sshll.u32 s31, $0x12;
	s12 =	sadd.s32 s12, s17;
	s16 =	sshrl.u32 s16, $0x3  }
0x12: {  	[tilespmem:s15+$0x0 ss:$0x81] =	vst.msk $0xffff, v1;
	s13 =	sor.u32 $0x400, s13;
	s12 =	sadd.s32 s16, s12  }
0x13: {  	[hbm4b:s12+s13] =	stream.strided.scatter [tilespmem:s14], [sflag:$0x2], $0x2000, s8, s13, $0x20;
	[tilespmem:$0x8080] =	vst v63  }
.LBB1_5:
0x14: {  	s14 =	sadd.s32 $0x1, s9  }
0x15: {  	s12 =	sadd.s32 $0x1000, s10;
	s16 =	smov.u32 s10;
	p2 =	sgt.s32 s14, $0xC7  }
0x16: {  	s16 =	smov.u32 @p2 s12  }
0x17: {  	s14 =	simm.s32 @p2 $0x0;
	p2 =	sgt.s32 s16, $0xFFF  }
0x18: {  	s16 =	smov.u32 @p2 s2;
	p2 =	sne.s32 s11, s7  }
.Ltmp1:
0x19: {  	p1 =	slt.u32 s11, $0x2;
	(pc) =	sbr.rel @!p2 .LBB1_6-.Ltmp1, $4  }
0x1a: {  	s15 =	simm.s32 @!p1 $0x2  }
0x1b: {  	s13 =	smov.u32 s10;
	p0 =	por !p0, !p0;
	_ =	swait.ge @!p1 [sflag:s15], $0x2000  }
0x1c: {  	s12 =	smov.u32 s9;
	[sflag:s15] =	ssyncset.done @!p1 $0x0;
	s9 =	smov.u32 s14  }
0x1d: {  	s11 =	sadd.s32 $0x1, s11;
	[sflag:s15] =	ssyncadd.s32 @!p1 $0xFFFFE000;
	s10 =	smov.u32 s16  }
.LBB1_1:
0x1e: {  	p1 =	sge.u32 s11, s5  }
0x1f: {  	s14 =	sand.u32 @!p1 $0x1FFFFFF, s9  }
0x20: {  	s15 =	smulhi.u32 @!p1 $0x147AE15, s14;
	_ =	sdelay $0x1  }
0x21: {  	s15 =	smul.u32 @!p1 $0xC8, s15  }
0x22: {  	s16 =	sxor.u32 @!p1 $0xFFFFFFFF, s11;
	s17 =	smul.u32 @!p1 $0xC80, s10  }
0x23: {  	s31 =	sadd.s32 $0xFFFFFFFF, s11;
	s16 =	sshll.u32 @!p1 s16, $0xD;
	s14 =	ssub.s32 @!p1 s14, s15  }
0x24: {  	s15 =	sand.u32 @!p1 $0x2000, s16;
	s16 =	sadd.s32 @!p1 s6, s17;
	s14 =	sshll.u32 @!p1 s14, $0x4  }
0x25: {  	s17 =	simm.s32 @!p1 $0x6400;
	s14 =	sadd.s32 @!p1 s14, s16;
	s16 =	simm.s32 @!p1 $0x40  }
0x26: {  	[tilespmem:s15], [sflag:$0x1] =	stream.strided.gather @!p1 [hbm4b:s14+s16], $0x2000, s17, s16, $0x38;
	[tilespmem:$0x8080] =	vst v63  }
0x27: {  	p1 =	sge.u32 s31, s5  }
.Ltmp2:
0x28: {  	_ = 	snop;
	(pc) =	sbr.rel @p1 .LBB1_5-.Ltmp2, $1  }
0x29: {  	_ =	sdelay $0x3  }
0x2a: {  	s14 =	simm.s32 $0x1  }
0x2b: {  	_ =	swait.ge [sflag:s4], $0x2000;
	s14 =	simm.s32 @!p0 $0x0  }
0x2c: {  	[sflag:s4] =	ssyncset.done $0x0;
	s15 =	sshll.u32 s14, $0xD  }
0x2d: {  	[sflag:s4] =	ssyncadd.s32 $0xFFFFE000;
	s18 =	sor.u32 $0x20, s15  }
0x2e: {  	s14 =	smul.u32 $0x8100, s14;
	v3 =	vld [tilespmem:s18+$0x10]  }
0x2f: {  	s30 =	sand.u32 $0x1, s11;
	v2 =	vld [tilespmem:s18+$0xFFFFFFF0]  }
0x30: {  	s15 =	smul.u32 $0x8100, s30;
	s14 =	sshrl.u32 s14, $0x2;
	v0 =	vld [tilespmem:s18+$0x0]  }
0x31: {  	v1 =	vld [tilespmem:s18+$0xFFFFFFE0];
	s16 =	sor.u32 $0x4000, s14  }
0x32: {  	s31 =	sshrl.u32 s15, $0x2;
	s15 =	sadd.s32 $0x0, s16  }
0x33: {  	s17 =	simm.s32 $0x4;
	s18 =	sadd.s32 $0x40, s18;
	s14 =	sor.u32 $0x4000, s31;
	[tilespmem:s15+$0x1830 ss:$0x81] =	vst.msk $0xffff, v3  }
.LBB1_3:
0x34: {  	v3 =	vld [tilespmem:s18+$0x10];
	p1 =	sne.s32 s17, $0x1FC;
	[tilespmem:s15+$0x810 ss:$0x81] =	vst.msk $0xffff, v2;
	s19 =	smov.u32 s17;
	s17 =	sadd.s32 $0x4, s17  }
.Ltmp3:
0x35: {  	v2 =	vld [tilespmem:s18+$0xFFFFFFF0];
	[tilespmem:s15+$0x1020 ss:$0x81] =	vst.msk $0xffff, v0;
	(pc) =	sbr.rel @p1 .LBB1_3-.Ltmp3, $4  }
0x36: {  	v0 =	vld [tilespmem:s18+$0x0];
	[tilespmem:s15+$0x0 ss:$0x81] =	vst.msk $0xffff, v1  }
0x37: {  	s15 =	sshra.s32 s19, $0x2;
	v1 =	vld [tilespmem:s18+$0xFFFFFFE0]  }
0x38: {  	s15 =	sadd.s32 s15, s16  }
0x39: {  	s18 =	sadd.s32 $0x40, s18;
	[tilespmem:s15+$0x1830 ss:$0x81] =	vst.msk $0xffff, v3  }
.Ltmp4:
0x3a: {  	_ = 	snop;
	(pc) =	sbr.rel .LBB1_4-.Ltmp4, $1  }
0x3b: {  	_ =	sdelay $0x3  }
.LBB1_6:
0x3c: {  	_ =	sfence.sel $0x180000  }
0x3d: {  	s2 =	simm.s32 $0x1;
	[bflag:$0x0] =	sbarrier.arrive $0xFFFF  }
0x3e: {  	s31 =	simm.s32 $0x2;
	[sflag:s2] =	ssyncpa.u1 $0x1  }
0x3f: {  	[sflag:s31] =	ssyncpa.u1 $0x1  }
0x40: {  	p0 =	sne.s32 s0, $0x0;
	_ =	strace $0x9000004A  }
0x41: {  	s0 =	sadd.s32 @!p0 $0x100000, s1;
	[bflag:$0x2] =	sbarrier.arrive $0xFFFF  }
0x42: {  	[sflag:s0] =	ssyncadd.tile.s32 @!p0 $0x1;
	_ =	shalt  }
.Lfunc_end1:
_tile_overlayer_lowered:
.L_overlay_start_2:
0x43: {  	(tag) =	ssettag $0x2  }
0x44: {  	s0 =	rddreg [dreg:$0x0];
	s2 =	stileid.u32  }
0x45: {  	s1 =	rddreg [dreg:$0x1];
	p0 =	sne.s32 s2, $0x0  }
0x46: {  	s3 =	rddreg [dreg:$0x2];
	[bflag:$0x3] =	sbarrier.arrive $0xFFFF;
	s2 =	simm.s32 @!p0 $0x1C01  }
0x47: {  	[timem:s3], [sflag:s2] =	dma.local @!p0 [hbm:s0], s1  }
0x48: {  	s0 =	simm.s32 @!p0 $0x1  }
0x49: {  	_ =	swait.ge @!p0 [sflag:s0], s1  }
0x4a: {  	s1 =	ssub.s32 @!p0 $0x0, s1;
	[sflag:s0] =	ssyncset.done @!p0 $0x0  }
0x4b: {  	[sflag:s0] =	ssyncadd.s32 @!p0 s1  }
0x4c: {  	[bflag:$0x3] =	sbarrier.arrive $0xFFFF  }
0x4d: {  	_ =	shalt  }

</sc_bundles>
